<compile_context>
chip_gen: v7x
topology: tpu7x:2x2x1
jax: 0.10.2.dev20260603
libtpu: 0.0.44.dev20260713+nightly
codegen_flags: <defaults>
</compile_context>

<pallas_src>
import functools

import jax
import jax.numpy as jnp
from jax import lax
from jax.experimental import pallas as pl
from jax.experimental.pallas import tpu as pltpu
from jax.experimental.pallas import tpu_sc as plsc

NC = 2
NS = 16
NW = NC * NS
CHUNK_CAP = 40


def _pick_chunk(ept, cap=CHUNK_CAP):
    for ch in range(cap, 7, -8):
        if ept % ch == 0:
            return ch
    raise ValueError(f"no valid edge chunk for {ept} edges per tile")


def _rows_per_tile(n):
    rpt = -(-n // NS)
    return -(-rpt // 128) * 128


def _make_agg(n, dh, e, n_out):
    d = 2 * dh
    ept = e // NS
    ch = _pick_chunk(ept)
    nch = ept // ch
    nbuf = 1
    for cand in range(5, 1, -1):
        if nch % (2 * cand) == 0:
            nbuf = cand
            break
    nit2 = nch // (2 * nbuf)
    rpt = _rows_per_tile(n)
    n_pad = NS * rpt
    zrows = 128
    nz = rpt // zrows

    mesh = plsc.VectorSubcoreMesh(core_axis_name="c", subcore_axis_name="s")

    @functools.partial(
        pl.kernel,
        mesh=mesh,
        compiler_params=pltpu.CompilerParams(use_tc_tiling_on_sc=False),
        out_type=jax.ShapeDtypeStruct((n_out, d), jnp.float32),
        scratch_types=[
            pltpu.VMEM((nch, ch), jnp.int32),
            pltpu.VMEM((nch, ch), jnp.int32),
            pltpu.VMEM((2 * nbuf, ch, dh), jnp.float32),
            pltpu.VMEM((zrows, dh), jnp.float32),
            pltpu.VMEM((dh,), jnp.float32),
            pltpu.VMEM_SHARED((n_pad, dh), jnp.float32),
            pltpu.SemaphoreType.DMA,
            pltpu.SemaphoreType.DMA,
            pltpu.SemaphoreType.DMA,
            pltpu.SemaphoreType.DMA,
        ],
    )
    def agg(t_hbm, src_hbm, dst_hbm, bias_hbm, out_hbm, src_v, dst_v, rows_v,
            zbuf_v, bias_v, acc_sh, gsem_a, gsem_b, ssem_a, ssem_b):
        cid = lax.axis_index("c")
        sid = lax.axis_index("s")

        pltpu.sync_copy(src_hbm.at[sid], src_v)
        pltpu.sync_copy(dst_hbm.at[sid], dst_v)
        pltpu.sync_copy(bias_hbm.at[cid], bias_v)

        per_row = dh // 16

        def bstore(i, carry):
            j = i % per_row
            zbuf_v[i // per_row, pl.ds(j * 16, 16)] = bias_v[pl.ds(j * 16, 16)]
            return carry

        lax.fori_loop(0, zrows * per_row, bstore, 0)
        base = sid * rpt
        for r in range(nz):
            pltpu.sync_copy(zbuf_v, acc_sh.at[pl.ds(base + r * zrows, zrows)])
        plsc.subcore_barrier()

        half = t_hbm.at[cid]

        def _loop(fn):
            def body(k, carry):
                fn(k)
                return carry
            lax.fori_loop(0, nbuf, body, 0)

        def g_start(batch, s, sem):
            _loop(lambda k: pltpu.async_copy(
                half.at[src_v.at[batch * nbuf + k]],
                rows_v.at[s * nbuf + k], sem))

        def gs_pipe(batch, s, gsem, ssem):
            def one(k):
                pltpu.make_async_copy(
                    half.at[src_v.at[batch * nbuf + k]],
                    rows_v.at[s * nbuf + k], gsem).wait()
                pltpu.async_copy(rows_v.at[s * nbuf + k],
                                 acc_sh.at[dst_v.at[batch * nbuf + k]],
                                 ssem, add=True)
            _loop(one)

        def s_wait(batch, s, sem):
            _loop(lambda k: pltpu.make_async_copy(
                rows_v.at[s * nbuf + k],
                acc_sh.at[dst_v.at[batch * nbuf + k]], sem).wait())

        g_start(0, 0, gsem_a)

        def body(i, carry):
            a = 2 * i
            b = 2 * i + 1

            @pl.when(i > 0)
            def _():
                s_wait(a - 1, 1, ssem_b)

            g_start(b, 1, gsem_b)
            gs_pipe(a, 0, gsem_a, ssem_a)
            s_wait(a, 0, ssem_a)

            @pl.when(i + 1 < nit2)
            def _():
                g_start(a + 2, 0, gsem_a)

            gs_pipe(b, 1, gsem_b, ssem_b)
            return carry

        lax.fori_loop(0, nit2, body, 0)
        s_wait(2 * nit2 - 1, 1, ssem_b)
        plsc.subcore_barrier()

        col = pl.ds(cid * dh, dh)
        for r in range(nz):
            start = base + r * zrows

            @pl.when(start + zrows <= n_out)
            def _():
                pltpu.sync_copy(acc_sh.at[pl.ds(start, zrows)],
                                out_hbm.at[pl.ds(start, zrows), col])

            tail = n_out % zrows
            if tail:
                @pl.when((start < n_out) & (start + zrows > n_out))
                def _():
                    pltpu.sync_copy(acc_sh.at[pl.ds(start, tail)],
                                    out_hbm.at[pl.ds(start, tail), col])

    return agg


def _mm_body(x_ref, w_ref, o_ref):
    r = jnp.dot(x_ref[...], w_ref[...], preferred_element_type=jnp.float32)
    dh = o_ref.shape[2]
    o_ref[0] = r[:, :dh]
    o_ref[1] = r[:, dh:]


def _matmul_split(x, w, blk):
    n, d = x.shape
    dout = w.shape[1]
    dh = dout // 2
    return pl.pallas_call(
        _mm_body,
        grid=(n // blk,),
        in_specs=[
            pl.BlockSpec((blk, d), lambda i: (i, 0)),
            pl.BlockSpec((d, dout), lambda i: (0, 0)),
        ],
        out_specs=pl.BlockSpec((2, blk, dh), lambda i: (0, i, 0)),
        out_shape=jax.ShapeDtypeStruct((2, n, dh), jnp.float32),
    )(x, w)


def _fused_body(p_ref, w_ref, o_ref):
    h = jnp.maximum(p_ref[...], 0.0)
    r = jnp.dot(h, w_ref[...], preferred_element_type=jnp.float32)
    dh = o_ref.shape[2]
    o_ref[0] = r[:, :dh]
    o_ref[1] = r[:, dh:]


def _fused_relu_mm_split(p, w, n, blk):
    _, d = p.shape
    dout = w.shape[1]
    return pl.pallas_call(
        _fused_body,
        grid=(n // blk,),
        in_specs=[
            pl.BlockSpec((blk, d), lambda i: (i, 0)),
            pl.BlockSpec((d, dout), lambda i: (0, 0)),
        ],
        out_specs=pl.BlockSpec((2, blk, dout // 2), lambda i: (0, i, 0)),
        out_shape=jax.ShapeDtypeStruct((2, n, dout // 2), jnp.float32),
    )(p, w)


def kernel(features, edge_index, W1, b1, W2, b2):
    n, d = features.shape
    e = edge_index.shape[1]
    ept = e // NS
    ch = _pick_chunk(ept)
    nch = ept // ch

    src = edge_index[0].reshape(NS, nch, ch)
    dst = edge_index[1].reshape(NS, nch, ch)
    dh = d // 2
    n_pad = NS * _rows_per_tile(n)
    agg1 = _make_agg(n, dh, e, n_pad)
    agg2 = _make_agg(n, dh, e, n)

    blk = n if n % 8 == 0 and n * d * 4 <= 8_000_000 else 2000
    b1s = b1.reshape(NC, dh)
    b2s = b2.reshape(NC, dh)
    t1 = _matmul_split(features, W1, blk)
    p = agg1(t1, src, dst, b1s)
    t2 = _fused_relu_mm_split(p, W2, n, blk)
    return agg2(t2, src, dst, b2s)

# --- scband reference (transcript-rebuilt; emitter-appended) ---
"""Pipeline reference for scband-gcnneighb-34402688041452 (READ-ONLY COPY).

The authoritative reference and input builder live on the scoring server;
editing this copy changes nothing except your own understanding.
"""

import jax, jax.numpy as jnp
import numpy as np

N = 10000
E = 320000
D_IN = 128
D_H = 128


def setup_inputs(seed: int = 0) -> dict:
    key = jax.random.key(seed)
    k1, k2, k3, k4, k5, k6 = jax.random.split(key, 6)
    features = jax.random.normal(k1, (N, D_IN), dtype=jnp.float32)
    edge_index = jax.random.randint(k2, (2, E), 0, N, dtype=jnp.int32)
    s1 = 1.0 / np.sqrt(D_IN)
    s2 = 1.0 / np.sqrt(D_H)
    W1 = jax.random.uniform(k3, (D_IN, D_H), dtype=jnp.float32, minval=-s1, maxval=s1)
    b1 = jax.random.uniform(k4, (D_H,), dtype=jnp.float32, minval=-s1, maxval=s1)
    W2 = jax.random.uniform(k5, (D_H, D_H), dtype=jnp.float32, minval=-s2, maxval=s2)
    b2 = jax.random.uniform(k6, (D_H,), dtype=jnp.float32, minval=-s2, maxval=s2)
    return {"features": features, "edge_index": edge_index, "W1": W1, "b1": b1, "W2": W2, "b2": b2}


def _gcn_layer(x, src, dst, W, b):
    # DGL tutorial GCNLayer: update_all(copy_u, sum) then Linear
    msgs = jnp.take(x, src, axis=0)
    agg = jax.ops.segment_sum(msgs, dst, num_segments=N)
    return agg @ W + b


def reference(features, edge_index, W1, b1, W2, b2):
    src = edge_index[0]
    dst = edge_index[1]
    h = jax.nn.relu(_gcn_layer(features, src, dst, W1, b1))
    h = _gcn_layer(h, src, dst, W2, b2)
    return h

if __name__ == "__main__":
    import jax
    _d = setup_inputs()
    print(jax.jit(kernel)(*tuple(_d.values())))

</pallas_src>

<mosaic_0001>
#map = affine_map<(d0, d1) -> (0, 0, 0)>
#map1 = affine_map<(d0, d1) -> (0, 0)>
module attributes {stable_mosaic.version = 14 : i64} {
  func.func @agg(%arg0: i32, %arg1: i32, %arg2: memref<2x10000x64xf32, #tpu.memory_space<hbm>>, %arg3: memref<16x500x40xi32, #tpu.memory_space<hbm>>, %arg4: memref<16x500x40xi32, #tpu.memory_space<hbm>>, %arg5: memref<2x64xf32, #tpu.memory_space<hbm>>, %arg6: memref<10240x128xf32, #tpu.memory_space<hbm>>, %arg7: memref<500x40xi32, #tpu.memory_space<vmem>>, %arg8: memref<500x40xi32, #tpu.memory_space<vmem>>, %arg9: memref<10x40x64xf32, #tpu.memory_space<vmem>>, %arg10: memref<128x64xf32, #tpu.memory_space<vmem>>, %arg11: memref<64xf32, #tpu.memory_space<vmem>>, %arg12: memref<10240x64xf32, #tpu.memory_space<vmem_shared>>, %arg13: memref<!tpu.dma_semaphore, #tpu.memory_space<semaphore_mem>>, %arg14: memref<!tpu.dma_semaphore, #tpu.memory_space<semaphore_mem>>, %arg15: memref<!tpu.dma_semaphore, #tpu.memory_space<semaphore_mem>>, %arg16: memref<!tpu.dma_semaphore, #tpu.memory_space<semaphore_mem>>) attributes {dimension_semantics = [#tpu.dimension_semantics<core_parallel>, #tpu.dimension_semantics<subcore_parallel>], iteration_bounds = array<i64: 2, 16>, scalar_prefetch = 0 : i64, scratch_operands = 10 : i64, tpu.core_type = #tpu.core_type<sc_vector_subcore>, window_params = [{transform_indices = #map}, {transform_indices = #map}, {transform_indices = #map}, {transform_indices = #map1}, {transform_indices = #map1}]} {
    "tpu.region"() ({
      %run_scoped3A = tpu.sem_alloc : memref<!tpu.dma_semaphore, #tpu.memory_space<semaphore_mem>>
      %dma_start3A = arith.constant 0 : i32
      %dma_start3A_78 = arith.constant 0 : i32
      %dma_start3A_79 = tpu.memref_slice %arg3[%arg1, %dma_start3A, %dma_start3A_78] : memref<16x500x40xi32, #tpu.memory_space<hbm>> -> memref<1x500x40xi32, #tpu.memory_space<hbm>>
      %dma_start3A_80 = tpu.memref_squeeze %dma_start3A_79 : memref<1x500x40xi32, #tpu.memory_space<hbm>> -> memref<500x40xi32, #tpu.memory_space<hbm>>
      %dma_start3A_81 = arith.constant 0 : i32
      %dma_start3A_82 = arith.constant 0 : i32
      %dma_start3A_83 = tpu.memref_slice %arg3[%arg1, %dma_start3A_81, %dma_start3A_82] : memref<16x500x40xi32, #tpu.memory_space<hbm>> -> memref<1x500x40xi32, #tpu.memory_space<hbm>>
      %dma_start3A_84 = tpu.memref_squeeze %dma_start3A_83 : memref<1x500x40xi32, #tpu.memory_space<hbm>> -> memref<500x40xi32, #tpu.memory_space<hbm>>
      tpu.enqueue_dma source(%dma_start3A_84 : memref<500x40xi32, #tpu.memory_space<hbm>>) target(%arg7 : memref<500x40xi32, #tpu.memory_space<vmem>>) target_semaphore(%run_scoped3A : memref<!tpu.dma_semaphore, #tpu.memory_space<semaphore_mem>>)
      %dma_wait3A = arith.constant 0 : i32
      %dma_wait3A_85 = arith.constant 0 : i32
      %dma_wait3A_86 = tpu.memref_slice %arg3[%arg1, %dma_wait3A, %dma_wait3A_85] : memref<16x500x40xi32, #tpu.memory_space<hbm>> -> memref<1x500x40xi32, #tpu.memory_space<hbm>>
      %dma_wait3A_87 = tpu.memref_squeeze %dma_wait3A_86 : memref<1x500x40xi32, #tpu.memory_space<hbm>> -> memref<500x40xi32, #tpu.memory_space<hbm>>
      %dma_wait3A_88 = arith.constant 0 : i32
      %dma_wait3A_89 = arith.constant 0 : i32
      %dma_wait3A_90 = tpu.memref_slice %arg3[%arg1, %dma_wait3A_88, %dma_wait3A_89] : memref<16x500x40xi32, #tpu.memory_space<hbm>> -> memref<1x500x40xi32, #tpu.memory_space<hbm>>
      %dma_wait3A_91 = tpu.memref_squeeze %dma_wait3A_90 : memref<1x500x40xi32, #tpu.memory_space<hbm>> -> memref<500x40xi32, #tpu.memory_space<hbm>>
      tpu.wait_dma2 semaphore(%run_scoped3A : memref<!tpu.dma_semaphore, #tpu.memory_space<semaphore_mem>>) src(%dma_wait3A_91 : memref<500x40xi32, #tpu.memory_space<hbm>>) dst(%arg7 : memref<500x40xi32, #tpu.memory_space<vmem>>)
      tpu.yield
    }) : () -> ()
    "tpu.region"() ({
      %run_scoped3A = tpu.sem_alloc : memref<!tpu.dma_semaphore, #tpu.memory_space<semaphore_mem>>
      %dma_start3A = arith.constant 0 : i32
      %dma_start3A_78 = arith.constant 0 : i32
      %dma_start3A_79 = tpu.memref_slice %arg4[%arg1, %dma_start3A, %dma_start3A_78] : memref<16x500x40xi32, #tpu.memory_space<hbm>> -> memref<1x500x40xi32, #tpu.memory_space<hbm>>
      %dma_start3A_80 = tpu.memref_squeeze %dma_start3A_79 : memref<1x500x40xi32, #tpu.memory_space<hbm>> -> memref<500x40xi32, #tpu.memory_space<hbm>>
      %dma_start3A_81 = arith.constant 0 : i32
      %dma_start3A_82 = arith.constant 0 : i32
      %dma_start3A_83 = tpu.memref_slice %arg4[%arg1, %dma_start3A_81, %dma_start3A_82] : memref<16x500x40xi32, #tpu.memory_space<hbm>> -> memref<1x500x40xi32, #tpu.memory_space<hbm>>
      %dma_start3A_84 = tpu.memref_squeeze %dma_start3A_83 : memref<1x500x40xi32, #tpu.memory_space<hbm>> -> memref<500x40xi32, #tpu.memory_space<hbm>>
      tpu.enqueue_dma source(%dma_start3A_84 : memref<500x40xi32, #tpu.memory_space<hbm>>) target(%arg8 : memref<500x40xi32, #tpu.memory_space<vmem>>) target_semaphore(%run_scoped3A : memref<!tpu.dma_semaphore, #tpu.memory_space<semaphore_mem>>)
      %dma_wait3A = arith.constant 0 : i32
      %dma_wait3A_85 = arith.constant 0 : i32
      %dma_wait3A_86 = tpu.memref_slice %arg4[%arg1, %dma_wait3A, %dma_wait3A_85] : memref<16x500x40xi32, #tpu.memory_space<hbm>> -> memref<1x500x40xi32, #tpu.memory_space<hbm>>
      %dma_wait3A_87 = tpu.memref_squeeze %dma_wait3A_86 : memref<1x500x40xi32, #tpu.memory_space<hbm>> -> memref<500x40xi32, #tpu.memory_space<hbm>>
      %dma_wait3A_88 = arith.constant 0 : i32
      %dma_wait3A_89 = arith.constant 0 : i32
      %dma_wait3A_90 = tpu.memref_slice %arg4[%arg1, %dma_wait3A_88, %dma_wait3A_89] : memref<16x500x40xi32, #tpu.memory_space<hbm>> -> memref<1x500x40xi32, #tpu.memory_space<hbm>>
      %dma_wait3A_91 = tpu.memref_squeeze %dma_wait3A_90 : memref<1x500x40xi32, #tpu.memory_space<hbm>> -> memref<500x40xi32, #tpu.memory_space<hbm>>
      tpu.wait_dma2 semaphore(%run_scoped3A : memref<!tpu.dma_semaphore, #tpu.memory_space<semaphore_mem>>) src(%dma_wait3A_91 : memref<500x40xi32, #tpu.memory_space<hbm>>) dst(%arg8 : memref<500x40xi32, #tpu.memory_space<vmem>>)
      tpu.yield
    }) : () -> ()
    "tpu.region"() ({
      %run_scoped3A = tpu.sem_alloc : memref<!tpu.dma_semaphore, #tpu.memory_space<semaphore_mem>>
      %dma_start3A = arith.constant 0 : i32
      %dma_start3A_78 = tpu.memref_slice %arg5[%arg0, %dma_start3A] : memref<2x64xf32, #tpu.memory_space<hbm>> -> memref<1x64xf32, #tpu.memory_space<hbm>>
      %dma_start3A_79 = tpu.memref_squeeze %dma_start3A_78 : memref<1x64xf32, #tpu.memory_space<hbm>> -> memref<64xf32, #tpu.memory_space<hbm>>
      %dma_start3A_80 = arith.constant 0 : i32
      %dma_start3A_81 = tpu.memref_slice %arg5[%arg0, %dma_start3A_80] : memref<2x64xf32, #tpu.memory_space<hbm>> -> memref<1x64xf32, #tpu.memory_space<hbm>>
      %dma_start3A_82 = tpu.memref_squeeze %dma_start3A_81 : memref<1x64xf32, #tpu.memory_space<hbm>> -> memref<64xf32, #tpu.memory_space<hbm>>
      tpu.enqueue_dma source(%dma_start3A_82 : memref<64xf32, #tpu.memory_space<hbm>>) target(%arg11 : memref<64xf32, #tpu.memory_space<vmem>>) target_semaphore(%run_scoped3A : memref<!tpu.dma_semaphore, #tpu.memory_space<semaphore_mem>>)
      %dma_wait3A = arith.constant 0 : i32
      %dma_wait3A_83 = tpu.memref_slice %arg5[%arg0, %dma_wait3A] : memref<2x64xf32, #tpu.memory_space<hbm>> -> memref<1x64xf32, #tpu.memory_space<hbm>>
      %dma_wait3A_84 = tpu.memref_squeeze %dma_wait3A_83 : memref<1x64xf32, #tpu.memory_space<hbm>> -> memref<64xf32, #tpu.memory_space<hbm>>
      %dma_wait3A_85 = arith.constant 0 : i32
      %dma_wait3A_86 = tpu.memref_slice %arg5[%arg0, %dma_wait3A_85] : memref<2x64xf32, #tpu.memory_space<hbm>> -> memref<1x64xf32, #tpu.memory_space<hbm>>
      %dma_wait3A_87 = tpu.memref_squeeze %dma_wait3A_86 : memref<1x64xf32, #tpu.memory_space<hbm>> -> memref<64xf32, #tpu.memory_space<hbm>>
      tpu.wait_dma2 semaphore(%run_scoped3A : memref<!tpu.dma_semaphore, #tpu.memory_space<semaphore_mem>>) src(%dma_wait3A_87 : memref<64xf32, #tpu.memory_space<hbm>>) dst(%arg11 : memref<64xf32, #tpu.memory_space<vmem>>)
      tpu.yield
    }) : () -> ()
    %scan3A = arith.constant 0 : i32
    %scan3A_0 = arith.constant 0 : i32
    %scan3A_1 = arith.constant 512 : i32
    %scan3A_2 = arith.addi %scan3A_0, %scan3A_1 : i32
    %scan3A_3 = arith.constant 1 : i32
    scf.for %scan3A_78 = %scan3A_0 to %scan3A_2 step %scan3A_3  : i32 {
      %jit3A = arith.constant 4 : i32
      %eq3A = arith.constant 0 : i32
      %eq3A_79 = arith.cmpi eq, %jit3A, %eq3A : i32
      %jit3A_80 = arith.constant 1 : i32
      %select_n3A = arith.select %eq3A_79, %jit3A_80, %jit3A : i32
      %rem3A = arith.remsi %scan3A_78, %select_n3A : i32
      %ne3A = arith.constant 0 : i32
      %ne3A_81 = arith.cmpi ne, %rem3A, %ne3A : i32
      %lt3A = arith.constant 0 : i32
      %lt3A_82 = arith.cmpi slt, %rem3A, %lt3A : i32
      %lt3A_83 = arith.constant 0 : i32
      %lt3A_84 = arith.cmpi slt, %select_n3A, %lt3A_83 : i32
      %ne3A_85 = arith.xori %lt3A_82, %lt3A_84 : i1
      %and3A = arith.andi %ne3A_85, %ne3A_81 : i1
      %add3A_86 = arith.addi %rem3A, %select_n3A : i32
      %select_n3A_87 = arith.select %and3A, %add3A_86, %rem3A : i32
      %mul3A_88 = arith.constant 16 : i32
      %mul3A_89 = arith.muli %select_n3A_87, %mul3A_88 : i32
      %get3A = arith.index_cast %mul3A_89 : i32 to index
      %get3A_90 = tpu.vector_load %arg11[%get3A] {strides = array<i32>} : memref<64xf32, #tpu.memory_space<vmem>>, vector<16xf32>,
      %get3A_91 = vector.shape_cast %get3A_90 : vector<16xf32> to vector<16xf32>
      %jit3A_92 = arith.constant 4 : i32
      %div3A = arith.divsi %scan3A_78, %jit3A_92 : i32
      %sign3A = arith.constant 0 : i32
      %sign3A_93 = arith.cmpi sgt, %scan3A_78, %sign3A : i32
      %sign3A_94 = arith.extui %sign3A_93 : i1 to i32
      %sign3A_95 = arith.constant 0 : i32
      %sign3A_96 = arith.cmpi slt, %scan3A_78, %sign3A_95 : i32
      %sign3A_97 = arith.extui %sign3A_96 : i1 to i32
      %sign3A_98 = arith.subi %sign3A_94, %sign3A_97 : i32
      %sign3A_99 = arith.constant 0 : i32
      %sign3A_100 = arith.cmpi sgt, %jit3A_92, %sign3A_99 : i32
      %sign3A_101 = arith.extui %sign3A_100 : i1 to i32
      %sign3A_102 = arith.constant 0 : i32
      %sign3A_103 = arith.cmpi slt, %jit3A_92, %sign3A_102 : i32
      %sign3A_104 = arith.extui %sign3A_103 : i1 to i32
      %sign3A_105 = arith.subi %sign3A_101, %sign3A_104 : i32
      %ne3A_106 = arith.cmpi ne, %sign3A_98, %sign3A_105 : i32
      %rem3A_107 = arith.remsi %scan3A_78, %jit3A_92 : i32
      %ne3A_108 = arith.constant 0 : i32
      %ne3A_109 = arith.cmpi ne, %rem3A_107, %ne3A_108 : i32
      %and3A_110 = arith.andi %ne3A_106, %ne3A_109 : i1
      %sub3A = arith.constant 1 : i32
      %sub3A_111 = arith.subi %div3A, %sub3A : i32
      %select_n3A_112 = arith.select %and3A_110, %sub3A_111, %div3A : i32
      %mul3A_113 = arith.constant 16 : i32
      %mul3A_114 = arith.muli %select_n3A_87, %mul3A_113 : i32
      %swap3A = arith.index_cast %select_n3A_112 : i32 to index
      %swap3A_115 = arith.index_cast %mul3A_114 : i32 to index
      %swap3A_116 = tpu.vector_load %arg10[%swap3A, %swap3A_115] {strides = array<i32>} : memref<128x64xf32, #tpu.memory_space<vmem>>, vector<1x16xf32>,
      %swap3A_117 = vector.shape_cast %swap3A_116 : vector<1x16xf32> to vector<16xf32>
      %swap3A_118 = vector.shape_cast %get3A_91 : vector<16xf32> to vector<1x16xf32>
      tpu.vector_store %arg10[%swap3A, %swap3A_115], %swap3A_118 {strides = array<i32>} : memref<128x64xf32, #tpu.memory_space<vmem>>, vector<1x16xf32>,
    }
    %scan3A_4 = arith.constant 512 : i32
    %mul3A = arith.constant 640 : i32
    %mul3A_5 = arith.muli %arg1, %mul3A : i32
    %add3A = arith.constant 0 : i32
    %add3A_6 = arith.addi %mul3A_5, %add3A : i32
    "tpu.region"() ({
      %run_scoped3A = tpu.sem_alloc : memref<!tpu.dma_semaphore, #tpu.memory_space<semaphore_mem>>
      %dma_start3A = arith.constant 0 : i32
      %dma_start3A_78 = tpu.memref_slice %arg12[%add3A_6, %dma_start3A] : memref<10240x64xf32, #tpu.memory_space<vmem_shared>> -> memref<128x64xf32, #tpu.memory_space<vmem_shared>>
      %dma_start3A_79 = arith.constant 0 : i32
      %dma_start3A_80 = tpu.memref_slice %arg12[%add3A_6, %dma_start3A_79] : memref<10240x64xf32, #tpu.memory_space<vmem_shared>> -> memref<128x64xf32, #tpu.memory_space<vmem_shared>>
      tpu.enqueue_dma source(%arg10 : memref<128x64xf32, #tpu.memory_space<vmem>>) target(%dma_start3A_80 : memref<128x64xf32, #tpu.memory_space<vmem_shared>>) target_semaphore(%run_scoped3A : memref<!tpu.dma_semaphore, #tpu.memory_space<semaphore_mem>>)
      %dma_wait3A = arith.constant 0 : i32
      %dma_wait3A_81 = tpu.memref_slice %arg12[%add3A_6, %dma_wait3A] : memref<10240x64xf32, #tpu.memory_space<vmem_shared>> -> memref<128x64xf32, #tpu.memory_space<vmem_shared>>
      %dma_wait3A_82 = arith.constant 0 : i32
      %dma_wait3A_83 = tpu.memref_slice %arg12[%add3A_6, %dma_wait3A_82] : memref<10240x64xf32, #tpu.memory_space<vmem_shared>> -> memref<128x64xf32, #tpu.memory_space<vmem_shared>>
      tpu.wait_dma2 semaphore(%run_scoped3A : memref<!tpu.dma_semaphore, #tpu.memory_space<semaphore_mem>>) src(%arg10 : memref<128x64xf32, #tpu.memory_space<vmem>>) dst(%dma_wait3A_83 : memref<128x64xf32, #tpu.memory_space<vmem_shared>>)
      tpu.yield
    }) : () -> ()
    %add3A_7 = arith.constant 128 : i32
    %add3A_8 = arith.addi %mul3A_5, %add3A_7 : i32
    "tpu.region"() ({
      %run_scoped3A = tpu.sem_alloc : memref<!tpu.dma_semaphore, #tpu.memory_space<semaphore_mem>>
      %dma_start3A = arith.constant 0 : i32
      %dma_start3A_78 = tpu.memref_slice %arg12[%add3A_8, %dma_start3A] : memref<10240x64xf32, #tpu.memory_space<vmem_shared>> -> memref<128x64xf32, #tpu.memory_space<vmem_shared>>
      %dma_start3A_79 = arith.constant 0 : i32
      %dma_start3A_80 = tpu.memref_slice %arg12[%add3A_8, %dma_start3A_79] : memref<10240x64xf32, #tpu.memory_space<vmem_shared>> -> memref<128x64xf32, #tpu.memory_space<vmem_shared>>
      tpu.enqueue_dma source(%arg10 : memref<128x64xf32, #tpu.memory_space<vmem>>) target(%dma_start3A_80 : memref<128x64xf32, #tpu.memory_space<vmem_shared>>) target_semaphore(%run_scoped3A : memref<!tpu.dma_semaphore, #tpu.memory_space<semaphore_mem>>)
      %dma_wait3A = arith.constant 0 : i32
      %dma_wait3A_81 = tpu.memref_slice %arg12[%add3A_8, %dma_wait3A] : memref<10240x64xf32, #tpu.memory_space<vmem_shared>> -> memref<128x64xf32, #tpu.memory_space<vmem_shared>>
      %dma_wait3A_82 = arith.constant 0 : i32
      %dma_wait3A_83 = tpu.memref_slice %arg12[%add3A_8, %dma_wait3A_82] : memref<10240x64xf32, #tpu.memory_space<vmem_shared>> -> memref<128x64xf32, #tpu.memory_space<vmem_shared>>
      tpu.wait_dma2 semaphore(%run_scoped3A : memref<!tpu.dma_semaphore, #tpu.memory_space<semaphore_mem>>) src(%arg10 : memref<128x64xf32, #tpu.memory_space<vmem>>) dst(%dma_wait3A_83 : memref<128x64xf32, #tpu.memory_space<vmem_shared>>)
      tpu.yield
    }) : () -> ()
    %add3A_9 = arith.constant 256 : i32
    %add3A_10 = arith.addi %mul3A_5, %add3A_9 : i32
    "tpu.region"() ({
      %run_scoped3A = tpu.sem_alloc : memref<!tpu.dma_semaphore, #tpu.memory_space<semaphore_mem>>
      %dma_start3A = arith.constant 0 : i32
      %dma_start3A_78 = tpu.memref_slice %arg12[%add3A_10, %dma_start3A] : memref<10240x64xf32, #tpu.memory_space<vmem_shared>> -> memref<128x64xf32, #tpu.memory_space<vmem_shared>>
      %dma_start3A_79 = arith.constant 0 : i32
      %dma_start3A_80 = tpu.memref_slice %arg12[%add3A_10, %dma_start3A_79] : memref<10240x64xf32, #tpu.memory_space<vmem_shared>> -> memref<128x64xf32, #tpu.memory_space<vmem_shared>>
      tpu.enqueue_dma source(%arg10 : memref<128x64xf32, #tpu.memory_space<vmem>>) target(%dma_start3A_80 : memref<128x64xf32, #tpu.memory_space<vmem_shared>>) target_semaphore(%run_scoped3A : memref<!tpu.dma_semaphore, #tpu.memory_space<semaphore_mem>>)
      %dma_wait3A = arith.constant 0 : i32
      %dma_wait3A_81 = tpu.memref_slice %arg12[%add3A_10, %dma_wait3A] : memref<10240x64xf32, #tpu.memory_space<vmem_shared>> -> memref<128x64xf32, #tpu.memory_space<vmem_shared>>
      %dma_wait3A_82 = arith.constant 0 : i32
      %dma_wait3A_83 = tpu.memref_slice %arg12[%add3A_10, %dma_wait3A_82] : memref<10240x64xf32, #tpu.memory_space<vmem_shared>> -> memref<128x64xf32, #tpu.memory_space<vmem_shared>>
      tpu.wait_dma2 semaphore(%run_scoped3A : memref<!tpu.dma_semaphore, #tpu.memory_space<semaphore_mem>>) src(%arg10 : memref<128x64xf32, #tpu.memory_space<vmem>>) dst(%dma_wait3A_83 : memref<128x64xf32, #tpu.memory_space<vmem_shared>>)
      tpu.yield
    }) : () -> ()
    %add3A_11 = arith.constant 384 : i32
    %add3A_12 = arith.addi %mul3A_5, %add3A_11 : i32
    "tpu.region"() ({
      %run_scoped3A = tpu.sem_alloc : memref<!tpu.dma_semaphore, #tpu.memory_space<semaphore_mem>>
      %dma_start3A = arith.constant 0 : i32
      %dma_start3A_78 = tpu.memref_slice %arg12[%add3A_12, %dma_start3A] : memref<10240x64xf32, #tpu.memory_space<vmem_shared>> -> memref<128x64xf32, #tpu.memory_space<vmem_shared>>
      %dma_start3A_79 = arith.constant 0 : i32
      %dma_start3A_80 = tpu.memref_slice %arg12[%add3A_12, %dma_start3A_79] : memref<10240x64xf32, #tpu.memory_space<vmem_shared>> -> memref<128x64xf32, #tpu.memory_space<vmem_shared>>
      tpu.enqueue_dma source(%arg10 : memref<128x64xf32, #tpu.memory_space<vmem>>) target(%dma_start3A_80 : memref<128x64xf32, #tpu.memory_space<vmem_shared>>) target_semaphore(%run_scoped3A : memref<!tpu.dma_semaphore, #tpu.memory_space<semaphore_mem>>)
      %dma_wait3A = arith.constant 0 : i32
      %dma_wait3A_81 = tpu.memref_slice %arg12[%add3A_12, %dma_wait3A] : memref<10240x64xf32, #tpu.memory_space<vmem_shared>> -> memref<128x64xf32, #tpu.memory_space<vmem_shared>>
      %dma_wait3A_82 = arith.constant 0 : i32
      %dma_wait3A_83 = tpu.memref_slice %arg12[%add3A_12, %dma_wait3A_82] : memref<10240x64xf32, #tpu.memory_space<vmem_shared>> -> memref<128x64xf32, #tpu.memory_space<vmem_shared>>
      tpu.wait_dma2 semaphore(%run_scoped3A : memref<!tpu.dma_semaphore, #tpu.memory_space<semaphore_mem>>) src(%arg10 : memref<128x64xf32, #tpu.memory_space<vmem>>) dst(%dma_wait3A_83 : memref<128x64xf32, #tpu.memory_space<vmem_shared>>)
      tpu.yield
    }) : () -> ()
    %add3A_13 = arith.constant 512 : i32
    %add3A_14 = arith.addi %mul3A_5, %add3A_13 : i32
    "tpu.region"() ({
      %run_scoped3A = tpu.sem_alloc : memref<!tpu.dma_semaphore, #tpu.memory_space<semaphore_mem>>
      %dma_start3A = arith.constant 0 : i32
      %dma_start3A_78 = tpu.memref_slice %arg12[%add3A_14, %dma_start3A] : memref<10240x64xf32, #tpu.memory_space<vmem_shared>> -> memref<128x64xf32, #tpu.memory_space<vmem_shared>>
      %dma_start3A_79 = arith.constant 0 : i32
      %dma_start3A_80 = tpu.memref_slice %arg12[%add3A_14, %dma_start3A_79] : memref<10240x64xf32, #tpu.memory_space<vmem_shared>> -> memref<128x64xf32, #tpu.memory_space<vmem_shared>>
      tpu.enqueue_dma source(%arg10 : memref<128x64xf32, #tpu.memory_space<vmem>>) target(%dma_start3A_80 : memref<128x64xf32, #tpu.memory_space<vmem_shared>>) target_semaphore(%run_scoped3A : memref<!tpu.dma_semaphore, #tpu.memory_space<semaphore_mem>>)
      %dma_wait3A = arith.constant 0 : i32
      %dma_wait3A_81 = tpu.memref_slice %arg12[%add3A_14, %dma_wait3A] : memref<10240x64xf32, #tpu.memory_space<vmem_shared>> -> memref<128x64xf32, #tpu.memory_space<vmem_shared>>
      %dma_wait3A_82 = arith.constant 0 : i32
      %dma_wait3A_83 = tpu.memref_slice %arg12[%add3A_14, %dma_wait3A_82] : memref<10240x64xf32, #tpu.memory_space<vmem_shared>> -> memref<128x64xf32, #tpu.memory_space<vmem_shared>>
      tpu.wait_dma2 semaphore(%run_scoped3A : memref<!tpu.dma_semaphore, #tpu.memory_space<semaphore_mem>>) src(%arg10 : memref<128x64xf32, #tpu.memory_space<vmem>>) dst(%dma_wait3A_83 : memref<128x64xf32, #tpu.memory_space<vmem_shared>>)
      tpu.yield
    }) : () -> ()
    %barrier3A = arith.constant 0 : index
    tpu.barrier barrier_id(%barrier3A)
    %scan3A_15 = arith.constant 0 : i32
    %scan3A_16 = arith.constant 0 : i32
    %scan3A_17 = arith.constant 5 : i32
    %scan3A_18 = arith.addi %scan3A_16, %scan3A_17 : i32
    %scan3A_19 = arith.constant 1 : i32
    scf.for %scan3A_78 = %scan3A_16 to %scan3A_18 step %scan3A_19  : i32 {
      %add3A_79 = arith.constant 0 : i32
      %add3A_80 = arith.addi %add3A_79, %scan3A_78 : i32
      %add3A_81 = arith.constant 0 : i32
      %add3A_82 = arith.addi %add3A_81, %scan3A_78 : i32
      %dma_start3A = arith.constant 0 : i32
      %dma_start3A_83 = arith.constant 0 : i32
      %dma_start3A_84 = tpu.memref_slice %arg9[%add3A_82, %dma_start3A, %dma_start3A_83] : memref<10x40x64xf32, #tpu.memory_space<vmem>> -> memref<1x40x64xf32, #tpu.memory_space<vmem>>
      %dma_start3A_85 = tpu.memref_squeeze %dma_start3A_84 : memref<1x40x64xf32, #tpu.memory_space<vmem>> -> memref<40x64xf32, #tpu.memory_space<vmem>>
      %dma_start3A_86 = arith.constant 0 : i32
      %dma_start3A_87 = tpu.memref_slice %arg7[%add3A_80, %dma_start3A_86] : memref<500x40xi32, #tpu.memory_space<vmem>> -> memref<1x40xi32, #tpu.memory_space<vmem>>
      %dma_start3A_88 = tpu.memref_squeeze %dma_start3A_87 : memref<1x40xi32, #tpu.memory_space<vmem>> -> memref<40xi32, #tpu.memory_space<vmem>>
      %dma_start3A_89 = arith.constant 0 : i32
      %dma_start3A_90 = arith.constant 0 : i32
      %dma_start3A_91 = tpu.memref_slice %arg2[%arg0, %dma_start3A_89, %dma_start3A_90] : memref<2x10000x64xf32, #tpu.memory_space<hbm>> -> memref<1x10000x64xf32, #tpu.memory_space<hbm>>
      %dma_start3A_92 = tpu.memref_squeeze %dma_start3A_91 : memref<1x10000x64xf32, #tpu.memory_space<hbm>> -> memref<10000x64xf32, #tpu.memory_space<hbm>>
      %dma_start3A_93 = arith.constant 0 : i32
      %dma_start3A_94 = arith.constant 0 : i32
      %dma_start3A_95 = tpu.memref_slice %dma_start3A_92[%dma_start3A_93, %dma_start3A_94] : memref<10000x64xf32, #tpu.memory_space<hbm>> -> memref<10000x64xf32, #tpu.memory_space<hbm>>
      tpu.enqueue_indirect_dma source(%dma_start3A_95 : memref<10000x64xf32, #tpu.memory_space<hbm>>) target(%dma_start3A_85 : memref<40x64xf32, #tpu.memory_space<vmem>>) offsets(%dma_start3A_88 : memref<40xi32, #tpu.memory_space<vmem>>) semaphore(%arg13 : memref<!tpu.dma_semaphore, #tpu.memory_space<semaphore_mem>>)
    }
    %scan3A_20 = arith.constant 5 : i32
    %scan3A_21 = arith.constant 0 : i32
    %scan3A_22 = arith.constant 0 : i32
    %scan3A_23 = arith.constant 50 : i32
    %scan3A_24 = arith.addi %scan3A_22, %scan3A_23 : i32
    %scan3A_25 = arith.constant 1 : i32
    scf.for %scan3A_78 = %scan3A_22 to %scan3A_24 step %scan3A_25  : i32 {
      %mul3A_79 = arith.constant 2 : i32
      %mul3A_80 = arith.muli %mul3A_79, %scan3A_78 : i32
      %mul3A_81 = arith.constant 2 : i32
      %mul3A_82 = arith.muli %mul3A_81, %scan3A_78 : i32
      %add3A_83 = arith.constant 1 : i32
      %add3A_84 = arith.addi %mul3A_82, %add3A_83 : i32
      %gt3A = arith.constant 0 : i32
      %gt3A_85 = arith.cmpi sgt, %scan3A_78, %gt3A : i32
      %convert_element_type3A_86 = arith.extui %gt3A_85 : i1 to i32
      %cond3A_87 = arith.constant 0 : i32
      %cond3A_88 = arith.cmpi ne, %convert_element_type3A_86, %cond3A_87 : i32
      scf.if %cond3A_88 {
        %sub3A = arith.constant 1 : i32
        %sub3A_119 = arith.subi %mul3A_80, %sub3A : i32
        %scan3A_120 = arith.constant 0 : i32
        %scan3A_121 = arith.constant 0 : i32
        %scan3A_122 = arith.constant 5 : i32
        %scan3A_123 = arith.addi %scan3A_121, %scan3A_122 : i32
        %scan3A_124 = arith.constant 1 : i32
        scf.for %scan3A_126 = %scan3A_121 to %scan3A_123 step %scan3A_124  : i32 {
          %add3A_127 = arith.constant 5 : i32
          %add3A_128 = arith.addi %add3A_127, %scan3A_126 : i32
          %mul3A_129 = arith.constant 5 : i32
          %mul3A_130 = arith.muli %sub3A_119, %mul3A_129 : i32
          %add3A_131 = arith.addi %mul3A_130, %scan3A_126 : i32
          %dma_wait3A = arith.constant 0 : i32
          %dma_wait3A_132 = arith.constant 0 : i32
          %dma_wait3A_133 = tpu.memref_slice %arg9[%add3A_128, %dma_wait3A, %dma_wait3A_132] : memref<10x40x64xf32, #tpu.memory_space<vmem>> -> memref<1x40x64xf32, #tpu.memory_space<vmem>>
          %dma_wait3A_134 = tpu.memref_squeeze %dma_wait3A_133 : memref<1x40x64xf32, #tpu.memory_space<vmem>> -> memref<40x64xf32, #tpu.memory_space<vmem>>
          %dma_wait3A_135 = arith.constant 0 : i32
          %dma_wait3A_136 = tpu.memref_slice %arg8[%add3A_131, %dma_wait3A_135] : memref<500x40xi32, #tpu.memory_space<vmem>> -> memref<1x40xi32, #tpu.memory_space<vmem>>
          %dma_wait3A_137 = tpu.memref_squeeze %dma_wait3A_136 : memref<1x40xi32, #tpu.memory_space<vmem>> -> memref<40xi32, #tpu.memory_space<vmem>>
          %dma_wait3A_138 = arith.constant 0 : i32
          %dma_wait3A_139 = arith.constant 0 : i32
          %dma_wait3A_140 = tpu.memref_slice %arg12[%dma_wait3A_138, %dma_wait3A_139] : memref<10240x64xf32, #tpu.memory_space<vmem_shared>> -> memref<10240x64xf32, #tpu.memory_space<vmem_shared>>
          tpu.wait_indirect_dma semaphore(%arg16 : memref<!tpu.dma_semaphore, #tpu.memory_space<semaphore_mem>>) src(%dma_wait3A_134 : memref<40x64xf32, #tpu.memory_space<vmem>>) dst(%dma_wait3A_140 : memref<10240x64xf32, #tpu.memory_space<vmem_shared>>)
        }
        %scan3A_125 = arith.constant 5 : i32
      } else {
      }
      %scan3A_89 = arith.constant 0 : i32
      %scan3A_90 = arith.constant 0 : i32
      %scan3A_91 = arith.constant 5 : i32
      %scan3A_92 = arith.addi %scan3A_90, %scan3A_91 : i32
      %scan3A_93 = arith.constant 1 : i32
      scf.for %scan3A_119 = %scan3A_90 to %scan3A_92 step %scan3A_93  : i32 {
        %mul3A_120 = arith.constant 5 : i32
        %mul3A_121 = arith.muli %add3A_84, %mul3A_120 : i32
        %add3A_122 = arith.addi %mul3A_121, %scan3A_119 : i32
        %add3A_123 = arith.constant 5 : i32
        %add3A_124 = arith.addi %add3A_123, %scan3A_119 : i32
        %dma_start3A = arith.constant 0 : i32
        %dma_start3A_125 = arith.constant 0 : i32
        %dma_start3A_126 = tpu.memref_slice %arg9[%add3A_124, %dma_start3A, %dma_start3A_125] : memref<10x40x64xf32, #tpu.memory_space<vmem>> -> memref<1x40x64xf32, #tpu.memory_space<vmem>>
        %dma_start3A_127 = tpu.memref_squeeze %dma_start3A_126 : memref<1x40x64xf32, #tpu.memory_space<vmem>> -> memref<40x64xf32, #tpu.memory_space<vmem>>
        %dma_start3A_128 = arith.constant 0 : i32
        %dma_start3A_129 = tpu.memref_slice %arg7[%add3A_122, %dma_start3A_128] : memref<500x40xi32, #tpu.memory_space<vmem>> -> memref<1x40xi32, #tpu.memory_space<vmem>>
        %dma_start3A_130 = tpu.memref_squeeze %dma_start3A_129 : memref<1x40xi32, #tpu.memory_space<vmem>> -> memref<40xi32, #tpu.memory_space<vmem>>
        %dma_start3A_131 = arith.constant 0 : i32
        %dma_start3A_132 = arith.constant 0 : i32
        %dma_start3A_133 = tpu.memref_slice %arg2[%arg0, %dma_start3A_131, %dma_start3A_132] : memref<2x10000x64xf32, #tpu.memory_space<hbm>> -> memref<1x10000x64xf32, #tpu.memory_space<hbm>>
        %dma_start3A_134 = tpu.memref_squeeze %dma_start3A_133 : memref<1x10000x64xf32, #tpu.memory_space<hbm>> -> memref<10000x64xf32, #tpu.memory_space<hbm>>
        %dma_start3A_135 = arith.constant 0 : i32
        %dma_start3A_136 = arith.constant 0 : i32
        %dma_start3A_137 = tpu.memref_slice %dma_start3A_134[%dma_start3A_135, %dma_start3A_136] : memref<10000x64xf32, #tpu.memory_space<hbm>> -> memref<10000x64xf32, #tpu.memory_space<hbm>>
        tpu.enqueue_indirect_dma source(%dma_start3A_137 : memref<10000x64xf32, #tpu.memory_space<hbm>>) target(%dma_start3A_127 : memref<40x64xf32, #tpu.memory_space<vmem>>) offsets(%dma_start3A_130 : memref<40xi32, #tpu.memory_space<vmem>>) semaphore(%arg14 : memref<!tpu.dma_semaphore, #tpu.memory_space<semaphore_mem>>)
      }
      %scan3A_94 = arith.constant 5 : i32
      %scan3A_95 = arith.constant 0 : i32
      %scan3A_96 = arith.constant 0 : i32
      %scan3A_97 = arith.constant 5 : i32
      %scan3A_98 = arith.addi %scan3A_96, %scan3A_97 : i32
      %scan3A_99 = arith.constant 1 : i32
      scf.for %scan3A_119 = %scan3A_96 to %scan3A_98 step %scan3A_99  : i32 {
        %mul3A_120 = arith.constant 5 : i32
        %mul3A_121 = arith.muli %mul3A_80, %mul3A_120 : i32
        %add3A_122 = arith.addi %mul3A_121, %scan3A_119 : i32
        %add3A_123 = arith.constant 0 : i32
        %add3A_124 = arith.addi %add3A_123, %scan3A_119 : i32
        %dma_wait3A = arith.constant 0 : i32
        %dma_wait3A_125 = arith.constant 0 : i32
        %dma_wait3A_126 = tpu.memref_slice %arg9[%add3A_124, %dma_wait3A, %dma_wait3A_125] : memref<10x40x64xf32, #tpu.memory_space<vmem>> -> memref<1x40x64xf32, #tpu.memory_space<vmem>>
        %dma_wait3A_127 = tpu.memref_squeeze %dma_wait3A_126 : memref<1x40x64xf32, #tpu.memory_space<vmem>> -> memref<40x64xf32, #tpu.memory_space<vmem>>
        %dma_wait3A_128 = arith.constant 0 : i32
        %dma_wait3A_129 = tpu.memref_slice %arg7[%add3A_122, %dma_wait3A_128] : memref<500x40xi32, #tpu.memory_space<vmem>> -> memref<1x40xi32, #tpu.memory_space<vmem>>
        %dma_wait3A_130 = tpu.memref_squeeze %dma_wait3A_129 : memref<1x40xi32, #tpu.memory_space<vmem>> -> memref<40xi32, #tpu.memory_space<vmem>>
        %dma_wait3A_131 = arith.constant 0 : i32
        %dma_wait3A_132 = arith.constant 0 : i32
        %dma_wait3A_133 = tpu.memref_slice %arg2[%arg0, %dma_wait3A_131, %dma_wait3A_132] : memref<2x10000x64xf32, #tpu.memory_space<hbm>> -> memref<1x10000x64xf32, #tpu.memory_space<hbm>>
        %dma_wait3A_134 = tpu.memref_squeeze %dma_wait3A_133 : memref<1x10000x64xf32, #tpu.memory_space<hbm>> -> memref<10000x64xf32, #tpu.memory_space<hbm>>
        %dma_wait3A_135 = arith.constant 0 : i32
        %dma_wait3A_136 = arith.constant 0 : i32
        %dma_wait3A_137 = tpu.memref_slice %dma_wait3A_134[%dma_wait3A_135, %dma_wait3A_136] : memref<10000x64xf32, #tpu.memory_space<hbm>> -> memref<10000x64xf32, #tpu.memory_space<hbm>>
        tpu.wait_indirect_dma semaphore(%arg13 : memref<!tpu.dma_semaphore, #tpu.memory_space<semaphore_mem>>) src(%dma_wait3A_137 : memref<10000x64xf32, #tpu.memory_space<hbm>>) dst(%dma_wait3A_127 : memref<40x64xf32, #tpu.memory_space<vmem>>)
        %add3A_138 = arith.constant 0 : i32
        %add3A_139 = arith.addi %add3A_138, %scan3A_119 : i32
        %mul3A_140 = arith.constant 5 : i32
        %mul3A_141 = arith.muli %mul3A_80, %mul3A_140 : i32
        %add3A_142 = arith.addi %mul3A_141, %scan3A_119 : i32
        %dma_start3A = arith.constant 0 : i32
        %dma_start3A_143 = arith.constant 0 : i32
        %dma_start3A_144 = tpu.memref_slice %arg9[%add3A_139, %dma_start3A, %dma_start3A_143] : memref<10x40x64xf32, #tpu.memory_space<vmem>> -> memref<1x40x64xf32, #tpu.memory_space<vmem>>
        %dma_start3A_145 = tpu.memref_squeeze %dma_start3A_144 : memref<1x40x64xf32, #tpu.memory_space<vmem>> -> memref<40x64xf32, #tpu.memory_space<vmem>>
        %dma_start3A_146 = arith.constant 0 : i32
        %dma_start3A_147 = tpu.memref_slice %arg8[%add3A_142, %dma_start3A_146] : memref<500x40xi32, #tpu.memory_space<vmem>> -> memref<1x40xi32, #tpu.memory_space<vmem>>
        %dma_start3A_148 = tpu.memref_squeeze %dma_start3A_147 : memref<1x40xi32, #tpu.memory_space<vmem>> -> memref<40xi32, #tpu.memory_space<vmem>>
        %dma_start3A_149 = arith.constant 0 : i32
        %dma_start3A_150 = arith.constant 0 : i32
        %dma_start3A_151 = tpu.memref_slice %arg12[%dma_start3A_149, %dma_start3A_150] : memref<10240x64xf32, #tpu.memory_space<vmem_shared>> -> memref<10240x64xf32, #tpu.memory_space<vmem_shared>>
        tpu.enqueue_indirect_dma source(%dma_start3A_145 : memref<40x64xf32, #tpu.memory_space<vmem>>) target(%dma_start3A_151 : memref<10240x64xf32, #tpu.memory_space<vmem_shared>>) offsets(%dma_start3A_148 : memref<40xi32, #tpu.memory_space<vmem>>) semaphore(%arg15 : memref<!tpu.dma_semaphore, #tpu.memory_space<semaphore_mem>>) {add = true}
      }
      %scan3A_100 = arith.constant 5 : i32
      %scan3A_101 = arith.constant 0 : i32
      %scan3A_102 = arith.constant 0 : i32
      %scan3A_103 = arith.constant 5 : i32
      %scan3A_104 = arith.addi %scan3A_102, %scan3A_103 : i32
      %scan3A_105 = arith.constant 1 : i32
      scf.for %scan3A_119 = %scan3A_102 to %scan3A_104 step %scan3A_105  : i32 {
        %add3A_120 = arith.constant 0 : i32
        %add3A_121 = arith.addi %add3A_120, %scan3A_119 : i32
        %mul3A_122 = arith.constant 5 : i32
        %mul3A_123 = arith.muli %mul3A_80, %mul3A_122 : i32
        %add3A_124 = arith.addi %mul3A_123, %scan3A_119 : i32
        %dma_wait3A = arith.constant 0 : i32
        %dma_wait3A_125 = arith.constant 0 : i32
        %dma_wait3A_126 = tpu.memref_slice %arg9[%add3A_121, %dma_wait3A, %dma_wait3A_125] : memref<10x40x64xf32, #tpu.memory_space<vmem>> -> memref<1x40x64xf32, #tpu.memory_space<vmem>>
        %dma_wait3A_127 = tpu.memref_squeeze %dma_wait3A_126 : memref<1x40x64xf32, #tpu.memory_space<vmem>> -> memref<40x64xf32, #tpu.memory_space<vmem>>
        %dma_wait3A_128 = arith.constant 0 : i32
        %dma_wait3A_129 = tpu.memref_slice %arg8[%add3A_124, %dma_wait3A_128] : memref<500x40xi32, #tpu.memory_space<vmem>> -> memref<1x40xi32, #tpu.memory_space<vmem>>
        %dma_wait3A_130 = tpu.memref_squeeze %dma_wait3A_129 : memref<1x40xi32, #tpu.memory_space<vmem>> -> memref<40xi32, #tpu.memory_space<vmem>>
        %dma_wait3A_131 = arith.constant 0 : i32
        %dma_wait3A_132 = arith.constant 0 : i32
        %dma_wait3A_133 = tpu.memref_slice %arg12[%dma_wait3A_131, %dma_wait3A_132] : memref<10240x64xf32, #tpu.memory_space<vmem_shared>> -> memref<10240x64xf32, #tpu.memory_space<vmem_shared>>
        tpu.wait_indirect_dma semaphore(%arg15 : memref<!tpu.dma_semaphore, #tpu.memory_space<semaphore_mem>>) src(%dma_wait3A_127 : memref<40x64xf32, #tpu.memory_space<vmem>>) dst(%dma_wait3A_133 : memref<10240x64xf32, #tpu.memory_space<vmem_shared>>)
      }
      %scan3A_106 = arith.constant 5 : i32
      %add3A_107 = arith.constant 1 : i32
      %add3A_108 = arith.addi %scan3A_78, %add3A_107 : i32
      %lt3A = arith.constant 50 : i32
      %lt3A_109 = arith.cmpi slt, %add3A_108, %lt3A : i32
      %convert_element_type3A_110 = arith.extui %lt3A_109 : i1 to i32
      %cond3A_111 = arith.constant 0 : i32
      %cond3A_112 = arith.cmpi ne, %convert_element_type3A_110, %cond3A_111 : i32
      scf.if %cond3A_112 {
        %add3A_119 = arith.constant 2 : i32
        %add3A_120 = arith.addi %mul3A_80, %add3A_119 : i32
        %scan3A_121 = arith.constant 0 : i32
        %scan3A_122 = arith.constant 0 : i32
        %scan3A_123 = arith.constant 5 : i32
        %scan3A_124 = arith.addi %scan3A_122, %scan3A_123 : i32
        %scan3A_125 = arith.constant 1 : i32
        scf.for %scan3A_127 = %scan3A_122 to %scan3A_124 step %scan3A_125  : i32 {
          %mul3A_128 = arith.constant 5 : i32
          %mul3A_129 = arith.muli %add3A_120, %mul3A_128 : i32
          %add3A_130 = arith.addi %mul3A_129, %scan3A_127 : i32
          %add3A_131 = arith.constant 0 : i32
          %add3A_132 = arith.addi %add3A_131, %scan3A_127 : i32
          %dma_start3A = arith.constant 0 : i32
          %dma_start3A_133 = arith.constant 0 : i32
          %dma_start3A_134 = tpu.memref_slice %arg9[%add3A_132, %dma_start3A, %dma_start3A_133] : memref<10x40x64xf32, #tpu.memory_space<vmem>> -> memref<1x40x64xf32, #tpu.memory_space<vmem>>
          %dma_start3A_135 = tpu.memref_squeeze %dma_start3A_134 : memref<1x40x64xf32, #tpu.memory_space<vmem>> -> memref<40x64xf32, #tpu.memory_space<vmem>>
          %dma_start3A_136 = arith.constant 0 : i32
          %dma_start3A_137 = tpu.memref_slice %arg7[%add3A_130, %dma_start3A_136] : memref<500x40xi32, #tpu.memory_space<vmem>> -> memref<1x40xi32, #tpu.memory_space<vmem>>
          %dma_start3A_138 = tpu.memref_squeeze %dma_start3A_137 : memref<1x40xi32, #tpu.memory_space<vmem>> -> memref<40xi32, #tpu.memory_space<vmem>>
          %dma_start3A_139 = arith.constant 0 : i32
          %dma_start3A_140 = arith.constant 0 : i32
          %dma_start3A_141 = tpu.memref_slice %arg2[%arg0, %dma_start3A_139, %dma_start3A_140] : memref<2x10000x64xf32, #tpu.memory_space<hbm>> -> memref<1x10000x64xf32, #tpu.memory_space<hbm>>
          %dma_start3A_142 = tpu.memref_squeeze %dma_start3A_141 : memref<1x10000x64xf32, #tpu.memory_space<hbm>> -> memref<10000x64xf32, #tpu.memory_space<hbm>>
          %dma_start3A_143 = arith.constant 0 : i32
          %dma_start3A_144 = arith.constant 0 : i32
          %dma_start3A_145 = tpu.memref_slice %dma_start3A_142[%dma_start3A_143, %dma_start3A_144] : memref<10000x64xf32, #tpu.memory_space<hbm>> -> memref<10000x64xf32, #tpu.memory_space<hbm>>
          tpu.enqueue_indirect_dma source(%dma_start3A_145 : memref<10000x64xf32, #tpu.memory_space<hbm>>) target(%dma_start3A_135 : memref<40x64xf32, #tpu.memory_space<vmem>>) offsets(%dma_start3A_138 : memref<40xi32, #tpu.memory_space<vmem>>) semaphore(%arg13 : memref<!tpu.dma_semaphore, #tpu.memory_space<semaphore_mem>>)
        }
        %scan3A_126 = arith.constant 5 : i32
      } else {
      }
      %scan3A_113 = arith.constant 0 : i32
      %scan3A_114 = arith.constant 0 : i32
      %scan3A_115 = arith.constant 5 : i32
      %scan3A_116 = arith.addi %scan3A_114, %scan3A_115 : i32
      %scan3A_117 = arith.constant 1 : i32
      scf.for %scan3A_119 = %scan3A_114 to %scan3A_116 step %scan3A_117  : i32 {
        %mul3A_120 = arith.constant 5 : i32
        %mul3A_121 = arith.muli %add3A_84, %mul3A_120 : i32
        %add3A_122 = arith.addi %mul3A_121, %scan3A_119 : i32
        %add3A_123 = arith.constant 5 : i32
        %add3A_124 = arith.addi %add3A_123, %scan3A_119 : i32
        %dma_wait3A = arith.constant 0 : i32
        %dma_wait3A_125 = arith.constant 0 : i32
        %dma_wait3A_126 = tpu.memref_slice %arg9[%add3A_124, %dma_wait3A, %dma_wait3A_125] : memref<10x40x64xf32, #tpu.memory_space<vmem>> -> memref<1x40x64xf32, #tpu.memory_space<vmem>>
        %dma_wait3A_127 = tpu.memref_squeeze %dma_wait3A_126 : memref<1x40x64xf32, #tpu.memory_space<vmem>> -> memref<40x64xf32, #tpu.memory_space<vmem>>
        %dma_wait3A_128 = arith.constant 0 : i32
        %dma_wait3A_129 = tpu.memref_slice %arg7[%add3A_122, %dma_wait3A_128] : memref<500x40xi32, #tpu.memory_space<vmem>> -> memref<1x40xi32, #tpu.memory_space<vmem>>
        %dma_wait3A_130 = tpu.memref_squeeze %dma_wait3A_129 : memref<1x40xi32, #tpu.memory_space<vmem>> -> memref<40xi32, #tpu.memory_space<vmem>>
        %dma_wait3A_131 = arith.constant 0 : i32
        %dma_wait3A_132 = arith.constant 0 : i32
        %dma_wait3A_133 = tpu.memref_slice %arg2[%arg0, %dma_wait3A_131, %dma_wait3A_132] : memref<2x10000x64xf32, #tpu.memory_space<hbm>> -> memref<1x10000x64xf32, #tpu.memory_space<hbm>>
        %dma_wait3A_134 = tpu.memref_squeeze %dma_wait3A_133 : memref<1x10000x64xf32, #tpu.memory_space<hbm>> -> memref<10000x64xf32, #tpu.memory_space<hbm>>
        %dma_wait3A_135 = arith.constant 0 : i32
        %dma_wait3A_136 = arith.constant 0 : i32
        %dma_wait3A_137 = tpu.memref_slice %dma_wait3A_134[%dma_wait3A_135, %dma_wait3A_136] : memref<10000x64xf32, #tpu.memory_space<hbm>> -> memref<10000x64xf32, #tpu.memory_space<hbm>>
        tpu.wait_indirect_dma semaphore(%arg14 : memref<!tpu.dma_semaphore, #tpu.memory_space<semaphore_mem>>) src(%dma_wait3A_137 : memref<10000x64xf32, #tpu.memory_space<hbm>>) dst(%dma_wait3A_127 : memref<40x64xf32, #tpu.memory_space<vmem>>)
        %add3A_138 = arith.constant 5 : i32
        %add3A_139 = arith.addi %add3A_138, %scan3A_119 : i32
        %mul3A_140 = arith.constant 5 : i32
        %mul3A_141 = arith.muli %add3A_84, %mul3A_140 : i32
        %add3A_142 = arith.addi %mul3A_141, %scan3A_119 : i32
        %dma_start3A = arith.constant 0 : i32
        %dma_start3A_143 = arith.constant 0 : i32
        %dma_start3A_144 = tpu.memref_slice %arg9[%add3A_139, %dma_start3A, %dma_start3A_143] : memref<10x40x64xf32, #tpu.memory_space<vmem>> -> memref<1x40x64xf32, #tpu.memory_space<vmem>>
        %dma_start3A_145 = tpu.memref_squeeze %dma_start3A_144 : memref<1x40x64xf32, #tpu.memory_space<vmem>> -> memref<40x64xf32, #tpu.memory_space<vmem>>
        %dma_start3A_146 = arith.constant 0 : i32
        %dma_start3A_147 = tpu.memref_slice %arg8[%add3A_142, %dma_start3A_146] : memref<500x40xi32, #tpu.memory_space<vmem>> -> memref<1x40xi32, #tpu.memory_space<vmem>>
        %dma_start3A_148 = tpu.memref_squeeze %dma_start3A_147 : memref<1x40xi32, #tpu.memory_space<vmem>> -> memref<40xi32, #tpu.memory_space<vmem>>
        %dma_start3A_149 = arith.constant 0 : i32
        %dma_start3A_150 = arith.constant 0 : i32
        %dma_start3A_151 = tpu.memref_slice %arg12[%dma_start3A_149, %dma_start3A_150] : memref<10240x64xf32, #tpu.memory_space<vmem_shared>> -> memref<10240x64xf32, #tpu.memory_space<vmem_shared>>
        tpu.enqueue_indirect_dma source(%dma_start3A_145 : memref<40x64xf32, #tpu.memory_space<vmem>>) target(%dma_start3A_151 : memref<10240x64xf32, #tpu.memory_space<vmem_shared>>) offsets(%dma_start3A_148 : memref<40xi32, #tpu.memory_space<vmem>>) semaphore(%arg16 : memref<!tpu.dma_semaphore, #tpu.memory_space<semaphore_mem>>) {add = true}
      }
      %scan3A_118 = arith.constant 5 : i32
    }
    %scan3A_26 = arith.constant 50 : i32
    %scan3A_27 = arith.constant 0 : i32
    %scan3A_28 = arith.constant 0 : i32
    %scan3A_29 = arith.constant 5 : i32
    %scan3A_30 = arith.addi %scan3A_28, %scan3A_29 : i32
    %scan3A_31 = arith.constant 1 : i32
    scf.for %scan3A_78 = %scan3A_28 to %scan3A_30 step %scan3A_31  : i32 {
      %add3A_79 = arith.constant 5 : i32
      %add3A_80 = arith.addi %add3A_79, %scan3A_78 : i32
      %add3A_81 = arith.constant 495 : i32
      %add3A_82 = arith.addi %add3A_81, %scan3A_78 : i32
      %dma_wait3A = arith.constant 0 : i32
      %dma_wait3A_83 = arith.constant 0 : i32
      %dma_wait3A_84 = tpu.memref_slice %arg9[%add3A_80, %dma_wait3A, %dma_wait3A_83] : memref<10x40x64xf32, #tpu.memory_space<vmem>> -> memref<1x40x64xf32, #tpu.memory_space<vmem>>
      %dma_wait3A_85 = tpu.memref_squeeze %dma_wait3A_84 : memref<1x40x64xf32, #tpu.memory_space<vmem>> -> memref<40x64xf32, #tpu.memory_space<vmem>>
      %dma_wait3A_86 = arith.constant 0 : i32
      %dma_wait3A_87 = tpu.memref_slice %arg8[%add3A_82, %dma_wait3A_86] : memref<500x40xi32, #tpu.memory_space<vmem>> -> memref<1x40xi32, #tpu.memory_space<vmem>>
      %dma_wait3A_88 = tpu.memref_squeeze %dma_wait3A_87 : memref<1x40xi32, #tpu.memory_space<vmem>> -> memref<40xi32, #tpu.memory_space<vmem>>
      %dma_wait3A_89 = arith.constant 0 : i32
      %dma_wait3A_90 = arith.constant 0 : i32
      %dma_wait3A_91 = tpu.memref_slice %arg12[%dma_wait3A_89, %dma_wait3A_90] : memref<10240x64xf32, #tpu.memory_space<vmem_shared>> -> memref<10240x64xf32, #tpu.memory_space<vmem_shared>>
      tpu.wait_indirect_dma semaphore(%arg16 : memref<!tpu.dma_semaphore, #tpu.memory_space<semaphore_mem>>) src(%dma_wait3A_85 : memref<40x64xf32, #tpu.memory_space<vmem>>) dst(%dma_wait3A_91 : memref<10240x64xf32, #tpu.memory_space<vmem_shared>>)
    }
    %scan3A_32 = arith.constant 5 : i32
    %barrier3A_33 = arith.constant 0 : index
    tpu.barrier barrier_id(%barrier3A_33)
    %mul3A_34 = arith.constant 64 : i32
    %mul3A_35 = arith.muli %arg0, %mul3A_34 : i32
    %add3A_36 = arith.constant 0 : i32
    %add3A_37 = arith.addi %mul3A_5, %add3A_36 : i32
    %add3A_38 = arith.constant 128 : i32
    %add3A_39 = arith.addi %add3A_37, %add3A_38 : i32
    %le3A = arith.constant 10240 : i32
    %le3A_40 = arith.cmpi sle, %add3A_39, %le3A : i32
    %convert_element_type3A = arith.extui %le3A_40 : i1 to i32
    %cond3A = arith.constant 0 : i32
    %cond3A_41 = arith.cmpi ne, %convert_element_type3A, %cond3A : i32
    scf.if %cond3A_41 {
      "tpu.region"() ({
        %run_scoped3A = tpu.sem_alloc : memref<!tpu.dma_semaphore, #tpu.memory_space<semaphore_mem>>
        %dma_start3A = tpu.memref_slice %arg6[%add3A_37, %mul3A_35] : memref<10240x128xf32, #tpu.memory_space<hbm>> -> memref<128x64xf32, #tpu.memory_space<hbm>>
        %dma_start3A_78 = arith.constant 0 : i32
        %dma_start3A_79 = tpu.memref_slice %arg12[%add3A_37, %dma_start3A_78] : memref<10240x64xf32, #tpu.memory_space<vmem_shared>> -> memref<128x64xf32, #tpu.memory_space<vmem_shared>>
        tpu.enqueue_dma source(%dma_start3A_79 : memref<128x64xf32, #tpu.memory_space<vmem_shared>>) target(%dma_start3A : memref<128x64xf32, #tpu.memory_space<hbm>>) target_semaphore(%run_scoped3A : memref<!tpu.dma_semaphore, #tpu.memory_space<semaphore_mem>>)
        %dma_wait3A = tpu.memref_slice %arg6[%add3A_37, %mul3A_35] : memref<10240x128xf32, #tpu.memory_space<hbm>> -> memref<128x64xf32, #tpu.memory_space<hbm>>
        %dma_wait3A_80 = arith.constant 0 : i32
        %dma_wait3A_81 = tpu.memref_slice %arg12[%add3A_37, %dma_wait3A_80] : memref<10240x64xf32, #tpu.memory_space<vmem_shared>> -> memref<128x64xf32, #tpu.memory_space<vmem_shared>>
        tpu.wait_dma2 semaphore(%run_scoped3A : memref<!tpu.dma_semaphore, #tpu.memory_space<semaphore_mem>>) src(%dma_wait3A_81 : memref<128x64xf32, #tpu.memory_space<vmem_shared>>) dst(%dma_wait3A : memref<128x64xf32, #tpu.memory_space<hbm>>)
        tpu.yield
      }) : () -> ()
    } else {
    }
    %add3A_42 = arith.constant 128 : i32
    %add3A_43 = arith.addi %mul3A_5, %add3A_42 : i32
    %add3A_44 = arith.constant 128 : i32
    %add3A_45 = arith.addi %add3A_43, %add3A_44 : i32
    %le3A_46 = arith.constant 10240 : i32
    %le3A_47 = arith.cmpi sle, %add3A_45, %le3A_46 : i32
    %convert_element_type3A_48 = arith.extui %le3A_47 : i1 to i32
    %cond3A_49 = arith.constant 0 : i32
    %cond3A_50 = arith.cmpi ne, %convert_element_type3A_48, %cond3A_49 : i32
    scf.if %cond3A_50 {
      "tpu.region"() ({
        %run_scoped3A = tpu.sem_alloc : memref<!tpu.dma_semaphore, #tpu.memory_space<semaphore_mem>>
        %dma_start3A = tpu.memref_slice %arg6[%add3A_43, %mul3A_35] : memref<10240x128xf32, #tpu.memory_space<hbm>> -> memref<128x64xf32, #tpu.memory_space<hbm>>
        %dma_start3A_78 = arith.constant 0 : i32
        %dma_start3A_79 = tpu.memref_slice %arg12[%add3A_43, %dma_start3A_78] : memref<10240x64xf32, #tpu.memory_space<vmem_shared>> -> memref<128x64xf32, #tpu.memory_space<vmem_shared>>
        tpu.enqueue_dma source(%dma_start3A_79 : memref<128x64xf32, #tpu.memory_space<vmem_shared>>) target(%dma_start3A : memref<128x64xf32, #tpu.memory_space<hbm>>) target_semaphore(%run_scoped3A : memref<!tpu.dma_semaphore, #tpu.memory_space<semaphore_mem>>)
        %dma_wait3A = tpu.memref_slice %arg6[%add3A_43, %mul3A_35] : memref<10240x128xf32, #tpu.memory_space<hbm>> -> memref<128x64xf32, #tpu.memory_space<hbm>>
        %dma_wait3A_80 = arith.constant 0 : i32
        %dma_wait3A_81 = tpu.memref_slice %arg12[%add3A_43, %dma_wait3A_80] : memref<10240x64xf32, #tpu.memory_space<vmem_shared>> -> memref<128x64xf32, #tpu.memory_space<vmem_shared>>
        tpu.wait_dma2 semaphore(%run_scoped3A : memref<!tpu.dma_semaphore, #tpu.memory_space<semaphore_mem>>) src(%dma_wait3A_81 : memref<128x64xf32, #tpu.memory_space<vmem_shared>>) dst(%dma_wait3A : memref<128x64xf32, #tpu.memory_space<hbm>>)
        tpu.yield
      }) : () -> ()
    } else {
    }
    %add3A_51 = arith.constant 256 : i32
    %add3A_52 = arith.addi %mul3A_5, %add3A_51 : i32
    %add3A_53 = arith.constant 128 : i32
    %add3A_54 = arith.addi %add3A_52, %add3A_53 : i32
    %le3A_55 = arith.constant 10240 : i32
    %le3A_56 = arith.cmpi sle, %add3A_54, %le3A_55 : i32
    %convert_element_type3A_57 = arith.extui %le3A_56 : i1 to i32
    %cond3A_58 = arith.constant 0 : i32
    %cond3A_59 = arith.cmpi ne, %convert_element_type3A_57, %cond3A_58 : i32
    scf.if %cond3A_59 {
      "tpu.region"() ({
        %run_scoped3A = tpu.sem_alloc : memref<!tpu.dma_semaphore, #tpu.memory_space<semaphore_mem>>
        %dma_start3A = tpu.memref_slice %arg6[%add3A_52, %mul3A_35] : memref<10240x128xf32, #tpu.memory_space<hbm>> -> memref<128x64xf32, #tpu.memory_space<hbm>>
        %dma_start3A_78 = arith.constant 0 : i32
        %dma_start3A_79 = tpu.memref_slice %arg12[%add3A_52, %dma_start3A_78] : memref<10240x64xf32, #tpu.memory_space<vmem_shared>> -> memref<128x64xf32, #tpu.memory_space<vmem_shared>>
        tpu.enqueue_dma source(%dma_start3A_79 : memref<128x64xf32, #tpu.memory_space<vmem_shared>>) target(%dma_start3A : memref<128x64xf32, #tpu.memory_space<hbm>>) target_semaphore(%run_scoped3A : memref<!tpu.dma_semaphore, #tpu.memory_space<semaphore_mem>>)
        %dma_wait3A = tpu.memref_slice %arg6[%add3A_52, %mul3A_35] : memref<10240x128xf32, #tpu.memory_space<hbm>> -> memref<128x64xf32, #tpu.memory_space<hbm>>
        %dma_wait3A_80 = arith.constant 0 : i32
        %dma_wait3A_81 = tpu.memref_slice %arg12[%add3A_52, %dma_wait3A_80] : memref<10240x64xf32, #tpu.memory_space<vmem_shared>> -> memref<128x64xf32, #tpu.memory_space<vmem_shared>>
        tpu.wait_dma2 semaphore(%run_scoped3A : memref<!tpu.dma_semaphore, #tpu.memory_space<semaphore_mem>>) src(%dma_wait3A_81 : memref<128x64xf32, #tpu.memory_space<vmem_shared>>) dst(%dma_wait3A : memref<128x64xf32, #tpu.memory_space<hbm>>)
        tpu.yield
      }) : () -> ()
    } else {
    }
    %add3A_60 = arith.constant 384 : i32
    %add3A_61 = arith.addi %mul3A_5, %add3A_60 : i32
    %add3A_62 = arith.constant 128 : i32
    %add3A_63 = arith.addi %add3A_61, %add3A_62 : i32
    %le3A_64 = arith.constant 10240 : i32
    %le3A_65 = arith.cmpi sle, %add3A_63, %le3A_64 : i32
    %convert_element_type3A_66 = arith.extui %le3A_65 : i1 to i32
    %cond3A_67 = arith.constant 0 : i32
    %cond3A_68 = arith.cmpi ne, %convert_element_type3A_66, %cond3A_67 : i32
    scf.if %cond3A_68 {
      "tpu.region"() ({
        %run_scoped3A = tpu.sem_alloc : memref<!tpu.dma_semaphore, #tpu.memory_space<semaphore_mem>>
        %dma_start3A = tpu.memref_slice %arg6[%add3A_61, %mul3A_35] : memref<10240x128xf32, #tpu.memory_space<hbm>> -> memref<128x64xf32, #tpu.memory_space<hbm>>
        %dma_start3A_78 = arith.constant 0 : i32
        %dma_start3A_79 = tpu.memref_slice %arg12[%add3A_61, %dma_start3A_78] : memref<10240x64xf32, #tpu.memory_space<vmem_shared>> -> memref<128x64xf32, #tpu.memory_space<vmem_shared>>
        tpu.enqueue_dma source(%dma_start3A_79 : memref<128x64xf32, #tpu.memory_space<vmem_shared>>) target(%dma_start3A : memref<128x64xf32, #tpu.memory_space<hbm>>) target_semaphore(%run_scoped3A : memref<!tpu.dma_semaphore, #tpu.memory_space<semaphore_mem>>)
        %dma_wait3A = tpu.memref_slice %arg6[%add3A_61, %mul3A_35] : memref<10240x128xf32, #tpu.memory_space<hbm>> -> memref<128x64xf32, #tpu.memory_space<hbm>>
        %dma_wait3A_80 = arith.constant 0 : i32
        %dma_wait3A_81 = tpu.memref_slice %arg12[%add3A_61, %dma_wait3A_80] : memref<10240x64xf32, #tpu.memory_space<vmem_shared>> -> memref<128x64xf32, #tpu.memory_space<vmem_shared>>
        tpu.wait_dma2 semaphore(%run_scoped3A : memref<!tpu.dma_semaphore, #tpu.memory_space<semaphore_mem>>) src(%dma_wait3A_81 : memref<128x64xf32, #tpu.memory_space<vmem_shared>>) dst(%dma_wait3A : memref<128x64xf32, #tpu.memory_space<hbm>>)
        tpu.yield
      }) : () -> ()
    } else {
    }
    %add3A_69 = arith.constant 512 : i32
    %add3A_70 = arith.addi %mul3A_5, %add3A_69 : i32
    %add3A_71 = arith.constant 128 : i32
    %add3A_72 = arith.addi %add3A_70, %add3A_71 : i32
    %le3A_73 = arith.constant 10240 : i32
    %le3A_74 = arith.cmpi sle, %add3A_72, %le3A_73 : i32
    %convert_element_type3A_75 = arith.extui %le3A_74 : i1 to i32
    %cond3A_76 = arith.constant 0 : i32
    %cond3A_77 = arith.cmpi ne, %convert_element_type3A_75, %cond3A_76 : i32
    scf.if %cond3A_77 {
      "tpu.region"() ({
        %run_scoped3A = tpu.sem_alloc : memref<!tpu.dma_semaphore, #tpu.memory_space<semaphore_mem>>
        %dma_start3A = tpu.memref_slice %arg6[%add3A_70, %mul3A_35] : memref<10240x128xf32, #tpu.memory_space<hbm>> -> memref<128x64xf32, #tpu.memory_space<hbm>>
        %dma_start3A_78 = arith.constant 0 : i32
        %dma_start3A_79 = tpu.memref_slice %arg12[%add3A_70, %dma_start3A_78] : memref<10240x64xf32, #tpu.memory_space<vmem_shared>> -> memref<128x64xf32, #tpu.memory_space<vmem_shared>>
        tpu.enqueue_dma source(%dma_start3A_79 : memref<128x64xf32, #tpu.memory_space<vmem_shared>>) target(%dma_start3A : memref<128x64xf32, #tpu.memory_space<hbm>>) target_semaphore(%run_scoped3A : memref<!tpu.dma_semaphore, #tpu.memory_space<semaphore_mem>>)
        %dma_wait3A = tpu.memref_slice %arg6[%add3A_70, %mul3A_35] : memref<10240x128xf32, #tpu.memory_space<hbm>> -> memref<128x64xf32, #tpu.memory_space<hbm>>
        %dma_wait3A_80 = arith.constant 0 : i32
        %dma_wait3A_81 = tpu.memref_slice %arg12[%add3A_70, %dma_wait3A_80] : memref<10240x64xf32, #tpu.memory_space<vmem_shared>> -> memref<128x64xf32, #tpu.memory_space<vmem_shared>>
        tpu.wait_dma2 semaphore(%run_scoped3A : memref<!tpu.dma_semaphore, #tpu.memory_space<semaphore_mem>>) src(%dma_wait3A_81 : memref<128x64xf32, #tpu.memory_space<vmem_shared>>) dst(%dma_wait3A : memref<128x64xf32, #tpu.memory_space<hbm>>)
        tpu.yield
      }) : () -> ()
    } else {
    }
    return
  }
}

#map = affine_map<(d0, d1) -> (0, 0, 0)>
#map1 = affine_map<(d0, d1) -> (0, 0)>
module attributes {stable_mosaic.version = 14 : i64} {
  func.func @agg(%arg0: i32, %arg1: i32, %arg2: memref<2x10000x64xf32, #tpu.memory_space<hbm>>, %arg3: memref<16x500x40xi32, #tpu.memory_space<hbm>>, %arg4: memref<16x500x40xi32, #tpu.memory_space<hbm>>, %arg5: memref<2x64xf32, #tpu.memory_space<hbm>>, %arg6: memref<10000x128xf32, #tpu.memory_space<hbm>>, %arg7: memref<500x40xi32, #tpu.memory_space<vmem>>, %arg8: memref<500x40xi32, #tpu.memory_space<vmem>>, %arg9: memref<10x40x64xf32, #tpu.memory_space<vmem>>, %arg10: memref<128x64xf32, #tpu.memory_space<vmem>>, %arg11: memref<64xf32, #tpu.memory_space<vmem>>, %arg12: memref<10240x64xf32, #tpu.memory_space<vmem_shared>>, %arg13: memref<!tpu.dma_semaphore, #tpu.memory_space<semaphore_mem>>, %arg14: memref<!tpu.dma_semaphore, #tpu.memory_space<semaphore_mem>>, %arg15: memref<!tpu.dma_semaphore, #tpu.memory_space<semaphore_mem>>, %arg16: memref<!tpu.dma_semaphore, #tpu.memory_space<semaphore_mem>>) attributes {dimension_semantics = [#tpu.dimension_semantics<core_parallel>, #tpu.dimension_semantics<subcore_parallel>], iteration_bounds = array<i64: 2, 16>, scalar_prefetch = 0 : i64, scratch_operands = 10 : i64, tpu.core_type = #tpu.core_type<sc_vector_subcore>, window_params = [{transform_indices = #map}, {transform_indices = #map}, {transform_indices = #map}, {transform_indices = #map1}, {transform_indices = #map1}]} {
    "tpu.region"() ({
      %run_scoped3A = tpu.sem_alloc : memref<!tpu.dma_semaphore, #tpu.memory_space<semaphore_mem>>
      %dma_start3A = arith.constant 0 : i32
      %dma_start3A_125 = arith.constant 0 : i32
      %dma_start3A_126 = tpu.memref_slice %arg3[%arg1, %dma_start3A, %dma_start3A_125] : memref<16x500x40xi32, #tpu.memory_space<hbm>> -> memref<1x500x40xi32, #tpu.memory_space<hbm>>
      %dma_start3A_127 = tpu.memref_squeeze %dma_start3A_126 : memref<1x500x40xi32, #tpu.memory_space<hbm>> -> memref<500x40xi32, #tpu.memory_space<hbm>>
      %dma_start3A_128 = arith.constant 0 : i32
      %dma_start3A_129 = arith.constant 0 : i32
      %dma_start3A_130 = tpu.memref_slice %arg3[%arg1, %dma_start3A_128, %dma_start3A_129] : memref<16x500x40xi32, #tpu.memory_space<hbm>> -> memref<1x500x40xi32, #tpu.memory_space<hbm>>
      %dma_start3A_131 = tpu.memref_squeeze %dma_start3A_130 : memref<1x500x40xi32, #tpu.memory_space<hbm>> -> memref<500x40xi32, #tpu.memory_space<hbm>>
      tpu.enqueue_dma source(%dma_start3A_131 : memref<500x40xi32, #tpu.memory_space<hbm>>) target(%arg7 : memref<500x40xi32, #tpu.memory_space<vmem>>) target_semaphore(%run_scoped3A : memref<!tpu.dma_semaphore, #tpu.memory_space<semaphore_mem>>)
      %dma_wait3A = arith.constant 0 : i32
      %dma_wait3A_132 = arith.constant 0 : i32
      %dma_wait3A_133 = tpu.memref_slice %arg3[%arg1, %dma_wait3A, %dma_wait3A_132] : memref<16x500x40xi32, #tpu.memory_space<hbm>> -> memref<1x500x40xi32, #tpu.memory_space<hbm>>
      %dma_wait3A_134 = tpu.memref_squeeze %dma_wait3A_133 : memref<1x500x40xi32, #tpu.memory_space<hbm>> -> memref<500x40xi32, #tpu.memory_space<hbm>>
      %dma_wait3A_135 = arith.constant 0 : i32
      %dma_wait3A_136 = arith.constant 0 : i32
      %dma_wait3A_137 = tpu.memref_slice %arg3[%arg1, %dma_wait3A_135, %dma_wait3A_136] : memref<16x500x40xi32, #tpu.memory_space<hbm>> -> memref<1x500x40xi32, #tpu.memory_space<hbm>>
      %dma_wait3A_138 = tpu.memref_squeeze %dma_wait3A_137 : memref<1x500x40xi32, #tpu.memory_space<hbm>> -> memref<500x40xi32, #tpu.memory_space<hbm>>
      tpu.wait_dma2 semaphore(%run_scoped3A : memref<!tpu.dma_semaphore, #tpu.memory_space<semaphore_mem>>) src(%dma_wait3A_138 : memref<500x40xi32, #tpu.memory_space<hbm>>) dst(%arg7 : memref<500x40xi32, #tpu.memory_space<vmem>>)
      tpu.yield
    }) : () -> ()
    "tpu.region"() ({
      %run_scoped3A = tpu.sem_alloc : memref<!tpu.dma_semaphore, #tpu.memory_space<semaphore_mem>>
      %dma_start3A = arith.constant 0 : i32
      %dma_start3A_125 = arith.constant 0 : i32
      %dma_start3A_126 = tpu.memref_slice %arg4[%arg1, %dma_start3A, %dma_start3A_125] : memref<16x500x40xi32, #tpu.memory_space<hbm>> -> memref<1x500x40xi32, #tpu.memory_space<hbm>>
      %dma_start3A_127 = tpu.memref_squeeze %dma_start3A_126 : memref<1x500x40xi32, #tpu.memory_space<hbm>> -> memref<500x40xi32, #tpu.memory_space<hbm>>
      %dma_start3A_128 = arith.constant 0 : i32
      %dma_start3A_129 = arith.constant 0 : i32
      %dma_start3A_130 = tpu.memref_slice %arg4[%arg1, %dma_start3A_128, %dma_start3A_129] : memref<16x500x40xi32, #tpu.memory_space<hbm>> -> memref<1x500x40xi32, #tpu.memory_space<hbm>>
      %dma_start3A_131 = tpu.memref_squeeze %dma_start3A_130 : memref<1x500x40xi32, #tpu.memory_space<hbm>> -> memref<500x40xi32, #tpu.memory_space<hbm>>
      tpu.enqueue_dma source(%dma_start3A_131 : memref<500x40xi32, #tpu.memory_space<hbm>>) target(%arg8 : memref<500x40xi32, #tpu.memory_space<vmem>>) target_semaphore(%run_scoped3A : memref<!tpu.dma_semaphore, #tpu.memory_space<semaphore_mem>>)
      %dma_wait3A = arith.constant 0 : i32
      %dma_wait3A_132 = arith.constant 0 : i32
      %dma_wait3A_133 = tpu.memref_slice %arg4[%arg1, %dma_wait3A, %dma_wait3A_132] : memref<16x500x40xi32, #tpu.memory_space<hbm>> -> memref<1x500x40xi32, #tpu.memory_space<hbm>>
      %dma_wait3A_134 = tpu.memref_squeeze %dma_wait3A_133 : memref<1x500x40xi32, #tpu.memory_space<hbm>> -> memref<500x40xi32, #tpu.memory_space<hbm>>
      %dma_wait3A_135 = arith.constant 0 : i32
      %dma_wait3A_136 = arith.constant 0 : i32
      %dma_wait3A_137 = tpu.memref_slice %arg4[%arg1, %dma_wait3A_135, %dma_wait3A_136] : memref<16x500x40xi32, #tpu.memory_space<hbm>> -> memref<1x500x40xi32, #tpu.memory_space<hbm>>
      %dma_wait3A_138 = tpu.memref_squeeze %dma_wait3A_137 : memref<1x500x40xi32, #tpu.memory_space<hbm>> -> memref<500x40xi32, #tpu.memory_space<hbm>>
      tpu.wait_dma2 semaphore(%run_scoped3A : memref<!tpu.dma_semaphore, #tpu.memory_space<semaphore_mem>>) src(%dma_wait3A_138 : memref<500x40xi32, #tpu.memory_space<hbm>>) dst(%arg8 : memref<500x40xi32, #tpu.memory_space<vmem>>)
      tpu.yield
    }) : () -> ()
    "tpu.region"() ({
      %run_scoped3A = tpu.sem_alloc : memref<!tpu.dma_semaphore, #tpu.memory_space<semaphore_mem>>
      %dma_start3A = arith.constant 0 : i32
      %dma_start3A_125 = tpu.memref_slice %arg5[%arg0, %dma_start3A] : memref<2x64xf32, #tpu.memory_space<hbm>> -> memref<1x64xf32, #tpu.memory_space<hbm>>
      %dma_start3A_126 = tpu.memref_squeeze %dma_start3A_125 : memref<1x64xf32, #tpu.memory_space<hbm>> -> memref<64xf32, #tpu.memory_space<hbm>>
      %dma_start3A_127 = arith.constant 0 : i32
      %dma_start3A_128 = tpu.memref_slice %arg5[%arg0, %dma_start3A_127] : memref<2x64xf32, #tpu.memory_space<hbm>> -> memref<1x64xf32, #tpu.memory_space<hbm>>
      %dma_start3A_129 = tpu.memref_squeeze %dma_start3A_128 : memref<1x64xf32, #tpu.memory_space<hbm>> -> memref<64xf32, #tpu.memory_space<hbm>>
      tpu.enqueue_dma source(%dma_start3A_129 : memref<64xf32, #tpu.memory_space<hbm>>) target(%arg11 : memref<64xf32, #tpu.memory_space<vmem>>) target_semaphore(%run_scoped3A : memref<!tpu.dma_semaphore, #tpu.memory_space<semaphore_mem>>)
      %dma_wait3A = arith.constant 0 : i32
      %dma_wait3A_130 = tpu.memref_slice %arg5[%arg0, %dma_wait3A] : memref<2x64xf32, #tpu.memory_space<hbm>> -> memref<1x64xf32, #tpu.memory_space<hbm>>
      %dma_wait3A_131 = tpu.memref_squeeze %dma_wait3A_130 : memref<1x64xf32, #tpu.memory_space<hbm>> -> memref<64xf32, #tpu.memory_space<hbm>>
      %dma_wait3A_132 = arith.constant 0 : i32
      %dma_wait3A_133 = tpu.memref_slice %arg5[%arg0, %dma_wait3A_132] : memref<2x64xf32, #tpu.memory_space<hbm>> -> memref<1x64xf32, #tpu.memory_space<hbm>>
      %dma_wait3A_134 = tpu.memref_squeeze %dma_wait3A_133 : memref<1x64xf32, #tpu.memory_space<hbm>> -> memref<64xf32, #tpu.memory_space<hbm>>
      tpu.wait_dma2 semaphore(%run_scoped3A : memref<!tpu.dma_semaphore, #tpu.memory_space<semaphore_mem>>) src(%dma_wait3A_134 : memref<64xf32, #tpu.memory_space<hbm>>) dst(%arg11 : memref<64xf32, #tpu.memory_space<vmem>>)
      tpu.yield
    }) : () -> ()
    %scan3A = arith.constant 0 : i32
    %scan3A_0 = arith.constant 0 : i32
    %scan3A_1 = arith.constant 512 : i32
    %scan3A_2 = arith.addi %scan3A_0, %scan3A_1 : i32
    %scan3A_3 = arith.constant 1 : i32
    scf.for %scan3A_125 = %scan3A_0 to %scan3A_2 step %scan3A_3  : i32 {
      %jit3A = arith.constant 4 : i32
      %eq3A = arith.constant 0 : i32
      %eq3A_126 = arith.cmpi eq, %jit3A, %eq3A : i32
      %jit3A_127 = arith.constant 1 : i32
      %select_n3A = arith.select %eq3A_126, %jit3A_127, %jit3A : i32
      %rem3A = arith.remsi %scan3A_125, %select_n3A : i32
      %ne3A = arith.constant 0 : i32
      %ne3A_128 = arith.cmpi ne, %rem3A, %ne3A : i32
      %lt3A_129 = arith.constant 0 : i32
      %lt3A_130 = arith.cmpi slt, %rem3A, %lt3A_129 : i32
      %lt3A_131 = arith.constant 0 : i32
      %lt3A_132 = arith.cmpi slt, %select_n3A, %lt3A_131 : i32
      %ne3A_133 = arith.xori %lt3A_130, %lt3A_132 : i1
      %and3A_134 = arith.andi %ne3A_133, %ne3A_128 : i1
      %add3A_135 = arith.addi %rem3A, %select_n3A : i32
      %select_n3A_136 = arith.select %and3A_134, %add3A_135, %rem3A : i32
      %mul3A_137 = arith.constant 16 : i32
      %mul3A_138 = arith.muli %select_n3A_136, %mul3A_137 : i32
      %get3A = arith.index_cast %mul3A_138 : i32 to index
      %get3A_139 = tpu.vector_load %arg11[%get3A] {strides = array<i32>} : memref<64xf32, #tpu.memory_space<vmem>>, vector<16xf32>,
      %get3A_140 = vector.shape_cast %get3A_139 : vector<16xf32> to vector<16xf32>
      %jit3A_141 = arith.constant 4 : i32
      %div3A = arith.divsi %scan3A_125, %jit3A_141 : i32
      %sign3A = arith.constant 0 : i32
      %sign3A_142 = arith.cmpi sgt, %scan3A_125, %sign3A : i32
      %sign3A_143 = arith.extui %sign3A_142 : i1 to i32
      %sign3A_144 = arith.constant 0 : i32
      %sign3A_145 = arith.cmpi slt, %scan3A_125, %sign3A_144 : i32
      %sign3A_146 = arith.extui %sign3A_145 : i1 to i32
      %sign3A_147 = arith.subi %sign3A_143, %sign3A_146 : i32
      %sign3A_148 = arith.constant 0 : i32
      %sign3A_149 = arith.cmpi sgt, %jit3A_141, %sign3A_148 : i32
      %sign3A_150 = arith.extui %sign3A_149 : i1 to i32
      %sign3A_151 = arith.constant 0 : i32
      %sign3A_152 = arith.cmpi slt, %jit3A_141, %sign3A_151 : i32
      %sign3A_153 = arith.extui %sign3A_152 : i1 to i32
      %sign3A_154 = arith.subi %sign3A_150, %sign3A_153 : i32
      %ne3A_155 = arith.cmpi ne, %sign3A_147, %sign3A_154 : i32
      %rem3A_156 = arith.remsi %scan3A_125, %jit3A_141 : i32
      %ne3A_157 = arith.constant 0 : i32
      %ne3A_158 = arith.cmpi ne, %rem3A_156, %ne3A_157 : i32
      %and3A_159 = arith.andi %ne3A_155, %ne3A_158 : i1
      %sub3A = arith.constant 1 : i32
      %sub3A_160 = arith.subi %div3A, %sub3A : i32
      %select_n3A_161 = arith.select %and3A_159, %sub3A_160, %div3A : i32
      %mul3A_162 = arith.constant 16 : i32
      %mul3A_163 = arith.muli %select_n3A_136, %mul3A_162 : i32
      %swap3A = arith.index_cast %select_n3A_161 : i32 to index
      %swap3A_164 = arith.index_cast %mul3A_163 : i32 to index
      %swap3A_165 = tpu.vector_load %arg10[%swap3A, %swap3A_164] {strides = array<i32>} : memref<128x64xf32, #tpu.memory_space<vmem>>, vector<1x16xf32>,
      %swap3A_166 = vector.shape_cast %swap3A_165 : vector<1x16xf32> to vector<16xf32>
      %swap3A_167 = vector.shape_cast %get3A_140 : vector<16xf32> to vector<1x16xf32>
      tpu.vector_store %arg10[%swap3A, %swap3A_164], %swap3A_167 {strides = array<i32>} : memref<128x64xf32, #tpu.memory_space<vmem>>, vector<1x16xf32>,
    }
    %scan3A_4 = arith.constant 512 : i32
    %mul3A = arith.constant 640 : i32
    %mul3A_5 = arith.muli %arg1, %mul3A : i32
    %add3A = arith.constant 0 : i32
    %add3A_6 = arith.addi %mul3A_5, %add3A : i32
    "tpu.region"() ({
      %run_scoped3A = tpu.sem_alloc : memref<!tpu.dma_semaphore, #tpu.memory_space<semaphore_mem>>
      %dma_start3A = arith.constant 0 : i32
      %dma_start3A_125 = tpu.memref_slice %arg12[%add3A_6, %dma_start3A] : memref<10240x64xf32, #tpu.memory_space<vmem_shared>> -> memref<128x64xf32, #tpu.memory_space<vmem_shared>>
      %dma_start3A_126 = arith.constant 0 : i32
      %dma_start3A_127 = tpu.memref_slice %arg12[%add3A_6, %dma_start3A_126] : memref<10240x64xf32, #tpu.memory_space<vmem_shared>> -> memref<128x64xf32, #tpu.memory_space<vmem_shared>>
      tpu.enqueue_dma source(%arg10 : memref<128x64xf32, #tpu.memory_space<vmem>>) target(%dma_start3A_127 : memref<128x64xf32, #tpu.memory_space<vmem_shared>>) target_semaphore(%run_scoped3A : memref<!tpu.dma_semaphore, #tpu.memory_space<semaphore_mem>>)
      %dma_wait3A = arith.constant 0 : i32
      %dma_wait3A_128 = tpu.memref_slice %arg12[%add3A_6, %dma_wait3A] : memref<10240x64xf32, #tpu.memory_space<vmem_shared>> -> memref<128x64xf32, #tpu.memory_space<vmem_shared>>
      %dma_wait3A_129 = arith.constant 0 : i32
      %dma_wait3A_130 = tpu.memref_slice %arg12[%add3A_6, %dma_wait3A_129] : memref<10240x64xf32, #tpu.memory_space<vmem_shared>> -> memref<128x64xf32, #tpu.memory_space<vmem_shared>>
      tpu.wait_dma2 semaphore(%run_scoped3A : memref<!tpu.dma_semaphore, #tpu.memory_space<semaphore_mem>>) src(%arg10 : memref<128x64xf32, #tpu.memory_space<vmem>>) dst(%dma_wait3A_130 : memref<128x64xf32, #tpu.memory_space<vmem_shared>>)
      tpu.yield
    }) : () -> ()
    %add3A_7 = arith.constant 128 : i32
    %add3A_8 = arith.addi %mul3A_5, %add3A_7 : i32
    "tpu.region"() ({
      %run_scoped3A = tpu.sem_alloc : memref<!tpu.dma_semaphore, #tpu.memory_space<semaphore_mem>>
      %dma_start3A = arith.constant 0 : i32
      %dma_start3A_125 = tpu.memref_slice %arg12[%add3A_8, %dma_start3A] : memref<10240x64xf32, #tpu.memory_space<vmem_shared>> -> memref<128x64xf32, #tpu.memory_space<vmem_shared>>
      %dma_start3A_126 = arith.constant 0 : i32
      %dma_start3A_127 = tpu.memref_slice %arg12[%add3A_8, %dma_start3A_126] : memref<10240x64xf32, #tpu.memory_space<vmem_shared>> -> memref<128x64xf32, #tpu.memory_space<vmem_shared>>
      tpu.enqueue_dma source(%arg10 : memref<128x64xf32, #tpu.memory_space<vmem>>) target(%dma_start3A_127 : memref<128x64xf32, #tpu.memory_space<vmem_shared>>) target_semaphore(%run_scoped3A : memref<!tpu.dma_semaphore, #tpu.memory_space<semaphore_mem>>)
      %dma_wait3A = arith.constant 0 : i32
      %dma_wait3A_128 = tpu.memref_slice %arg12[%add3A_8, %dma_wait3A] : memref<10240x64xf32, #tpu.memory_space<vmem_shared>> -> memref<128x64xf32, #tpu.memory_space<vmem_shared>>
      %dma_wait3A_129 = arith.constant 0 : i32
      %dma_wait3A_130 = tpu.memref_slice %arg12[%add3A_8, %dma_wait3A_129] : memref<10240x64xf32, #tpu.memory_space<vmem_shared>> -> memref<128x64xf32, #tpu.memory_space<vmem_shared>>
      tpu.wait_dma2 semaphore(%run_scoped3A : memref<!tpu.dma_semaphore, #tpu.memory_space<semaphore_mem>>) src(%arg10 : memref<128x64xf32, #tpu.memory_space<vmem>>) dst(%dma_wait3A_130 : memref<128x64xf32, #tpu.memory_space<vmem_shared>>)
      tpu.yield
    }) : () -> ()
    %add3A_9 = arith.constant 256 : i32
    %add3A_10 = arith.addi %mul3A_5, %add3A_9 : i32
    "tpu.region"() ({
      %run_scoped3A = tpu.sem_alloc : memref<!tpu.dma_semaphore, #tpu.memory_space<semaphore_mem>>
      %dma_start3A = arith.constant 0 : i32
      %dma_start3A_125 = tpu.memref_slice %arg12[%add3A_10, %dma_start3A] : memref<10240x64xf32, #tpu.memory_space<vmem_shared>> -> memref<128x64xf32, #tpu.memory_space<vmem_shared>>
      %dma_start3A_126 = arith.constant 0 : i32
      %dma_start3A_127 = tpu.memref_slice %arg12[%add3A_10, %dma_start3A_126] : memref<10240x64xf32, #tpu.memory_space<vmem_shared>> -> memref<128x64xf32, #tpu.memory_space<vmem_shared>>
      tpu.enqueue_dma source(%arg10 : memref<128x64xf32, #tpu.memory_space<vmem>>) target(%dma_start3A_127 : memref<128x64xf32, #tpu.memory_space<vmem_shared>>) target_semaphore(%run_scoped3A : memref<!tpu.dma_semaphore, #tpu.memory_space<semaphore_mem>>)
      %dma_wait3A = arith.constant 0 : i32
      %dma_wait3A_128 = tpu.memref_slice %arg12[%add3A_10, %dma_wait3A] : memref<10240x64xf32, #tpu.memory_space<vmem_shared>> -> memref<128x64xf32, #tpu.memory_space<vmem_shared>>
      %dma_wait3A_129 = arith.constant 0 : i32
      %dma_wait3A_130 = tpu.memref_slice %arg12[%add3A_10, %dma_wait3A_129] : memref<10240x64xf32, #tpu.memory_space<vmem_shared>> -> memref<128x64xf32, #tpu.memory_space<vmem_shared>>
      tpu.wait_dma2 semaphore(%run_scoped3A : memref<!tpu.dma_semaphore, #tpu.memory_space<semaphore_mem>>) src(%arg10 : memref<128x64xf32, #tpu.memory_space<vmem>>) dst(%dma_wait3A_130 : memref<128x64xf32, #tpu.memory_space<vmem_shared>>)
      tpu.yield
    }) : () -> ()
    %add3A_11 = arith.constant 384 : i32
    %add3A_12 = arith.addi %mul3A_5, %add3A_11 : i32
    "tpu.region"() ({
      %run_scoped3A = tpu.sem_alloc : memref<!tpu.dma_semaphore, #tpu.memory_space<semaphore_mem>>
      %dma_start3A = arith.constant 0 : i32
      %dma_start3A_125 = tpu.memref_slice %arg12[%add3A_12, %dma_start3A] : memref<10240x64xf32, #tpu.memory_space<vmem_shared>> -> memref<128x64xf32, #tpu.memory_space<vmem_shared>>
      %dma_start3A_126 = arith.constant 0 : i32
      %dma_start3A_127 = tpu.memref_slice %arg12[%add3A_12, %dma_start3A_126] : memref<10240x64xf32, #tpu.memory_space<vmem_shared>> -> memref<128x64xf32, #tpu.memory_space<vmem_shared>>
      tpu.enqueue_dma source(%arg10 : memref<128x64xf32, #tpu.memory_space<vmem>>) target(%dma_start3A_127 : memref<128x64xf32, #tpu.memory_space<vmem_shared>>) target_semaphore(%run_scoped3A : memref<!tpu.dma_semaphore, #tpu.memory_space<semaphore_mem>>)
      %dma_wait3A = arith.constant 0 : i32
      %dma_wait3A_128 = tpu.memref_slice %arg12[%add3A_12, %dma_wait3A] : memref<10240x64xf32, #tpu.memory_space<vmem_shared>> -> memref<128x64xf32, #tpu.memory_space<vmem_shared>>
      %dma_wait3A_129 = arith.constant 0 : i32
      %dma_wait3A_130 = tpu.memref_slice %arg12[%add3A_12, %dma_wait3A_129] : memref<10240x64xf32, #tpu.memory_space<vmem_shared>> -> memref<128x64xf32, #tpu.memory_space<vmem_shared>>
      tpu.wait_dma2 semaphore(%run_scoped3A : memref<!tpu.dma_semaphore, #tpu.memory_space<semaphore_mem>>) src(%arg10 : memref<128x64xf32, #tpu.memory_space<vmem>>) dst(%dma_wait3A_130 : memref<128x64xf32, #tpu.memory_space<vmem_shared>>)
      tpu.yield
    }) : () -> ()
    %add3A_13 = arith.constant 512 : i32
    %add3A_14 = arith.addi %mul3A_5, %add3A_13 : i32
    "tpu.region"() ({
      %run_scoped3A = tpu.sem_alloc : memref<!tpu.dma_semaphore, #tpu.memory_space<semaphore_mem>>
      %dma_start3A = arith.constant 0 : i32
      %dma_start3A_125 = tpu.memref_slice %arg12[%add3A_14, %dma_start3A] : memref<10240x64xf32, #tpu.memory_space<vmem_shared>> -> memref<128x64xf32, #tpu.memory_space<vmem_shared>>
      %dma_start3A_126 = arith.constant 0 : i32
      %dma_start3A_127 = tpu.memref_slice %arg12[%add3A_14, %dma_start3A_126] : memref<10240x64xf32, #tpu.memory_space<vmem_shared>> -> memref<128x64xf32, #tpu.memory_space<vmem_shared>>
      tpu.enqueue_dma source(%arg10 : memref<128x64xf32, #tpu.memory_space<vmem>>) target(%dma_start3A_127 : memref<128x64xf32, #tpu.memory_space<vmem_shared>>) target_semaphore(%run_scoped3A : memref<!tpu.dma_semaphore, #tpu.memory_space<semaphore_mem>>)
      %dma_wait3A = arith.constant 0 : i32
      %dma_wait3A_128 = tpu.memref_slice %arg12[%add3A_14, %dma_wait3A] : memref<10240x64xf32, #tpu.memory_space<vmem_shared>> -> memref<128x64xf32, #tpu.memory_space<vmem_shared>>
      %dma_wait3A_129 = arith.constant 0 : i32
      %dma_wait3A_130 = tpu.memref_slice %arg12[%add3A_14, %dma_wait3A_129] : memref<10240x64xf32, #tpu.memory_space<vmem_shared>> -> memref<128x64xf32, #tpu.memory_space<vmem_shared>>
      tpu.wait_dma2 semaphore(%run_scoped3A : memref<!tpu.dma_semaphore, #tpu.memory_space<semaphore_mem>>) src(%arg10 : memref<128x64xf32, #tpu.memory_space<vmem>>) dst(%dma_wait3A_130 : memref<128x64xf32, #tpu.memory_space<vmem_shared>>)
      tpu.yield
    }) : () -> ()
    %barrier3A = arith.constant 0 : index
    tpu.barrier barrier_id(%barrier3A)
    %scan3A_15 = arith.constant 0 : i32
    %scan3A_16 = arith.constant 0 : i32
    %scan3A_17 = arith.constant 5 : i32
    %scan3A_18 = arith.addi %scan3A_16, %scan3A_17 : i32
    %scan3A_19 = arith.constant 1 : i32
    scf.for %scan3A_125 = %scan3A_16 to %scan3A_18 step %scan3A_19  : i32 {
      %add3A_126 = arith.constant 0 : i32
      %add3A_127 = arith.addi %add3A_126, %scan3A_125 : i32
      %add3A_128 = arith.constant 0 : i32
      %add3A_129 = arith.addi %add3A_128, %scan3A_125 : i32
      %dma_start3A = arith.constant 0 : i32
      %dma_start3A_130 = arith.constant 0 : i32
      %dma_start3A_131 = tpu.memref_slice %arg9[%add3A_129, %dma_start3A, %dma_start3A_130] : memref<10x40x64xf32, #tpu.memory_space<vmem>> -> memref<1x40x64xf32, #tpu.memory_space<vmem>>
      %dma_start3A_132 = tpu.memref_squeeze %dma_start3A_131 : memref<1x40x64xf32, #tpu.memory_space<vmem>> -> memref<40x64xf32, #tpu.memory_space<vmem>>
      %dma_start3A_133 = arith.constant 0 : i32
      %dma_start3A_134 = tpu.memref_slice %arg7[%add3A_127, %dma_start3A_133] : memref<500x40xi32, #tpu.memory_space<vmem>> -> memref<1x40xi32, #tpu.memory_space<vmem>>
      %dma_start3A_135 = tpu.memref_squeeze %dma_start3A_134 : memref<1x40xi32, #tpu.memory_space<vmem>> -> memref<40xi32, #tpu.memory_space<vmem>>
      %dma_start3A_136 = arith.constant 0 : i32
      %dma_start3A_137 = arith.constant 0 : i32
      %dma_start3A_138 = tpu.memref_slice %arg2[%arg0, %dma_start3A_136, %dma_start3A_137] : memref<2x10000x64xf32, #tpu.memory_space<hbm>> -> memref<1x10000x64xf32, #tpu.memory_space<hbm>>
      %dma_start3A_139 = tpu.memref_squeeze %dma_start3A_138 : memref<1x10000x64xf32, #tpu.memory_space<hbm>> -> memref<10000x64xf32, #tpu.memory_space<hbm>>
      %dma_start3A_140 = arith.constant 0 : i32
      %dma_start3A_141 = arith.constant 0 : i32
      %dma_start3A_142 = tpu.memref_slice %dma_start3A_139[%dma_start3A_140, %dma_start3A_141] : memref<10000x64xf32, #tpu.memory_space<hbm>> -> memref<10000x64xf32, #tpu.memory_space<hbm>>
      tpu.enqueue_indirect_dma source(%dma_start3A_142 : memref<10000x64xf32, #tpu.memory_space<hbm>>) target(%dma_start3A_132 : memref<40x64xf32, #tpu.memory_space<vmem>>) offsets(%dma_start3A_135 : memref<40xi32, #tpu.memory_space<vmem>>) semaphore(%arg13 : memref<!tpu.dma_semaphore, #tpu.memory_space<semaphore_mem>>)
    }
    %scan3A_20 = arith.constant 5 : i32
    %scan3A_21 = arith.constant 0 : i32
    %scan3A_22 = arith.constant 0 : i32
    %scan3A_23 = arith.constant 50 : i32
    %scan3A_24 = arith.addi %scan3A_22, %scan3A_23 : i32
    %scan3A_25 = arith.constant 1 : i32
    scf.for %scan3A_125 = %scan3A_22 to %scan3A_24 step %scan3A_25  : i32 {
      %mul3A_126 = arith.constant 2 : i32
      %mul3A_127 = arith.muli %mul3A_126, %scan3A_125 : i32
      %mul3A_128 = arith.constant 2 : i32
      %mul3A_129 = arith.muli %mul3A_128, %scan3A_125 : i32
      %add3A_130 = arith.constant 1 : i32
      %add3A_131 = arith.addi %mul3A_129, %add3A_130 : i32
      %gt3A_132 = arith.constant 0 : i32
      %gt3A_133 = arith.cmpi sgt, %scan3A_125, %gt3A_132 : i32
      %convert_element_type3A_134 = arith.extui %gt3A_133 : i1 to i32
      %cond3A_135 = arith.constant 0 : i32
      %cond3A_136 = arith.cmpi ne, %convert_element_type3A_134, %cond3A_135 : i32
      scf.if %cond3A_136 {
        %sub3A = arith.constant 1 : i32
        %sub3A_168 = arith.subi %mul3A_127, %sub3A : i32
        %scan3A_169 = arith.constant 0 : i32
        %scan3A_170 = arith.constant 0 : i32
        %scan3A_171 = arith.constant 5 : i32
        %scan3A_172 = arith.addi %scan3A_170, %scan3A_171 : i32
        %scan3A_173 = arith.constant 1 : i32
        scf.for %scan3A_175 = %scan3A_170 to %scan3A_172 step %scan3A_173  : i32 {
          %add3A_176 = arith.constant 5 : i32
          %add3A_177 = arith.addi %add3A_176, %scan3A_175 : i32
          %mul3A_178 = arith.constant 5 : i32
          %mul3A_179 = arith.muli %sub3A_168, %mul3A_178 : i32
          %add3A_180 = arith.addi %mul3A_179, %scan3A_175 : i32
          %dma_wait3A = arith.constant 0 : i32
          %dma_wait3A_181 = arith.constant 0 : i32
          %dma_wait3A_182 = tpu.memref_slice %arg9[%add3A_177, %dma_wait3A, %dma_wait3A_181] : memref<10x40x64xf32, #tpu.memory_space<vmem>> -> memref<1x40x64xf32, #tpu.memory_space<vmem>>
          %dma_wait3A_183 = tpu.memref_squeeze %dma_wait3A_182 : memref<1x40x64xf32, #tpu.memory_space<vmem>> -> memref<40x64xf32, #tpu.memory_space<vmem>>
          %dma_wait3A_184 = arith.constant 0 : i32
          %dma_wait3A_185 = tpu.memref_slice %arg8[%add3A_180, %dma_wait3A_184] : memref<500x40xi32, #tpu.memory_space<vmem>> -> memref<1x40xi32, #tpu.memory_space<vmem>>
          %dma_wait3A_186 = tpu.memref_squeeze %dma_wait3A_185 : memref<1x40xi32, #tpu.memory_space<vmem>> -> memref<40xi32, #tpu.memory_space<vmem>>
          %dma_wait3A_187 = arith.constant 0 : i32
          %dma_wait3A_188 = arith.constant 0 : i32
          %dma_wait3A_189 = tpu.memref_slice %arg12[%dma_wait3A_187, %dma_wait3A_188] : memref<10240x64xf32, #tpu.memory_space<vmem_shared>> -> memref<10240x64xf32, #tpu.memory_space<vmem_shared>>
          tpu.wait_indirect_dma semaphore(%arg16 : memref<!tpu.dma_semaphore, #tpu.memory_space<semaphore_mem>>) src(%dma_wait3A_183 : memref<40x64xf32, #tpu.memory_space<vmem>>) dst(%dma_wait3A_189 : memref<10240x64xf32, #tpu.memory_space<vmem_shared>>)
        }
        %scan3A_174 = arith.constant 5 : i32
      } else {
      }
      %scan3A_137 = arith.constant 0 : i32
      %scan3A_138 = arith.constant 0 : i32
      %scan3A_139 = arith.constant 5 : i32
      %scan3A_140 = arith.addi %scan3A_138, %scan3A_139 : i32
      %scan3A_141 = arith.constant 1 : i32
      scf.for %scan3A_168 = %scan3A_138 to %scan3A_140 step %scan3A_141  : i32 {
        %mul3A_169 = arith.constant 5 : i32
        %mul3A_170 = arith.muli %add3A_131, %mul3A_169 : i32
        %add3A_171 = arith.addi %mul3A_170, %scan3A_168 : i32
        %add3A_172 = arith.constant 5 : i32
        %add3A_173 = arith.addi %add3A_172, %scan3A_168 : i32
        %dma_start3A = arith.constant 0 : i32
        %dma_start3A_174 = arith.constant 0 : i32
        %dma_start3A_175 = tpu.memref_slice %arg9[%add3A_173, %dma_start3A, %dma_start3A_174] : memref<10x40x64xf32, #tpu.memory_space<vmem>> -> memref<1x40x64xf32, #tpu.memory_space<vmem>>
        %dma_start3A_176 = tpu.memref_squeeze %dma_start3A_175 : memref<1x40x64xf32, #tpu.memory_space<vmem>> -> memref<40x64xf32, #tpu.memory_space<vmem>>
        %dma_start3A_177 = arith.constant 0 : i32
        %dma_start3A_178 = tpu.memref_slice %arg7[%add3A_171, %dma_start3A_177] : memref<500x40xi32, #tpu.memory_space<vmem>> -> memref<1x40xi32, #tpu.memory_space<vmem>>
        %dma_start3A_179 = tpu.memref_squeeze %dma_start3A_178 : memref<1x40xi32, #tpu.memory_space<vmem>> -> memref<40xi32, #tpu.memory_space<vmem>>
        %dma_start3A_180 = arith.constant 0 : i32
        %dma_start3A_181 = arith.constant 0 : i32
        %dma_start3A_182 = tpu.memref_slice %arg2[%arg0, %dma_start3A_180, %dma_start3A_181] : memref<2x10000x64xf32, #tpu.memory_space<hbm>> -> memref<1x10000x64xf32, #tpu.memory_space<hbm>>
        %dma_start3A_183 = tpu.memref_squeeze %dma_start3A_182 : memref<1x10000x64xf32, #tpu.memory_space<hbm>> -> memref<10000x64xf32, #tpu.memory_space<hbm>>
        %dma_start3A_184 = arith.constant 0 : i32
        %dma_start3A_185 = arith.constant 0 : i32
        %dma_start3A_186 = tpu.memref_slice %dma_start3A_183[%dma_start3A_184, %dma_start3A_185] : memref<10000x64xf32, #tpu.memory_space<hbm>> -> memref<10000x64xf32, #tpu.memory_space<hbm>>
        tpu.enqueue_indirect_dma source(%dma_start3A_186 : memref<10000x64xf32, #tpu.memory_space<hbm>>) target(%dma_start3A_176 : memref<40x64xf32, #tpu.memory_space<vmem>>) offsets(%dma_start3A_179 : memref<40xi32, #tpu.memory_space<vmem>>) semaphore(%arg14 : memref<!tpu.dma_semaphore, #tpu.memory_space<semaphore_mem>>)
      }
      %scan3A_142 = arith.constant 5 : i32
      %scan3A_143 = arith.constant 0 : i32
      %scan3A_144 = arith.constant 0 : i32
      %scan3A_145 = arith.constant 5 : i32
      %scan3A_146 = arith.addi %scan3A_144, %scan3A_145 : i32
      %scan3A_147 = arith.constant 1 : i32
      scf.for %scan3A_168 = %scan3A_144 to %scan3A_146 step %scan3A_147  : i32 {
        %mul3A_169 = arith.constant 5 : i32
        %mul3A_170 = arith.muli %mul3A_127, %mul3A_169 : i32
        %add3A_171 = arith.addi %mul3A_170, %scan3A_168 : i32
        %add3A_172 = arith.constant 0 : i32
        %add3A_173 = arith.addi %add3A_172, %scan3A_168 : i32
        %dma_wait3A = arith.constant 0 : i32
        %dma_wait3A_174 = arith.constant 0 : i32
        %dma_wait3A_175 = tpu.memref_slice %arg9[%add3A_173, %dma_wait3A, %dma_wait3A_174] : memref<10x40x64xf32, #tpu.memory_space<vmem>> -> memref<1x40x64xf32, #tpu.memory_space<vmem>>
        %dma_wait3A_176 = tpu.memref_squeeze %dma_wait3A_175 : memref<1x40x64xf32, #tpu.memory_space<vmem>> -> memref<40x64xf32, #tpu.memory_space<vmem>>
        %dma_wait3A_177 = arith.constant 0 : i32
        %dma_wait3A_178 = tpu.memref_slice %arg7[%add3A_171, %dma_wait3A_177] : memref<500x40xi32, #tpu.memory_space<vmem>> -> memref<1x40xi32, #tpu.memory_space<vmem>>
        %dma_wait3A_179 = tpu.memref_squeeze %dma_wait3A_178 : memref<1x40xi32, #tpu.memory_space<vmem>> -> memref<40xi32, #tpu.memory_space<vmem>>
        %dma_wait3A_180 = arith.constant 0 : i32
        %dma_wait3A_181 = arith.constant 0 : i32
        %dma_wait3A_182 = tpu.memref_slice %arg2[%arg0, %dma_wait3A_180, %dma_wait3A_181] : memref<2x10000x64xf32, #tpu.memory_space<hbm>> -> memref<1x10000x64xf32, #tpu.memory_space<hbm>>
        %dma_wait3A_183 = tpu.memref_squeeze %dma_wait3A_182 : memref<1x10000x64xf32, #tpu.memory_space<hbm>> -> memref<10000x64xf32, #tpu.memory_space<hbm>>
        %dma_wait3A_184 = arith.constant 0 : i32
        %dma_wait3A_185 = arith.constant 0 : i32
        %dma_wait3A_186 = tpu.memref_slice %dma_wait3A_183[%dma_wait3A_184, %dma_wait3A_185] : memref<10000x64xf32, #tpu.memory_space<hbm>> -> memref<10000x64xf32, #tpu.memory_space<hbm>>
        tpu.wait_indirect_dma semaphore(%arg13 : memref<!tpu.dma_semaphore, #tpu.memory_space<semaphore_mem>>) src(%dma_wait3A_186 : memref<10000x64xf32, #tpu.memory_space<hbm>>) dst(%dma_wait3A_176 : memref<40x64xf32, #tpu.memory_space<vmem>>)
        %add3A_187 = arith.constant 0 : i32
        %add3A_188 = arith.addi %add3A_187, %scan3A_168 : i32
        %mul3A_189 = arith.constant 5 : i32
        %mul3A_190 = arith.muli %mul3A_127, %mul3A_189 : i32
        %add3A_191 = arith.addi %mul3A_190, %scan3A_168 : i32
        %dma_start3A = arith.constant 0 : i32
        %dma_start3A_192 = arith.constant 0 : i32
        %dma_start3A_193 = tpu.memref_slice %arg9[%add3A_188, %dma_start3A, %dma_start3A_192] : memref<10x40x64xf32, #tpu.memory_space<vmem>> -> memref<1x40x64xf32, #tpu.memory_space<vmem>>
        %dma_start3A_194 = tpu.memref_squeeze %dma_start3A_193 : memref<1x40x64xf32, #tpu.memory_space<vmem>> -> memref<40x64xf32, #tpu.memory_space<vmem>>
        %dma_start3A_195 = arith.constant 0 : i32
        %dma_start3A_196 = tpu.memref_slice %arg8[%add3A_191, %dma_start3A_195] : memref<500x40xi32, #tpu.memory_space<vmem>> -> memref<1x40xi32, #tpu.memory_space<vmem>>
        %dma_start3A_197 = tpu.memref_squeeze %dma_start3A_196 : memref<1x40xi32, #tpu.memory_space<vmem>> -> memref<40xi32, #tpu.memory_space<vmem>>
        %dma_start3A_198 = arith.constant 0 : i32
        %dma_start3A_199 = arith.constant 0 : i32
        %dma_start3A_200 = tpu.memref_slice %arg12[%dma_start3A_198, %dma_start3A_199] : memref<10240x64xf32, #tpu.memory_space<vmem_shared>> -> memref<10240x64xf32, #tpu.memory_space<vmem_shared>>
        tpu.enqueue_indirect_dma source(%dma_start3A_194 : memref<40x64xf32, #tpu.memory_space<vmem>>) target(%dma_start3A_200 : memref<10240x64xf32, #tpu.memory_space<vmem_shared>>) offsets(%dma_start3A_197 : memref<40xi32, #tpu.memory_space<vmem>>) semaphore(%arg15 : memref<!tpu.dma_semaphore, #tpu.memory_space<semaphore_mem>>) {add = true}
      }
      %scan3A_148 = arith.constant 5 : i32
      %scan3A_149 = arith.constant 0 : i32
      %scan3A_150 = arith.constant 0 : i32
      %scan3A_151 = arith.constant 5 : i32
      %scan3A_152 = arith.addi %scan3A_150, %scan3A_151 : i32
      %scan3A_153 = arith.constant 1 : i32
      scf.for %scan3A_168 = %scan3A_150 to %scan3A_152 step %scan3A_153  : i32 {
        %add3A_169 = arith.constant 0 : i32
        %add3A_170 = arith.addi %add3A_169, %scan3A_168 : i32
        %mul3A_171 = arith.constant 5 : i32
        %mul3A_172 = arith.muli %mul3A_127, %mul3A_171 : i32
        %add3A_173 = arith.addi %mul3A_172, %scan3A_168 : i32
        %dma_wait3A = arith.constant 0 : i32
        %dma_wait3A_174 = arith.constant 0 : i32
        %dma_wait3A_175 = tpu.memref_slice %arg9[%add3A_170, %dma_wait3A, %dma_wait3A_174] : memref<10x40x64xf32, #tpu.memory_space<vmem>> -> memref<1x40x64xf32, #tpu.memory_space<vmem>>
        %dma_wait3A_176 = tpu.memref_squeeze %dma_wait3A_175 : memref<1x40x64xf32, #tpu.memory_space<vmem>> -> memref<40x64xf32, #tpu.memory_space<vmem>>
        %dma_wait3A_177 = arith.constant 0 : i32
        %dma_wait3A_178 = tpu.memref_slice %arg8[%add3A_173, %dma_wait3A_177] : memref<500x40xi32, #tpu.memory_space<vmem>> -> memref<1x40xi32, #tpu.memory_space<vmem>>
        %dma_wait3A_179 = tpu.memref_squeeze %dma_wait3A_178 : memref<1x40xi32, #tpu.memory_space<vmem>> -> memref<40xi32, #tpu.memory_space<vmem>>
        %dma_wait3A_180 = arith.constant 0 : i32
        %dma_wait3A_181 = arith.constant 0 : i32
        %dma_wait3A_182 = tpu.memref_slice %arg12[%dma_wait3A_180, %dma_wait3A_181] : memref<10240x64xf32, #tpu.memory_space<vmem_shared>> -> memref<10240x64xf32, #tpu.memory_space<vmem_shared>>
        tpu.wait_indirect_dma semaphore(%arg15 : memref<!tpu.dma_semaphore, #tpu.memory_space<semaphore_mem>>) src(%dma_wait3A_176 : memref<40x64xf32, #tpu.memory_space<vmem>>) dst(%dma_wait3A_182 : memref<10240x64xf32, #tpu.memory_space<vmem_shared>>)
      }
      %scan3A_154 = arith.constant 5 : i32
      %add3A_155 = arith.constant 1 : i32
      %add3A_156 = arith.addi %scan3A_125, %add3A_155 : i32
      %lt3A_157 = arith.constant 50 : i32
      %lt3A_158 = arith.cmpi slt, %add3A_156, %lt3A_157 : i32
      %convert_element_type3A_159 = arith.extui %lt3A_158 : i1 to i32
      %cond3A_160 = arith.constant 0 : i32
      %cond3A_161 = arith.cmpi ne, %convert_element_type3A_159, %cond3A_160 : i32
      scf.if %cond3A_161 {
        %add3A_168 = arith.constant 2 : i32
        %add3A_169 = arith.addi %mul3A_127, %add3A_168 : i32
        %scan3A_170 = arith.constant 0 : i32
        %scan3A_171 = arith.constant 0 : i32
        %scan3A_172 = arith.constant 5 : i32
        %scan3A_173 = arith.addi %scan3A_171, %scan3A_172 : i32
        %scan3A_174 = arith.constant 1 : i32
        scf.for %scan3A_176 = %scan3A_171 to %scan3A_173 step %scan3A_174  : i32 {
          %mul3A_177 = arith.constant 5 : i32
          %mul3A_178 = arith.muli %add3A_169, %mul3A_177 : i32
          %add3A_179 = arith.addi %mul3A_178, %scan3A_176 : i32
          %add3A_180 = arith.constant 0 : i32
          %add3A_181 = arith.addi %add3A_180, %scan3A_176 : i32
          %dma_start3A = arith.constant 0 : i32
          %dma_start3A_182 = arith.constant 0 : i32
          %dma_start3A_183 = tpu.memref_slice %arg9[%add3A_181, %dma_start3A, %dma_start3A_182] : memref<10x40x64xf32, #tpu.memory_space<vmem>> -> memref<1x40x64xf32, #tpu.memory_space<vmem>>
          %dma_start3A_184 = tpu.memref_squeeze %dma_start3A_183 : memref<1x40x64xf32, #tpu.memory_space<vmem>> -> memref<40x64xf32, #tpu.memory_space<vmem>>
          %dma_start3A_185 = arith.constant 0 : i32
          %dma_start3A_186 = tpu.memref_slice %arg7[%add3A_179, %dma_start3A_185] : memref<500x40xi32, #tpu.memory_space<vmem>> -> memref<1x40xi32, #tpu.memory_space<vmem>>
          %dma_start3A_187 = tpu.memref_squeeze %dma_start3A_186 : memref<1x40xi32, #tpu.memory_space<vmem>> -> memref<40xi32, #tpu.memory_space<vmem>>
          %dma_start3A_188 = arith.constant 0 : i32
          %dma_start3A_189 = arith.constant 0 : i32
          %dma_start3A_190 = tpu.memref_slice %arg2[%arg0, %dma_start3A_188, %dma_start3A_189] : memref<2x10000x64xf32, #tpu.memory_space<hbm>> -> memref<1x10000x64xf32, #tpu.memory_space<hbm>>
          %dma_start3A_191 = tpu.memref_squeeze %dma_start3A_190 : memref<1x10000x64xf32, #tpu.memory_space<hbm>> -> memref<10000x64xf32, #tpu.memory_space<hbm>>
          %dma_start3A_192 = arith.constant 0 : i32
          %dma_start3A_193 = arith.constant 0 : i32
          %dma_start3A_194 = tpu.memref_slice %dma_start3A_191[%dma_start3A_192, %dma_start3A_193] : memref<10000x64xf32, #tpu.memory_space<hbm>> -> memref<10000x64xf32, #tpu.memory_space<hbm>>
          tpu.enqueue_indirect_dma source(%dma_start3A_194 : memref<10000x64xf32, #tpu.memory_space<hbm>>) target(%dma_start3A_184 : memref<40x64xf32, #tpu.memory_space<vmem>>) offsets(%dma_start3A_187 : memref<40xi32, #tpu.memory_space<vmem>>) semaphore(%arg13 : memref<!tpu.dma_semaphore, #tpu.memory_space<semaphore_mem>>)
        }
        %scan3A_175 = arith.constant 5 : i32
      } else {
      }
      %scan3A_162 = arith.constant 0 : i32
      %scan3A_163 = arith.constant 0 : i32
      %scan3A_164 = arith.constant 5 : i32
      %scan3A_165 = arith.addi %scan3A_163, %scan3A_164 : i32
      %scan3A_166 = arith.constant 1 : i32
      scf.for %scan3A_168 = %scan3A_163 to %scan3A_165 step %scan3A_166  : i32 {
        %mul3A_169 = arith.constant 5 : i32
        %mul3A_170 = arith.muli %add3A_131, %mul3A_169 : i32
        %add3A_171 = arith.addi %mul3A_170, %scan3A_168 : i32
        %add3A_172 = arith.constant 5 : i32
        %add3A_173 = arith.addi %add3A_172, %scan3A_168 : i32
        %dma_wait3A = arith.constant 0 : i32
        %dma_wait3A_174 = arith.constant 0 : i32
        %dma_wait3A_175 = tpu.memref_slice %arg9[%add3A_173, %dma_wait3A, %dma_wait3A_174] : memref<10x40x64xf32, #tpu.memory_space<vmem>> -> memref<1x40x64xf32, #tpu.memory_space<vmem>>
        %dma_wait3A_176 = tpu.memref_squeeze %dma_wait3A_175 : memref<1x40x64xf32, #tpu.memory_space<vmem>> -> memref<40x64xf32, #tpu.memory_space<vmem>>
        %dma_wait3A_177 = arith.constant 0 : i32
        %dma_wait3A_178 = tpu.memref_slice %arg7[%add3A_171, %dma_wait3A_177] : memref<500x40xi32, #tpu.memory_space<vmem>> -> memref<1x40xi32, #tpu.memory_space<vmem>>
        %dma_wait3A_179 = tpu.memref_squeeze %dma_wait3A_178 : memref<1x40xi32, #tpu.memory_space<vmem>> -> memref<40xi32, #tpu.memory_space<vmem>>
        %dma_wait3A_180 = arith.constant 0 : i32
        %dma_wait3A_181 = arith.constant 0 : i32
        %dma_wait3A_182 = tpu.memref_slice %arg2[%arg0, %dma_wait3A_180, %dma_wait3A_181] : memref<2x10000x64xf32, #tpu.memory_space<hbm>> -> memref<1x10000x64xf32, #tpu.memory_space<hbm>>
        %dma_wait3A_183 = tpu.memref_squeeze %dma_wait3A_182 : memref<1x10000x64xf32, #tpu.memory_space<hbm>> -> memref<10000x64xf32, #tpu.memory_space<hbm>>
        %dma_wait3A_184 = arith.constant 0 : i32
        %dma_wait3A_185 = arith.constant 0 : i32
        %dma_wait3A_186 = tpu.memref_slice %dma_wait3A_183[%dma_wait3A_184, %dma_wait3A_185] : memref<10000x64xf32, #tpu.memory_space<hbm>> -> memref<10000x64xf32, #tpu.memory_space<hbm>>
        tpu.wait_indirect_dma semaphore(%arg14 : memref<!tpu.dma_semaphore, #tpu.memory_space<semaphore_mem>>) src(%dma_wait3A_186 : memref<10000x64xf32, #tpu.memory_space<hbm>>) dst(%dma_wait3A_176 : memref<40x64xf32, #tpu.memory_space<vmem>>)
        %add3A_187 = arith.constant 5 : i32
        %add3A_188 = arith.addi %add3A_187, %scan3A_168 : i32
        %mul3A_189 = arith.constant 5 : i32
        %mul3A_190 = arith.muli %add3A_131, %mul3A_189 : i32
        %add3A_191 = arith.addi %mul3A_190, %scan3A_168 : i32
        %dma_start3A = arith.constant 0 : i32
        %dma_start3A_192 = arith.constant 0 : i32
        %dma_start3A_193 = tpu.memref_slice %arg9[%add3A_188, %dma_start3A, %dma_start3A_192] : memref<10x40x64xf32, #tpu.memory_space<vmem>> -> memref<1x40x64xf32, #tpu.memory_space<vmem>>
        %dma_start3A_194 = tpu.memref_squeeze %dma_start3A_193 : memref<1x40x64xf32, #tpu.memory_space<vmem>> -> memref<40x64xf32, #tpu.memory_space<vmem>>
        %dma_start3A_195 = arith.constant 0 : i32
        %dma_start3A_196 = tpu.memref_slice %arg8[%add3A_191, %dma_start3A_195] : memref<500x40xi32, #tpu.memory_space<vmem>> -> memref<1x40xi32, #tpu.memory_space<vmem>>
        %dma_start3A_197 = tpu.memref_squeeze %dma_start3A_196 : memref<1x40xi32, #tpu.memory_space<vmem>> -> memref<40xi32, #tpu.memory_space<vmem>>
        %dma_start3A_198 = arith.constant 0 : i32
        %dma_start3A_199 = arith.constant 0 : i32
        %dma_start3A_200 = tpu.memref_slice %arg12[%dma_start3A_198, %dma_start3A_199] : memref<10240x64xf32, #tpu.memory_space<vmem_shared>> -> memref<10240x64xf32, #tpu.memory_space<vmem_shared>>
        tpu.enqueue_indirect_dma source(%dma_start3A_194 : memref<40x64xf32, #tpu.memory_space<vmem>>) target(%dma_start3A_200 : memref<10240x64xf32, #tpu.memory_space<vmem_shared>>) offsets(%dma_start3A_197 : memref<40xi32, #tpu.memory_space<vmem>>) semaphore(%arg16 : memref<!tpu.dma_semaphore, #tpu.memory_space<semaphore_mem>>) {add = true}
      }
      %scan3A_167 = arith.constant 5 : i32
    }
    %scan3A_26 = arith.constant 50 : i32
    %scan3A_27 = arith.constant 0 : i32
    %scan3A_28 = arith.constant 0 : i32
    %scan3A_29 = arith.constant 5 : i32
    %scan3A_30 = arith.addi %scan3A_28, %scan3A_29 : i32
    %scan3A_31 = arith.constant 1 : i32
    scf.for %scan3A_125 = %scan3A_28 to %scan3A_30 step %scan3A_31  : i32 {
      %add3A_126 = arith.constant 5 : i32
      %add3A_127 = arith.addi %add3A_126, %scan3A_125 : i32
      %add3A_128 = arith.constant 495 : i32
      %add3A_129 = arith.addi %add3A_128, %scan3A_125 : i32
      %dma_wait3A = arith.constant 0 : i32
      %dma_wait3A_130 = arith.constant 0 : i32
      %dma_wait3A_131 = tpu.memref_slice %arg9[%add3A_127, %dma_wait3A, %dma_wait3A_130] : memref<10x40x64xf32, #tpu.memory_space<vmem>> -> memref<1x40x64xf32, #tpu.memory_space<vmem>>
      %dma_wait3A_132 = tpu.memref_squeeze %dma_wait3A_131 : memref<1x40x64xf32, #tpu.memory_space<vmem>> -> memref<40x64xf32, #tpu.memory_space<vmem>>
      %dma_wait3A_133 = arith.constant 0 : i32
      %dma_wait3A_134 = tpu.memref_slice %arg8[%add3A_129, %dma_wait3A_133] : memref<500x40xi32, #tpu.memory_space<vmem>> -> memref<1x40xi32, #tpu.memory_space<vmem>>
      %dma_wait3A_135 = tpu.memref_squeeze %dma_wait3A_134 : memref<1x40xi32, #tpu.memory_space<vmem>> -> memref<40xi32, #tpu.memory_space<vmem>>
      %dma_wait3A_136 = arith.constant 0 : i32
      %dma_wait3A_137 = arith.constant 0 : i32
      %dma_wait3A_138 = tpu.memref_slice %arg12[%dma_wait3A_136, %dma_wait3A_137] : memref<10240x64xf32, #tpu.memory_space<vmem_shared>> -> memref<10240x64xf32, #tpu.memory_space<vmem_shared>>
      tpu.wait_indirect_dma semaphore(%arg16 : memref<!tpu.dma_semaphore, #tpu.memory_space<semaphore_mem>>) src(%dma_wait3A_132 : memref<40x64xf32, #tpu.memory_space<vmem>>) dst(%dma_wait3A_138 : memref<10240x64xf32, #tpu.memory_space<vmem_shared>>)
    }
    %scan3A_32 = arith.constant 5 : i32
    %barrier3A_33 = arith.constant 0 : index
    tpu.barrier barrier_id(%barrier3A_33)
    %mul3A_34 = arith.constant 64 : i32
    %mul3A_35 = arith.muli %arg0, %mul3A_34 : i32
    %add3A_36 = arith.constant 0 : i32
    %add3A_37 = arith.addi %mul3A_5, %add3A_36 : i32
    %add3A_38 = arith.constant 128 : i32
    %add3A_39 = arith.addi %add3A_37, %add3A_38 : i32
    %le3A = arith.constant 10000 : i32
    %le3A_40 = arith.cmpi sle, %add3A_39, %le3A : i32
    %convert_element_type3A = arith.extui %le3A_40 : i1 to i32
    %cond3A = arith.constant 0 : i32
    %cond3A_41 = arith.cmpi ne, %convert_element_type3A, %cond3A : i32
    scf.if %cond3A_41 {
      "tpu.region"() ({
        %run_scoped3A = tpu.sem_alloc : memref<!tpu.dma_semaphore, #tpu.memory_space<semaphore_mem>>
        %dma_start3A = tpu.memref_slice %arg6[%add3A_37, %mul3A_35] : memref<10000x128xf32, #tpu.memory_space<hbm>> -> memref<128x64xf32, #tpu.memory_space<hbm>>
        %dma_start3A_125 = arith.constant 0 : i32
        %dma_start3A_126 = tpu.memref_slice %arg12[%add3A_37, %dma_start3A_125] : memref<10240x64xf32, #tpu.memory_space<vmem_shared>> -> memref<128x64xf32, #tpu.memory_space<vmem_shared>>
        tpu.enqueue_dma source(%dma_start3A_126 : memref<128x64xf32, #tpu.memory_space<vmem_shared>>) target(%dma_start3A : memref<128x64xf32, #tpu.memory_space<hbm>>) target_semaphore(%run_scoped3A : memref<!tpu.dma_semaphore, #tpu.memory_space<semaphore_mem>>)
        %dma_wait3A = tpu.memref_slice %arg6[%add3A_37, %mul3A_35] : memref<10000x128xf32, #tpu.memory_space<hbm>> -> memref<128x64xf32, #tpu.memory_space<hbm>>
        %dma_wait3A_127 = arith.constant 0 : i32
        %dma_wait3A_128 = tpu.memref_slice %arg12[%add3A_37, %dma_wait3A_127] : memref<10240x64xf32, #tpu.memory_space<vmem_shared>> -> memref<128x64xf32, #tpu.memory_space<vmem_shared>>
        tpu.wait_dma2 semaphore(%run_scoped3A : memref<!tpu.dma_semaphore, #tpu.memory_space<semaphore_mem>>) src(%dma_wait3A_128 : memref<128x64xf32, #tpu.memory_space<vmem_shared>>) dst(%dma_wait3A : memref<128x64xf32, #tpu.memory_space<hbm>>)
        tpu.yield
      }) : () -> ()
    } else {
    }
    %lt3A = arith.constant 10000 : i32
    %lt3A_42 = arith.cmpi slt, %add3A_37, %lt3A : i32
    %add3A_43 = arith.constant 128 : i32
    %add3A_44 = arith.addi %add3A_37, %add3A_43 : i32
    %gt3A = arith.constant 10000 : i32
    %gt3A_45 = arith.cmpi sgt, %add3A_44, %gt3A : i32
    %and3A = arith.andi %lt3A_42, %gt3A_45 : i1
    %convert_element_type3A_46 = arith.extui %and3A : i1 to i32
    %cond3A_47 = arith.constant 0 : i32
    %cond3A_48 = arith.cmpi ne, %convert_element_type3A_46, %cond3A_47 : i32
    scf.if %cond3A_48 {
      "tpu.region"() ({
        %run_scoped3A = tpu.sem_alloc : memref<!tpu.dma_semaphore, #tpu.memory_space<semaphore_mem>>
        %dma_start3A = tpu.memref_slice %arg6[%add3A_37, %mul3A_35] : memref<10000x128xf32, #tpu.memory_space<hbm>> -> memref<16x64xf32, #tpu.memory_space<hbm>>
        %dma_start3A_125 = arith.constant 0 : i32
        %dma_start3A_126 = tpu.memref_slice %arg12[%add3A_37, %dma_start3A_125] : memref<10240x64xf32, #tpu.memory_space<vmem_shared>> -> memref<16x64xf32, #tpu.memory_space<vmem_shared>>
        tpu.enqueue_dma source(%dma_start3A_126 : memref<16x64xf32, #tpu.memory_space<vmem_shared>>) target(%dma_start3A : memref<16x64xf32, #tpu.memory_space<hbm>>) target_semaphore(%run_scoped3A : memref<!tpu.dma_semaphore, #tpu.memory_space<semaphore_mem>>)
        %dma_wait3A = tpu.memref_slice %arg6[%add3A_37, %mul3A_35] : memref<10000x128xf32, #tpu.memory_space<hbm>> -> memref<16x64xf32, #tpu.memory_space<hbm>>
        %dma_wait3A_127 = arith.constant 0 : i32
        %dma_wait3A_128 = tpu.memref_slice %arg12[%add3A_37, %dma_wait3A_127] : memref<10240x64xf32, #tpu.memory_space<vmem_shared>> -> memref<16x64xf32, #tpu.memory_space<vmem_shared>>
        tpu.wait_dma2 semaphore(%run_scoped3A : memref<!tpu.dma_semaphore, #tpu.memory_space<semaphore_mem>>) src(%dma_wait3A_128 : memref<16x64xf32, #tpu.memory_space<vmem_shared>>) dst(%dma_wait3A : memref<16x64xf32, #tpu.memory_space<hbm>>)
        tpu.yield
      }) : () -> ()
    } else {
    }
    %add3A_49 = arith.constant 128 : i32
    %add3A_50 = arith.addi %mul3A_5, %add3A_49 : i32
    %add3A_51 = arith.constant 128 : i32
    %add3A_52 = arith.addi %add3A_50, %add3A_51 : i32
    %le3A_53 = arith.constant 10000 : i32
    %le3A_54 = arith.cmpi sle, %add3A_52, %le3A_53 : i32
    %convert_element_type3A_55 = arith.extui %le3A_54 : i1 to i32
    %cond3A_56 = arith.constant 0 : i32
    %cond3A_57 = arith.cmpi ne, %convert_element_type3A_55, %cond3A_56 : i32
    scf.if %cond3A_57 {
      "tpu.region"() ({
        %run_scoped3A = tpu.sem_alloc : memref<!tpu.dma_semaphore, #tpu.memory_space<semaphore_mem>>
        %dma_start3A = tpu.memref_slice %arg6[%add3A_50, %mul3A_35] : memref<10000x128xf32, #tpu.memory_space<hbm>> -> memref<128x64xf32, #tpu.memory_space<hbm>>
        %dma_start3A_125 = arith.constant 0 : i32
        %dma_start3A_126 = tpu.memref_slice %arg12[%add3A_50, %dma_start3A_125] : memref<10240x64xf32, #tpu.memory_space<vmem_shared>> -> memref<128x64xf32, #tpu.memory_space<vmem_shared>>
        tpu.enqueue_dma source(%dma_start3A_126 : memref<128x64xf32, #tpu.memory_space<vmem_shared>>) target(%dma_start3A : memref<128x64xf32, #tpu.memory_space<hbm>>) target_semaphore(%run_scoped3A : memref<!tpu.dma_semaphore, #tpu.memory_space<semaphore_mem>>)
        %dma_wait3A = tpu.memref_slice %arg6[%add3A_50, %mul3A_35] : memref<10000x128xf32, #tpu.memory_space<hbm>> -> memref<128x64xf32, #tpu.memory_space<hbm>>
        %dma_wait3A_127 = arith.constant 0 : i32
        %dma_wait3A_128 = tpu.memref_slice %arg12[%add3A_50, %dma_wait3A_127] : memref<10240x64xf32, #tpu.memory_space<vmem_shared>> -> memref<128x64xf32, #tpu.memory_space<vmem_shared>>
        tpu.wait_dma2 semaphore(%run_scoped3A : memref<!tpu.dma_semaphore, #tpu.memory_space<semaphore_mem>>) src(%dma_wait3A_128 : memref<128x64xf32, #tpu.memory_space<vmem_shared>>) dst(%dma_wait3A : memref<128x64xf32, #tpu.memory_space<hbm>>)
        tpu.yield
      }) : () -> ()
    } else {
    }
    %lt3A_58 = arith.constant 10000 : i32
    %lt3A_59 = arith.cmpi slt, %add3A_50, %lt3A_58 : i32
    %add3A_60 = arith.constant 128 : i32
    %add3A_61 = arith.addi %add3A_50, %add3A_60 : i32
    %gt3A_62 = arith.constant 10000 : i32
    %gt3A_63 = arith.cmpi sgt, %add3A_61, %gt3A_62 : i32
    %and3A_64 = arith.andi %lt3A_59, %gt3A_63 : i1
    %convert_element_type3A_65 = arith.extui %and3A_64 : i1 to i32
    %cond3A_66 = arith.constant 0 : i32
    %cond3A_67 = arith.cmpi ne, %convert_element_type3A_65, %cond3A_66 : i32
    scf.if %cond3A_67 {
      "tpu.region"() ({
        %run_scoped3A = tpu.sem_alloc : memref<!tpu.dma_semaphore, #tpu.memory_space<semaphore_mem>>
        %dma_start3A = tpu.memref_slice %arg6[%add3A_50, %mul3A_35] : memref<10000x128xf32, #tpu.memory_space<hbm>> -> memref<16x64xf32, #tpu.memory_space<hbm>>
        %dma_start3A_125 = arith.constant 0 : i32
        %dma_start3A_126 = tpu.memref_slice %arg12[%add3A_50, %dma_start3A_125] : memref<10240x64xf32, #tpu.memory_space<vmem_shared>> -> memref<16x64xf32, #tpu.memory_space<vmem_shared>>
        tpu.enqueue_dma source(%dma_start3A_126 : memref<16x64xf32, #tpu.memory_space<vmem_shared>>) target(%dma_start3A : memref<16x64xf32, #tpu.memory_space<hbm>>) target_semaphore(%run_scoped3A : memref<!tpu.dma_semaphore, #tpu.memory_space<semaphore_mem>>)
        %dma_wait3A = tpu.memref_slice %arg6[%add3A_50, %mul3A_35] : memref<10000x128xf32, #tpu.memory_space<hbm>> -> memref<16x64xf32, #tpu.memory_space<hbm>>
        %dma_wait3A_127 = arith.constant 0 : i32
        %dma_wait3A_128 = tpu.memref_slice %arg12[%add3A_50, %dma_wait3A_127] : memref<10240x64xf32, #tpu.memory_space<vmem_shared>> -> memref<16x64xf32, #tpu.memory_space<vmem_shared>>
        tpu.wait_dma2 semaphore(%run_scoped3A : memref<!tpu.dma_semaphore, #tpu.memory_space<semaphore_mem>>) src(%dma_wait3A_128 : memref<16x64xf32, #tpu.memory_space<vmem_shared>>) dst(%dma_wait3A : memref<16x64xf32, #tpu.memory_space<hbm>>)
        tpu.yield
      }) : () -> ()
    } else {
    }
    %add3A_68 = arith.constant 256 : i32
    %add3A_69 = arith.addi %mul3A_5, %add3A_68 : i32
    %add3A_70 = arith.constant 128 : i32
    %add3A_71 = arith.addi %add3A_69, %add3A_70 : i32
    %le3A_72 = arith.constant 10000 : i32
    %le3A_73 = arith.cmpi sle, %add3A_71, %le3A_72 : i32
    %convert_element_type3A_74 = arith.extui %le3A_73 : i1 to i32
    %cond3A_75 = arith.constant 0 : i32
    %cond3A_76 = arith.cmpi ne, %convert_element_type3A_74, %cond3A_75 : i32
    scf.if %cond3A_76 {
      "tpu.region"() ({
        %run_scoped3A = tpu.sem_alloc : memref<!tpu.dma_semaphore, #tpu.memory_space<semaphore_mem>>
        %dma_start3A = tpu.memref_slice %arg6[%add3A_69, %mul3A_35] : memref<10000x128xf32, #tpu.memory_space<hbm>> -> memref<128x64xf32, #tpu.memory_space<hbm>>
        %dma_start3A_125 = arith.constant 0 : i32
        %dma_start3A_126 = tpu.memref_slice %arg12[%add3A_69, %dma_start3A_125] : memref<10240x64xf32, #tpu.memory_space<vmem_shared>> -> memref<128x64xf32, #tpu.memory_space<vmem_shared>>
        tpu.enqueue_dma source(%dma_start3A_126 : memref<128x64xf32, #tpu.memory_space<vmem_shared>>) target(%dma_start3A : memref<128x64xf32, #tpu.memory_space<hbm>>) target_semaphore(%run_scoped3A : memref<!tpu.dma_semaphore, #tpu.memory_space<semaphore_mem>>)
        %dma_wait3A = tpu.memref_slice %arg6[%add3A_69, %mul3A_35] : memref<10000x128xf32, #tpu.memory_space<hbm>> -> memref<128x64xf32, #tpu.memory_space<hbm>>
        %dma_wait3A_127 = arith.constant 0 : i32
        %dma_wait3A_128 = tpu.memref_slice %arg12[%add3A_69, %dma_wait3A_127] : memref<10240x64xf32, #tpu.memory_space<vmem_shared>> -> memref<128x64xf32, #tpu.memory_space<vmem_shared>>
        tpu.wait_dma2 semaphore(%run_scoped3A : memref<!tpu.dma_semaphore, #tpu.memory_space<semaphore_mem>>) src(%dma_wait3A_128 : memref<128x64xf32, #tpu.memory_space<vmem_shared>>) dst(%dma_wait3A : memref<128x64xf32, #tpu.memory_space<hbm>>)
        tpu.yield
      }) : () -> ()
    } else {
    }
    %lt3A_77 = arith.constant 10000 : i32
    %lt3A_78 = arith.cmpi slt, %add3A_69, %lt3A_77 : i32
    %add3A_79 = arith.constant 128 : i32
    %add3A_80 = arith.addi %add3A_69, %add3A_79 : i32
    %gt3A_81 = arith.constant 10000 : i32
    %gt3A_82 = arith.cmpi sgt, %add3A_80, %gt3A_81 : i32
    %and3A_83 = arith.andi %lt3A_78, %gt3A_82 : i1
    %convert_element_type3A_84 = arith.extui %and3A_83 : i1 to i32
    %cond3A_85 = arith.constant 0 : i32
    %cond3A_86 = arith.cmpi ne, %convert_element_type3A_84, %cond3A_85 : i32
    scf.if %cond3A_86 {
      "tpu.region"() ({
        %run_scoped3A = tpu.sem_alloc : memref<!tpu.dma_semaphore, #tpu.memory_space<semaphore_mem>>
        %dma_start3A = tpu.memref_slice %arg6[%add3A_69, %mul3A_35] : memref<10000x128xf32, #tpu.memory_space<hbm>> -> memref<16x64xf32, #tpu.memory_space<hbm>>
        %dma_start3A_125 = arith.constant 0 : i32
        %dma_start3A_126 = tpu.memref_slice %arg12[%add3A_69, %dma_start3A_125] : memref<10240x64xf32, #tpu.memory_space<vmem_shared>> -> memref<16x64xf32, #tpu.memory_space<vmem_shared>>
        tpu.enqueue_dma source(%dma_start3A_126 : memref<16x64xf32, #tpu.memory_space<vmem_shared>>) target(%dma_start3A : memref<16x64xf32, #tpu.memory_space<hbm>>) target_semaphore(%run_scoped3A : memref<!tpu.dma_semaphore, #tpu.memory_space<semaphore_mem>>)
        %dma_wait3A = tpu.memref_slice %arg6[%add3A_69, %mul3A_35] : memref<10000x128xf32, #tpu.memory_space<hbm>> -> memref<16x64xf32, #tpu.memory_space<hbm>>
        %dma_wait3A_127 = arith.constant 0 : i32
        %dma_wait3A_128 = tpu.memref_slice %arg12[%add3A_69, %dma_wait3A_127] : memref<10240x64xf32, #tpu.memory_space<vmem_shared>> -> memref<16x64xf32, #tpu.memory_space<vmem_shared>>
        tpu.wait_dma2 semaphore(%run_scoped3A : memref<!tpu.dma_semaphore, #tpu.memory_space<semaphore_mem>>) src(%dma_wait3A_128 : memref<16x64xf32, #tpu.memory_space<vmem_shared>>) dst(%dma_wait3A : memref<16x64xf32, #tpu.memory_space<hbm>>)
        tpu.yield
      }) : () -> ()
    } else {
    }
    %add3A_87 = arith.constant 384 : i32
    %add3A_88 = arith.addi %mul3A_5, %add3A_87 : i32
    %add3A_89 = arith.constant 128 : i32
    %add3A_90 = arith.addi %add3A_88, %add3A_89 : i32
    %le3A_91 = arith.constant 10000 : i32
    %le3A_92 = arith.cmpi sle, %add3A_90, %le3A_91 : i32
    %convert_element_type3A_93 = arith.extui %le3A_92 : i1 to i32
    %cond3A_94 = arith.constant 0 : i32
    %cond3A_95 = arith.cmpi ne, %convert_element_type3A_93, %cond3A_94 : i32
    scf.if %cond3A_95 {
      "tpu.region"() ({
        %run_scoped3A = tpu.sem_alloc : memref<!tpu.dma_semaphore, #tpu.memory_space<semaphore_mem>>
        %dma_start3A = tpu.memref_slice %arg6[%add3A_88, %mul3A_35] : memref<10000x128xf32, #tpu.memory_space<hbm>> -> memref<128x64xf32, #tpu.memory_space<hbm>>
        %dma_start3A_125 = arith.constant 0 : i32
        %dma_start3A_126 = tpu.memref_slice %arg12[%add3A_88, %dma_start3A_125] : memref<10240x64xf32, #tpu.memory_space<vmem_shared>> -> memref<128x64xf32, #tpu.memory_space<vmem_shared>>
        tpu.enqueue_dma source(%dma_start3A_126 : memref<128x64xf32, #tpu.memory_space<vmem_shared>>) target(%dma_start3A : memref<128x64xf32, #tpu.memory_space<hbm>>) target_semaphore(%run_scoped3A : memref<!tpu.dma_semaphore, #tpu.memory_space<semaphore_mem>>)
        %dma_wait3A = tpu.memref_slice %arg6[%add3A_88, %mul3A_35] : memref<10000x128xf32, #tpu.memory_space<hbm>> -> memref<128x64xf32, #tpu.memory_space<hbm>>
        %dma_wait3A_127 = arith.constant 0 : i32
        %dma_wait3A_128 = tpu.memref_slice %arg12[%add3A_88, %dma_wait3A_127] : memref<10240x64xf32, #tpu.memory_space<vmem_shared>> -> memref<128x64xf32, #tpu.memory_space<vmem_shared>>
        tpu.wait_dma2 semaphore(%run_scoped3A : memref<!tpu.dma_semaphore, #tpu.memory_space<semaphore_mem>>) src(%dma_wait3A_128 : memref<128x64xf32, #tpu.memory_space<vmem_shared>>) dst(%dma_wait3A : memref<128x64xf32, #tpu.memory_space<hbm>>)
        tpu.yield
      }) : () -> ()
    } else {
    }
    %lt3A_96 = arith.constant 10000 : i32
    %lt3A_97 = arith.cmpi slt, %add3A_88, %lt3A_96 : i32
    %add3A_98 = arith.constant 128 : i32
    %add3A_99 = arith.addi %add3A_88, %add3A_98 : i32
    %gt3A_100 = arith.constant 10000 : i32
    %gt3A_101 = arith.cmpi sgt, %add3A_99, %gt3A_100 : i32
    %and3A_102 = arith.andi %lt3A_97, %gt3A_101 : i1
    %convert_element_type3A_103 = arith.extui %and3A_102 : i1 to i32
    %cond3A_104 = arith.constant 0 : i32
    %cond3A_105 = arith.cmpi ne, %convert_element_type3A_103, %cond3A_104 : i32
    scf.if %cond3A_105 {
      "tpu.region"() ({
        %run_scoped3A = tpu.sem_alloc : memref<!tpu.dma_semaphore, #tpu.memory_space<semaphore_mem>>
        %dma_start3A = tpu.memref_slice %arg6[%add3A_88, %mul3A_35] : memref<10000x128xf32, #tpu.memory_space<hbm>> -> memref<16x64xf32, #tpu.memory_space<hbm>>
        %dma_start3A_125 = arith.constant 0 : i32
        %dma_start3A_126 = tpu.memref_slice %arg12[%add3A_88, %dma_start3A_125] : memref<10240x64xf32, #tpu.memory_space<vmem_shared>> -> memref<16x64xf32, #tpu.memory_space<vmem_shared>>
        tpu.enqueue_dma source(%dma_start3A_126 : memref<16x64xf32, #tpu.memory_space<vmem_shared>>) target(%dma_start3A : memref<16x64xf32, #tpu.memory_space<hbm>>) target_semaphore(%run_scoped3A : memref<!tpu.dma_semaphore, #tpu.memory_space<semaphore_mem>>)
        %dma_wait3A = tpu.memref_slice %arg6[%add3A_88, %mul3A_35] : memref<10000x128xf32, #tpu.memory_space<hbm>> -> memref<16x64xf32, #tpu.memory_space<hbm>>
        %dma_wait3A_127 = arith.constant 0 : i32
        %dma_wait3A_128 = tpu.memref_slice %arg12[%add3A_88, %dma_wait3A_127] : memref<10240x64xf32, #tpu.memory_space<vmem_shared>> -> memref<16x64xf32, #tpu.memory_space<vmem_shared>>
        tpu.wait_dma2 semaphore(%run_scoped3A : memref<!tpu.dma_semaphore, #tpu.memory_space<semaphore_mem>>) src(%dma_wait3A_128 : memref<16x64xf32, #tpu.memory_space<vmem_shared>>) dst(%dma_wait3A : memref<16x64xf32, #tpu.memory_space<hbm>>)
        tpu.yield
      }) : () -> ()
    } else {
    }
    %add3A_106 = arith.constant 512 : i32
    %add3A_107 = arith.addi %mul3A_5, %add3A_106 : i32
    %add3A_108 = arith.constant 128 : i32
    %add3A_109 = arith.addi %add3A_107, %add3A_108 : i32
    %le3A_110 = arith.constant 10000 : i32
    %le3A_111 = arith.cmpi sle, %add3A_109, %le3A_110 : i32
    %convert_element_type3A_112 = arith.extui %le3A_111 : i1 to i32
    %cond3A_113 = arith.constant 0 : i32
    %cond3A_114 = arith.cmpi ne, %convert_element_type3A_112, %cond3A_113 : i32
    scf.if %cond3A_114 {
      "tpu.region"() ({
        %run_scoped3A = tpu.sem_alloc : memref<!tpu.dma_semaphore, #tpu.memory_space<semaphore_mem>>
        %dma_start3A = tpu.memref_slice %arg6[%add3A_107, %mul3A_35] : memref<10000x128xf32, #tpu.memory_space<hbm>> -> memref<128x64xf32, #tpu.memory_space<hbm>>
        %dma_start3A_125 = arith.constant 0 : i32
        %dma_start3A_126 = tpu.memref_slice %arg12[%add3A_107, %dma_start3A_125] : memref<10240x64xf32, #tpu.memory_space<vmem_shared>> -> memref<128x64xf32, #tpu.memory_space<vmem_shared>>
        tpu.enqueue_dma source(%dma_start3A_126 : memref<128x64xf32, #tpu.memory_space<vmem_shared>>) target(%dma_start3A : memref<128x64xf32, #tpu.memory_space<hbm>>) target_semaphore(%run_scoped3A : memref<!tpu.dma_semaphore, #tpu.memory_space<semaphore_mem>>)
        %dma_wait3A = tpu.memref_slice %arg6[%add3A_107, %mul3A_35] : memref<10000x128xf32, #tpu.memory_space<hbm>> -> memref<128x64xf32, #tpu.memory_space<hbm>>
        %dma_wait3A_127 = arith.constant 0 : i32
        %dma_wait3A_128 = tpu.memref_slice %arg12[%add3A_107, %dma_wait3A_127] : memref<10240x64xf32, #tpu.memory_space<vmem_shared>> -> memref<128x64xf32, #tpu.memory_space<vmem_shared>>
        tpu.wait_dma2 semaphore(%run_scoped3A : memref<!tpu.dma_semaphore, #tpu.memory_space<semaphore_mem>>) src(%dma_wait3A_128 : memref<128x64xf32, #tpu.memory_space<vmem_shared>>) dst(%dma_wait3A : memref<128x64xf32, #tpu.memory_space<hbm>>)
        tpu.yield
      }) : () -> ()
    } else {
    }
    %lt3A_115 = arith.constant 10000 : i32
    %lt3A_116 = arith.cmpi slt, %add3A_107, %lt3A_115 : i32
    %add3A_117 = arith.constant 128 : i32
    %add3A_118 = arith.addi %add3A_107, %add3A_117 : i32
    %gt3A_119 = arith.constant 10000 : i32
    %gt3A_120 = arith.cmpi sgt, %add3A_118, %gt3A_119 : i32
    %and3A_121 = arith.andi %lt3A_116, %gt3A_120 : i1
    %convert_element_type3A_122 = arith.extui %and3A_121 : i1 to i32
    %cond3A_123 = arith.constant 0 : i32
    %cond3A_124 = arith.cmpi ne, %convert_element_type3A_122, %cond3A_123 : i32
    scf.if %cond3A_124 {
      "tpu.region"() ({
        %run_scoped3A = tpu.sem_alloc : memref<!tpu.dma_semaphore, #tpu.memory_space<semaphore_mem>>
        %dma_start3A = tpu.memref_slice %arg6[%add3A_107, %mul3A_35] : memref<10000x128xf32, #tpu.memory_space<hbm>> -> memref<16x64xf32, #tpu.memory_space<hbm>>
        %dma_start3A_125 = arith.constant 0 : i32
        %dma_start3A_126 = tpu.memref_slice %arg12[%add3A_107, %dma_start3A_125] : memref<10240x64xf32, #tpu.memory_space<vmem_shared>> -> memref<16x64xf32, #tpu.memory_space<vmem_shared>>
        tpu.enqueue_dma source(%dma_start3A_126 : memref<16x64xf32, #tpu.memory_space<vmem_shared>>) target(%dma_start3A : memref<16x64xf32, #tpu.memory_space<hbm>>) target_semaphore(%run_scoped3A : memref<!tpu.dma_semaphore, #tpu.memory_space<semaphore_mem>>)
        %dma_wait3A = tpu.memref_slice %arg6[%add3A_107, %mul3A_35] : memref<10000x128xf32, #tpu.memory_space<hbm>> -> memref<16x64xf32, #tpu.memory_space<hbm>>
        %dma_wait3A_127 = arith.constant 0 : i32
        %dma_wait3A_128 = tpu.memref_slice %arg12[%add3A_107, %dma_wait3A_127] : memref<10240x64xf32, #tpu.memory_space<vmem_shared>> -> memref<16x64xf32, #tpu.memory_space<vmem_shared>>
        tpu.wait_dma2 semaphore(%run_scoped3A : memref<!tpu.dma_semaphore, #tpu.memory_space<semaphore_mem>>) src(%dma_wait3A_128 : memref<16x64xf32, #tpu.memory_space<vmem_shared>>) dst(%dma_wait3A : memref<16x64xf32, #tpu.memory_space<hbm>>)
        tpu.yield
      }) : () -> ()
    } else {
    }
    return
  }
}

module attributes {stable_mosaic.version = 14 : i64} {
  func.func @_fused_body(%arg0: i32, %arg1: memref<10000x128xf32, #tpu.memory_space<vmem>>, %arg2: memref<128x128xf32, #tpu.memory_space<vmem>>, %arg3: memref<2x10000x64xf32, #tpu.memory_space<vmem>>) attributes {dimension_semantics = [#tpu.dimension_semantics<arbitrary>], iteration_bounds = array<i64: 1>, scalar_prefetch = 0 : i64, scratch_operands = 0 : i64, tpu.core_type = #tpu.core_type<tc>, window_params = [{transform_indices = @transform_0, window_bounds = array<i64: 10000, 128>}, {pipeline_mode = #tpu.pipeline_mode<synchronous>, transform_indices = @transform_1, window_bounds = array<i64: 128, 128>}, {transform_indices = @transform_2, window_bounds = array<i64: 2, 10000, 64>}]} {
    %get3A = arith.constant 0 : index
    %get3A_0 = arith.constant 0 : index
    %get3A_1 = vector.load %arg1[%get3A, %get3A_0] : memref<10000x128xf32, #tpu.memory_space<vmem>>, vector<10000x128xf32>
    %max3A = arith.constant 0.000000e+00 : f32
    %max3A_2 = vector.broadcast %max3A : f32 to vector<10000x128xf32>
    %max3A_3 = arith.maximumf %get3A_1, %max3A_2 : vector<10000x128xf32>
    %get3A_4 = arith.constant 0 : index
    %get3A_5 = arith.constant 0 : index
    %get3A_6 = vector.load %arg2[%get3A_4, %get3A_5] : memref<128x128xf32, #tpu.memory_space<vmem>>, vector<128x128xf32>
    %dot_general3A = arith.constant dense<0.000000e+00> : vector<10000x128xf32>
    %dot_general3A_7 = tpu.matmul %max3A_3, %get3A_6, %dot_general3A {dimension_numbers = #tpu.dot_dimension_numbers<[1], [0], [0], [1], [0, 0, 1, 1], [], []>, transpose_lhs_hint = false} : vector<10000x128xf32>, vector<128x128xf32>, vector<10000x128xf32> -> vector<10000x128xf32>
    %slice3A = vector.extract_strided_slice %dot_general3A_7 {offsets = [0, 0], sizes = [10000, 64], strides = [1, 1]} : vector<10000x128xf32> to vector<10000x64xf32>
    %swap3A = arith.constant 0 : index
    %swap3A_8 = arith.constant 0 : index
    %swap3A_9 = arith.constant 0 : index
    %swap3A_10 = vector.load %arg3[%swap3A, %swap3A_8, %swap3A_9] : memref<2x10000x64xf32, #tpu.memory_space<vmem>>, vector<1x10000x64xf32>
    %swap3A_11 = vector.shape_cast %swap3A_10 : vector<1x10000x64xf32> to vector<10000x64xf32>
    %swap3A_12 = vector.shape_cast %slice3A : vector<10000x64xf32> to vector<1x10000x64xf32>
    tpu.vector_store %arg3[%swap3A, %swap3A_8, %swap3A_9], %swap3A_12 {strides = array<i32>} : memref<2x10000x64xf32, #tpu.memory_space<vmem>>, vector<1x10000x64xf32>,
    %slice3A_13 = vector.extract_strided_slice %dot_general3A_7 {offsets = [0, 64], sizes = [10000, 64], strides = [1, 1]} : vector<10000x128xf32> to vector<10000x64xf32>
    %swap3A_14 = arith.constant 1 : index
    %swap3A_15 = arith.constant 0 : index
    %swap3A_16 = arith.constant 0 : index
    %swap3A_17 = vector.load %arg3[%swap3A_14, %swap3A_15, %swap3A_16] : memref<2x10000x64xf32, #tpu.memory_space<vmem>>, vector<1x10000x64xf32>
    %swap3A_18 = vector.shape_cast %swap3A_17 : vector<1x10000x64xf32> to vector<10000x64xf32>
    %swap3A_19 = vector.shape_cast %slice3A_13 : vector<10000x64xf32> to vector<1x10000x64xf32>
    tpu.vector_store %arg3[%swap3A_14, %swap3A_15, %swap3A_16], %swap3A_19 {strides = array<i32>} : memref<2x10000x64xf32, #tpu.memory_space<vmem>>, vector<1x10000x64xf32>,
    return
  }
  func.func @transform_0(%arg0: i32) -> (i32, i32) {
    %c0_i32 = arith.constant 0 : i32
    %c0_i32_0 = arith.constant 0 : i32
    return %arg0, %c0_i32 : i32, i32
  }
  func.func @transform_1(%arg0: i32) -> (i32, i32) {
    %c0_i32 = arith.constant 0 : i32
    %c0_i32_0 = arith.constant 0 : i32
    %c0_i32_1 = arith.constant 0 : i32
    return %c0_i32, %c0_i32_0 : i32, i32
  }
  func.func @transform_2(%arg0: i32) -> (i32, i32, i32) {
    %c0_i32 = arith.constant 0 : i32
    %c0_i32_0 = arith.constant 0 : i32
    %c0_i32_1 = arith.constant 0 : i32
    return %c0_i32, %arg0, %c0_i32_0 : i32, i32, i32
  }
}

module attributes {stable_mosaic.version = 14 : i64} {
  func.func @_mm_body(%arg0: i32, %arg1: memref<10000x128xf32, #tpu.memory_space<vmem>>, %arg2: memref<128x128xf32, #tpu.memory_space<vmem>>, %arg3: memref<2x10000x64xf32, #tpu.memory_space<vmem>>) attributes {dimension_semantics = [#tpu.dimension_semantics<arbitrary>], iteration_bounds = array<i64: 1>, scalar_prefetch = 0 : i64, scratch_operands = 0 : i64, tpu.core_type = #tpu.core_type<tc>, window_params = [{transform_indices = @transform_0, window_bounds = array<i64: 10000, 128>}, {pipeline_mode = #tpu.pipeline_mode<synchronous>, transform_indices = @transform_1, window_bounds = array<i64: 128, 128>}, {transform_indices = @transform_2, window_bounds = array<i64: 2, 10000, 64>}]} {
    %get3A = arith.constant 0 : index
    %get3A_0 = arith.constant 0 : index
    %get3A_1 = vector.load %arg1[%get3A, %get3A_0] : memref<10000x128xf32, #tpu.memory_space<vmem>>, vector<10000x128xf32>
    %get3A_2 = arith.constant 0 : index
    %get3A_3 = arith.constant 0 : index
    %get3A_4 = vector.load %arg2[%get3A_2, %get3A_3] : memref<128x128xf32, #tpu.memory_space<vmem>>, vector<128x128xf32>
    %dot_general3A = arith.constant dense<0.000000e+00> : vector<10000x128xf32>
    %dot_general3A_5 = tpu.matmul %get3A_1, %get3A_4, %dot_general3A {dimension_numbers = #tpu.dot_dimension_numbers<[1], [0], [0], [1], [0, 0, 1, 1], [], []>, transpose_lhs_hint = false} : vector<10000x128xf32>, vector<128x128xf32>, vector<10000x128xf32> -> vector<10000x128xf32>
    %slice3A = vector.extract_strided_slice %dot_general3A_5 {offsets = [0, 0], sizes = [10000, 64], strides = [1, 1]} : vector<10000x128xf32> to vector<10000x64xf32>
    %swap3A = arith.constant 0 : index
    %swap3A_6 = arith.constant 0 : index
    %swap3A_7 = arith.constant 0 : index
    %swap3A_8 = vector.load %arg3[%swap3A, %swap3A_6, %swap3A_7] : memref<2x10000x64xf32, #tpu.memory_space<vmem>>, vector<1x10000x64xf32>
    %swap3A_9 = vector.shape_cast %swap3A_8 : vector<1x10000x64xf32> to vector<10000x64xf32>
    %swap3A_10 = vector.shape_cast %slice3A : vector<10000x64xf32> to vector<1x10000x64xf32>
    tpu.vector_store %arg3[%swap3A, %swap3A_6, %swap3A_7], %swap3A_10 {strides = array<i32>} : memref<2x10000x64xf32, #tpu.memory_space<vmem>>, vector<1x10000x64xf32>,
    %slice3A_11 = vector.extract_strided_slice %dot_general3A_5 {offsets = [0, 64], sizes = [10000, 64], strides = [1, 1]} : vector<10000x128xf32> to vector<10000x64xf32>
    %swap3A_12 = arith.constant 1 : index
    %swap3A_13 = arith.constant 0 : index
    %swap3A_14 = arith.constant 0 : index
    %swap3A_15 = vector.load %arg3[%swap3A_12, %swap3A_13, %swap3A_14] : memref<2x10000x64xf32, #tpu.memory_space<vmem>>, vector<1x10000x64xf32>
    %swap3A_16 = vector.shape_cast %swap3A_15 : vector<1x10000x64xf32> to vector<10000x64xf32>
    %swap3A_17 = vector.shape_cast %slice3A_11 : vector<10000x64xf32> to vector<1x10000x64xf32>
    tpu.vector_store %arg3[%swap3A_12, %swap3A_13, %swap3A_14], %swap3A_17 {strides = array<i32>} : memref<2x10000x64xf32, #tpu.memory_space<vmem>>, vector<1x10000x64xf32>,
    return
  }
  func.func @transform_0(%arg0: i32) -> (i32, i32) {
    %c0_i32 = arith.constant 0 : i32
    %c0_i32_0 = arith.constant 0 : i32
    return %arg0, %c0_i32 : i32, i32
  }
  func.func @transform_1(%arg0: i32) -> (i32, i32) {
    %c0_i32 = arith.constant 0 : i32
    %c0_i32_0 = arith.constant 0 : i32
    %c0_i32_1 = arith.constant 0 : i32
    return %c0_i32, %c0_i32_0 : i32, i32
  }
  func.func @transform_2(%arg0: i32) -> (i32, i32, i32) {
    %c0_i32 = arith.constant 0 : i32
    %c0_i32_0 = arith.constant 0 : i32
    %c0_i32_1 = arith.constant 0 : i32
    return %c0_i32, %arg0, %c0_i32_0 : i32, i32, i32
  }
}

</mosaic_0001>

<sc_bundles>
// kernel: kernel.6.cloned.1.call-start
scs
__scs_entry_jumppad:
0x0: {  	(pc) =	sbr.rel $0x88, $3  }
0x1: {  	(tag) =	ssettag $0x0;
	lr =	simm.s32 $0x1  }
0x2: {  	[smem:$0x3F9B] =	sst lr;
	_ =	strace $0xD0000000  }
0x3: {  	_ = 	snop  }
0x4: {  	_ = 	snop  }
0x5: {  	_ = 	snop  }
0x6: {  	_ = 	snop  }
0x7: {  	_ = 	snop  }
__scs_overlays_trampoline_lowered:
0x8: {  	[smem:$0x3FAA] =	sst s0  }
0x9: {  	[smem:$0x3FAB] =	sst s1  }
0xa: {  	[smem:$0x3FAC] =	sst s2  }
0xb: {  	[smem:$0x3FAD] =	sst s3  }
0xc: {  	[smem:$0x3FAE] =	sst s4  }
0xd: {  	[smem:$0x3FAF] =	sst s5  }
0xe: {  	[smem:$0x3FB0] =	sst s6  }
0xf: {  	[smem:$0x3FB1] =	sst s7  }
0x10: {  	[smem:$0x3FB2] =	sst s8  }
0x11: {  	[smem:$0x3FB3] =	sst s9;
	s0 =	simm.s32 @!p0 $0x0  }
0x12: {  	s1 =	sld [smem:$0x3F99];
	s0 =	simm.s32 @p0 $0x1  }
0x13: {  	[smem:$0x3FB4] =	sst s0;
	s0 =	simm.s32 @!p1 $0x0  }
0x14: {  	s2 =	sld [smem:$0x3F98];
	s0 =	simm.s32 @p1 $0x1  }
0x15: {  	[smem:$0x3FB5] =	sst s0;
	s0 =	simm.s32 @!p2 $0x0  }
0x16: {  	s3 =	sld [smem:$0x3FDB];
	s0 =	simm.s32 @p2 $0x1  }
0x17: {  	s4 =	simm.s32 $0x1BF5;
	[smem:$0x3FB7] =	sst s0  }
0x18: {  	s0 =	sld [smem:$0x3F9A];
	_ =	swait.ge [sflag:s4], $0x0  }
0x19: {  	s7 =	sld [smem:$0x3F9B]  }
0x1a: {  	s8 =	sadd.s32 $0xFFFFE003, lr  }
0x1b: {  	s9 =	sadd.s32 $0xFFFFFEF7, lr;
	s5 =	simm.s32 $0xFFFFFFFF;
	p2 =	slt.u32 s8, $0xFFFFF086  }
0x1c: {  	p1 =	slt.u32 s9, $0xF7A;
	s5 =	simm.s32 @!p2 $0x0  }
0x1d: {  	s5 =	simm.s32 @p1 $0x1;
	p0 =	seq.s32 s7, s2  }
0x1e: {  	s7 =	smul.u32 @!p0 $0xF7A, s2;
	p2 =	seq.s32 @!p0 s5, $0x0  }
0x1f: {  	s9 =	smul.u32 $0xF7A, s1;
	s8 =	simm.s32 @!p0 $0x1BF5;
	p2 =	por !p2, p0  }
0x20: {  	[sflag:s8] =	ssyncset.s32 @!p0 $0xFFFFF086;
	s6 =	sadd.s32 @!p0 s3, s7;
	s7 =	simm.s32 @!p0 $0x108  }
0x21: {  	s3 =	sadd.s32 s3, s9;
	s6 =	sadd.s32 @!p0 $0x88, s6;
	s7 =	simm.s32 @p2 $0x1082  }
0x22: {  	[simem:s7], [sflag:s8] =	dma.local @!p0 [hbm:s6], $0xF7A  }
0x23: {  	s9 =	sor.u32 $0xD0000000, s2;
	s6 =	simm.s32 $0x108;
	_ =	swait.ge @!p0 [sflag:s8], $0x0  }
0x24: {  	s3 =	sadd.s32 $0x88, s3;
	s6 =	simm.s32 @!p1 $0x1082;
	[sflag:s4] =	ssyncset.s32 $0xFFFFF086  }
0x25: {  	[simem:s6], [sflag:s4] =	dma.local [hbm:s3], $0xF7A  }
0x26: {  	[smem:$0x3F9B] =	sst s1;
	(tag) =	ssettag s2;
	_ =	strace s9  }
0x27: {  	s1 =	sld [smem:$0x3FAB]  }
0x28: {  	s2 =	sld [smem:$0x3FAC]  }
0x29: {  	s4 =	sld [smem:$0x3FAE]  }
0x2a: {  	p0 =	seq.s32 s5, $0x0;
	s5 =	sld [smem:$0x3FAF]  }
0x2b: {  	s6 =	sld [smem:$0x3FB0]  }
0x2c: {  	s7 =	sld [smem:$0x3FB1]  }
0x2d: {  	s3 =	simm.s32 $0x108;
	s8 =	sld [smem:$0x3FB2]  }
0x2e: {  	s3 =	simm.s32 @!p0 $0x1082;
	s9 =	sld [smem:$0x3FB3]  }
0x2f: {  	lr =	sadd.s32 s0, s3;
	s0 =	sld [smem:$0x3FAA]  }
0x30: {  	s3 =	sld [smem:$0x3FAD]  }
0x31: {  	[smem:$0x3FB6] =	sst s10  }
0x32: {  	s10 =	sld [smem:$0x3FB4];
	_ =	sdelay $0x3  }
0x33: {  	p0 =	seq.s32 s10, $0x1;
	s10 =	sld [smem:$0x3FB6];
	_ =	sdelay $0x3  }
0x34: {  	[smem:$0x3FB6] =	sst s10  }
0x35: {  	s10 =	sld [smem:$0x3FB5];
	_ =	sdelay $0x3  }
0x36: {  	p1 =	seq.s32 s10, $0x1;
	s10 =	sld [smem:$0x3FB6];
	_ =	sdelay $0x3  }
0x37: {  	[smem:$0x3FB6] =	sst s10  }
0x38: {  	s10 =	sld [smem:$0x3FB7]  }
0x39: {  	_ = 	snop;
	(pc) =	sbr.ind lr, $3  }
0x3a: {  	_ = 	snop  }
0x3b: {  	_ = 	snop  }
0x3c: {  	p2 =	seq.s32 s10, $0x1;
	s10 =	sld [smem:$0x3FB6]  }
0x3d: {  	_ =	shalt  }
0x3e: {  	_ =	shalt  }
0x3f: {  	_ =	shalt  }
0x40: {  	_ =	shalt  }
0x41: {  	_ =	shalt  }
0x42: {  	_ =	shalt  }
0x43: {  	_ =	shalt  }
0x44: {  	_ =	shalt  }
0x45: {  	_ =	shalt  }
0x46: {  	_ =	shalt  }
0x47: {  	_ =	shalt  }
0x48: {  	_ =	shalt  }
0x49: {  	_ =	shalt  }
0x4a: {  	_ =	shalt  }
0x4b: {  	_ =	shalt  }
0x4c: {  	_ =	shalt  }
0x4d: {  	_ =	shalt  }
0x4e: {  	_ =	shalt  }
0x4f: {  	_ =	shalt  }
0x50: {  	_ =	shalt  }
0x51: {  	_ =	shalt  }
0x52: {  	_ =	shalt  }
0x53: {  	_ =	shalt  }
0x54: {  	_ =	shalt  }
0x55: {  	_ =	shalt  }
0x56: {  	_ =	shalt  }
0x57: {  	_ =	shalt  }
0x58: {  	_ =	shalt  }
0x59: {  	_ =	shalt  }
0x5a: {  	_ =	shalt  }
0x5b: {  	_ =	shalt  }
0x5c: {  	_ =	shalt  }
0x5d: {  	_ =	shalt  }
0x5e: {  	_ =	shalt  }
0x5f: {  	_ =	shalt  }
0x60: {  	_ =	shalt  }
0x61: {  	_ =	shalt  }
0x62: {  	_ =	shalt  }
0x63: {  	_ =	shalt  }
0x64: {  	_ =	shalt  }
0x65: {  	_ =	shalt  }
0x66: {  	_ =	shalt  }
0x67: {  	_ =	shalt  }
0x68: {  	_ =	shalt  }
0x69: {  	_ =	shalt  }
0x6a: {  	_ =	shalt  }
0x6b: {  	_ =	shalt  }
0x6c: {  	_ =	shalt  }
0x6d: {  	_ =	shalt  }
0x6e: {  	_ =	shalt  }
0x6f: {  	_ =	shalt  }
0x70: {  	_ =	shalt  }
0x71: {  	_ =	shalt  }
0x72: {  	_ =	shalt  }
0x73: {  	_ =	shalt  }
0x74: {  	_ =	shalt  }
0x75: {  	_ =	shalt  }
0x76: {  	_ =	shalt  }
0x77: {  	_ =	shalt  }
0x78: {  	_ =	shalt  }
0x79: {  	_ =	shalt  }
0x7a: {  	_ =	shalt  }
0x7b: {  	_ =	shalt  }
0x7c: {  	_ =	shalt  }
0x7d: {  	_ =	shalt  }
0x7e: {  	_ =	shalt  }
0x7f: {  	_ =	shalt  }
0x80: {  	_ =	shalt  }
0x81: {  	_ =	shalt  }
0x82: {  	_ =	shalt  }
0x83: {  	_ =	shalt  }
0x84: {  	_ =	shalt  }
0x85: {  	_ =	shalt  }
0x86: {  	_ =	shalt  }
0x87: {  	_ =	shalt  }
.Lfunc_end0:
.L_simem_size_0:
called_computation_lowered:
.L_overlay_start_0:
0x88: {  	s2 =	sld [smem:$0x3FD9]  }
0x89: {  	s3 =	sld [smem:$0x3FFE];
	_ =	sdelay $0x1  }
0x8a: {  	s1 =	srdreg.scid  }
0x8b: {  	s0 =	sand.u32 $0x1, s1  }
0x8c: {  	s17 =	sshll.u32 s0, $0xA;
	s2 =	sadd.s32 s3, s2  }
0x8d: {  	s2 =	sadd.s32 s2, s17  }
0x8e: {  	[smem:$0x3FC2] =	sst s2  }
0x8f: {  	_ = 	snop  }
0x90: {  	s2 =	sld [smem:$0x3FC6]  }
0x91: {  	s18 =	sld [smem:$0x3FD0];
	(tm) =	ssettm $0x1  }
0x92: {  	s4 =	sld [smem:$0x3FFB];
	_ =	sdelay $0x3  }
0x93: {  	_ =	strace s4  }
0x94: {  	s4 =	sld [smem:$0x3FFC];
	_ =	sdelay $0x3  }
0x95: {  	_ =	strace s4  }
0x96: {  	s4 =	sld [smem:$0x3FFD];
	_ =	sdelay $0x3  }
0x97: {  	_ =	strace s4  }
0x98: {  	_ =	strace $0x8FFFFFFF  }
0x99: {  	s19 =	sld [smem:$0x3FDB];
	_ =	sdelay $0x1  }
0x9a: {  	s5 =	simm.s32 $_scs_section_size  }
0x9b: {  	s6 =	simm.s32 $_size__tile_overlayer_lowered;
	s7 =	simm.s32 $_tile_overlayer_lowered  }
0x9c: {  	s22 =	simm.s32 $0x1BFF;
	s21 =	sshll.u32 s7, $0x1;
	s4 =	sadd.s32 s5, s19  }
0x9d: {  	s8 =	simm.s32 $0x0;
	s20 =	sshll.u32 s6, $0x1;
	s6 =	sadd.s32 s21, s4  }
0x9e: {  	[timem:s8], [sflag:s22] =	dma.local [hbm:s6], s20  }
0x9f: {  	_ =	swait.ge [sflag:s22], s20  }
0xa0: {  	s5 =	ssub.s32 $0x0, s20;
	[sflag:s22] =	ssyncset.done $0x0  }
0xa1: {  	[sflag:s22] =	ssyncadd.s32 s5;
	_ =	sdelay $0x1  }
0xa2: {  	s23 =	simm.s32 $0x1B8B  }
0xa3: {  	_ =	swait.ge [sflag:s23], $0x1  }
0xa4: {  	[sflag:s23] =	ssyncset.done $0x0  }
0xa5: {  	s25 =	simm.s32 $0x1B8E;
	s24 =	sld [smem:$0x3FFE];
	[sflag:s23] =	ssyncadd.s32 $0xFFFFFFFF  }
0xa6: {  	s26 =	simm.s32 $execute0_lowered;
	[smem:$0x3FD2] =	sst s25  }
0xa7: {  	s6 =	sshll.u32 s26, $0x1;
	_ =	strace $0x80000046;
	[dreg:$0x1] =	wrdreg $0xFFFFFFFF  }
0xa8: {  	s28 =	simm.s32 $_size_execute0_lowered;
	s4 =	sadd.s32 s4, s6;
	[dreg:$0x0] =	wrdreg $0x0  }
0xa9: {  	s6 =	sshll.u32 s28, $0x1;
	[dreg:$0x2] =	wrdreg s4  }
0xaa: {  	[dreg:$0x3] =	wrdreg s6  }
0xab: {  	[dreg:$0x4] =	wrdreg $0xC0  }
0xac: {  	_ =	task [dreg:s8], $0x5FFFF  }
0xad: {  	[dreg:$0x1] =	wrdreg $0xFFFFFFFF  }
0xae: {  	[dreg:$0x0] =	wrdreg $0x60  }
0xaf: {  	[dreg:$0x2] =	wrdreg s18  }
0xb0: {  	[dreg:$0x3] =	wrdreg s24  }
0xb1: {  	[dreg:$0x4] =	wrdreg s2  }
0xb2: {  	[dreg:$0x5] =	wrdreg $0x120800  }
0xb3: {  	[dreg:$0x6] =	wrdreg $0x9  }
0xb4: {  	_ =	task.clear_ibuf [dreg:s8], $0x7FFFF;
	_ =	strace $0x90000046  }
0xb5: {  	s29 =	simm.s32 $0x9;
	_ =	strace $0x80000048  }
0xb6: {  	_ =	swait.ge [sflag:s29], $0x1  }
0xb7: {  	[sflag:s29] =	ssyncadd.s32 $0xFFFFFFFF  }
0xb8: {  	_ =	strace $0x90000048  }
0xb9: {  	_ =	sfence  }
0xba: {  	s30 =	sld [smem:$0x0];
	_ =	sdelay $0x2  }
0xbb: {  	s31 =	sshll.u32 s1, $0xD;
	s1 =	sshrl.u32 s1, $0x2  }
0xbc: {  	s3 =	sand.u32 $0x4000, s31;
	s1 =	sadd.s32 s1, s30  }
0xbd: {  	s0 =	sor.u32 s3, s0;
	s1 =	sshll.u32 s1, $0x11  }
0xbe: {  	s0 =	sor.u32 s1, s0  }
0xbf: {  	s0 =	sadd.s32 $0x8F2B, s0  }
0xc0: {  	[sflag:s0] =	ssyncadd.remote.s32 $0x1  }
0xc1: {  	_ =	sfence.sel $0xFFFF  }
0xc2: {  	[dreg:$0x0] =	wrdreg $0xFFFFFFFF;
	(pc) =	sbr.abs _section_cstart, $3  }
0xc3: {  	[dreg:$0x1] =	wrdreg $0xFFFFFFFF  }
0xc4: {  	_ =	task.clear_ibuf [dreg:s8], $0x2FFFF;
	_ =	strace $0x9FFFFFFF  }
0xc5: {  	(tm) =	ssettm $0x7FFFFFFF  }
tec
execute0_lowered:
.L_overlay_start_1:
0x0: {  	(tag) =	ssettag $0x1  }
0x1: {  	s0 =	rddreg [dreg:$0x0]  }
0x2: {  	s1 =	rddreg [dreg:$0x1]  }
0x3: {  	s4 =	rddreg [dreg:$0x2]  }
0x4: {  	s2 =	rddreg [dreg:$0x3];
	s3 =	stileid.u32  }
0x5: {  	s7 =	simm.s32 $0x0;
	s6 =	srdreg.scid;
	s5 =	smul.u32 $0x9C4, s3  }
0x6: {  	s28 =	simm.s32 $0xB040;
	s30 =	simm.s32 $0xBA40;
	s9 =	smul.u32 $0x280, s3  }
0x7: {  	s29 =	simm.s32 $0xEC40;
	s31 =	simm.s32 $0xF640;
	s22 =	smul.u32 $0x28000, s3  }
0x8: {  	[smem:$0x7FF] =	sst s7;
	s6 =	sand.u32 $0x1, s6;
	s12 =	smul.u32 $0x14000, s3  }
0x9: {  	_ =	strace $0x80000047;
	s20 =	ssub.s32 $0x2, s6;
	s10 =	sshll.u32 s6, $0x3  }
0xa: {  	s5 =	sadd.s32 s5, s1;
	s1 =	sadd.s32 $0x14400, s1;
	s8 =	sshrl.u32 s20, $0x1  }
0xb: {  	s4 =	sadd.s32 s4, s10;
	s23 =	sshrl.u32 s22, $0x2;
	s11 =	sadd.s32 $0x80, s9  }
0xc: {  	s13 =	sadd.s32 $0x100, s9;
	s14 =	sadd.s32 $0x180, s9;
	s15 =	sadd.s32 $0x200, s9  }
0xd: {  	s7 =	ssub.s32 s20, s8;
	s21 =	sadd.s32 $0xA600, s5;
	s5 =	sadd.s32 $0x800, s5  }
0xe: {  	[dreg:$0x7] =	wrdreg s4;
	s22 =	sadd.s32 s23, s2;
	s24 =	sshll.u32 s11, $0x6  }
0xf: {  	s25 =	sshll.u32 s13, $0x6;
	s26 =	sshll.u32 s14, $0x6;
	s3 =	sshll.u32 s15, $0x6  }
0x10: {  	s16 =	sshll.u32 s11, $0x7;
	s20 =	sshll.u32 s13, $0x7;
	s23 =	sshll.u32 s15, $0x7  }
0x11: {  	s13 =	simm.s32 $0x10;
	s15 =	simm.s32 $0x0;
	[dreg:$0x5] =	wrdreg s21  }
0x12: {  	[dreg:$0x6] =	wrdreg s5;
	s5 =	sshll.u32 s6, $0x6;
	s8 =	sadd.s32 s24, s2  }
0x13: {  	s9 =	sadd.s32 s25, s2;
	s10 =	sadd.s32 s26, s2;
	s26 =	smax.u32 s7, $0x1  }
0x14: {  	s6 =	smul.u32 $0x13880, s6;
	s11 =	sadd.s32 s3, s2;
	[dreg:$0x11] =	wrdreg s26  }
0x15: {  	s21 =	sshll.u32 s14, $0x7;
	s14 =	simm.s32 $0x8;
	[dreg:$0x8] =	wrdreg s8  }
0x16: {  	s12 =	sor.u32 s5, s12;
	s16 =	sor.u32 s5, s16;
	[dreg:$0x9] =	wrdreg s9  }
0x17: {  	s4 =	sor.u32 s5, s21;
	s21 =	simm.s32 $0xD840;
	[dreg:$0xa] =	wrdreg s10  }
0x18: {  	s26 =	simm.s32 $0xE240;
	[dreg:$0xb] =	wrdreg s11;
	s17 =	sshrl.u32 s12, $0x3  }
0x19: {  	s12 =	sadd.s32 s0, s6;
	s19 =	sshrl.u32 s16, $0x3;
	s4 =	sshrl.u32 s4, $0x3  }
0x1a: {  	s6 =	simm.s32 $0x4;
	s18 =	sadd.s32 s1, s17;
	s0 =	sadd.s32 s1, s19  }
0x1b: {  	s24 =	sadd.s32 s1, s4;
	s19 =	simm.s32 $0x5;
	[dreg:$0xc] =	wrdreg s18  }
0x1c: {  	s4 =	simm.s32 $0x3;
	[dreg:$0xd] =	wrdreg s0;
	s0 =	sor.u32 s5, s20  }
0x1d: {  	s5 =	sor.u32 s5, s23;
	[dreg:$0xf] =	wrdreg s24;
	s23 =	simm.s32 $0x28  }
0x1e: {  	s24 =	simm.s32 $0x9C40;
	s20 =	simm.s32 $0xCE40;
	s0 =	sshrl.u32 s0, $0x3  }
0x1f: {  	s25 =	sshrl.u32 s5, $0x3;
	s5 =	simm.s32 $0x2;
	s0 =	sadd.s32 s1, s0  }
0x20: {  	[dreg:$0xe] =	wrdreg s0;
	s0 =	sadd.s32 s1, s25;
	s25 =	simm.s32 $0xA640  }
0x21: {  	s1 =	simm.s32 $0x1;
	[dreg:$0x10] =	wrdreg s0;
	s0 =	simm.s32 $0xC440  }
.LBB2_1:
0x22: {  	s3 =	simm.s32 $0x0;
	s7 =	rddreg [dreg:$0x5]  }
0x23: {  	[tilespmem:s3], [sflag:$0x5] =	stream.linear.gather [hbm4b:s7+s3], $0x4E20, $0x38;
	[tilespmem:$0x1C080] =	vst v63  }
0x24: {  	_ =	swait.ge [sflag:s19], $0x4E20  }
0x25: {  	[sflag:s19] =	ssyncset.done $0x0  }
0x26: {  	s16 =	simm.s32 $0x4E20;
	s18 =	rddreg [dreg:$0x6];
	[sflag:s19] =	ssyncadd.s32 $0xFFFFB1E0  }
0x27: {  	[tilespmem:s16], [sflag:$0x5] =	stream.linear.gather [hbm4b:s18+s3], $0x4E20, $0x38;
	[tilespmem:$0x1C080] =	vst v63  }
0x28: {  	_ =	swait.ge [sflag:s19], $0x4E20  }
0x29: {  	[sflag:s19] =	ssyncset.done $0x0  }
0x2a: {  	s18 =	simm.s32 $0x12040;
	s17 =	rddreg [dreg:$0x7];
	[sflag:s19] =	ssyncadd.s32 $0xFFFFB1E0  }
0x2b: {  	[tilespmem:s18], [sflag:$0x5] =	stream.linear.gather [hbm4b:s17+s3], $0x40, $0x38;
	[tilespmem:$0x1C080] =	vst v63  }
0x2c: {  	_ =	swait.ge [sflag:s19], $0x40  }
0x2d: {  	[sflag:s19] =	ssyncset.done $0x0  }
0x2e: {  	s18 =	sand.u32 $0x30, s3;
	[sflag:s19] =	ssyncadd.s32 $0xFFFFFFC0  }
0x2f: {  	v0 =	vld [tilespmem:s18+$0x12040]  }
0x30: {  	s17 =	sand.u32 $0x7F00, s3  }
0x31: {  	s17 =	sshrl.u32 s17, $0x2  }
0x32: {  	s7 =	simm.s32 $0x40;
	s16 =	simm.s32 $0x10;
	s17 =	sor.u32 s18, s17  }
.LBB2_2:
0x33: {  	s18 =	sand.u32 $0x30, s16  }
0x34: {  	p0 =	sne.s32 s7, $0x7FC0;
	[tilespmem:s17+$0x10040] =	vst v0;
	s17 =	smov.u32 s7;
	s7 =	sadd.s32 $0x40, s7  }
.Ltmp0:
0x35: {  	v0 =	vld [tilespmem:s18+$0x12040];
	(pc) =	sbr.rel @p0 .LBB2_2-.Ltmp0, $4  }
0x36: {  	_ = 	snop  }
0x37: {  	s17 =	sand.u32 $0x7F00, s17  }
0x38: {  	s17 =	sshrl.u32 s17, $0x2  }
0x39: {  	s16 =	sadd.s32 $0x10, s16;
	s17 =	sor.u32 s18, s17  }
0x3a: {  	[tilespmem:s17+$0x10040] =	vst v0;
	s3 =	simm.s32 $0x10040  }
0x3b: {  	[spmem:s22] =	stream.linear.scatter [tilespmem:s3], [sflag:$0x5], $0x2000, $0x38;
	[tilespmem:$0x1C080] =	vst v63  }
0x3c: {  	_ =	swait.ge [sflag:s19], $0x2000  }
0x3d: {  	[sflag:s19] =	ssyncset.done $0x0  }
0x3e: {  	[sflag:s19] =	ssyncadd.s32 $0xFFFFE000  }
0x3f: {  	[spmem:s8] =	stream.linear.scatter [tilespmem:s3], [sflag:$0x5], $0x2000, $0x38;
	[tilespmem:$0x1C080] =	vst v63  }
0x40: {  	_ =	swait.ge [sflag:s19], $0x2000  }
0x41: {  	[sflag:s19] =	ssyncset.done $0x0  }
0x42: {  	[sflag:s19] =	ssyncadd.s32 $0xFFFFE000  }
0x43: {  	[spmem:s9] =	stream.linear.scatter [tilespmem:s3], [sflag:$0x5], $0x2000, $0x38;
	[tilespmem:$0x1C080] =	vst v63  }
0x44: {  	_ =	swait.ge [sflag:s19], $0x2000  }
0x45: {  	[sflag:s19] =	ssyncset.done $0x0  }
0x46: {  	[sflag:s19] =	ssyncadd.s32 $0xFFFFE000  }
0x47: {  	[spmem:s10] =	stream.linear.scatter [tilespmem:s3], [sflag:$0x5], $0x2000, $0x38;
	[tilespmem:$0x1C080] =	vst v63  }
0x48: {  	_ =	swait.ge [sflag:s19], $0x2000  }
0x49: {  	[sflag:s19] =	ssyncset.done $0x0  }
0x4a: {  	[sflag:s19] =	ssyncadd.s32 $0xFFFFE000  }
0x4b: {  	[spmem:s11] =	stream.linear.scatter [tilespmem:s3], [sflag:$0x5], $0x2000, $0x38;
	[tilespmem:$0x1C080] =	vst v63  }
0x4c: {  	_ =	swait.ge [sflag:s19], $0x2000  }
0x4d: {  	[sflag:s19] =	ssyncset.done $0x0  }
0x4e: {  	[sflag:s19] =	ssyncadd.s32 $0xFFFFE000  }
0x4f: {  	s7 =	simm.s32 $0x0;
	[bflag:$0x0] =	sbarrier.arrive $0xFFFF  }
0x50: {  	[tilespmem:s24], [sflag:$0x1] =	stream.indirect.gather [hbm4b:s12+s23], $0x40, s7, s23, $0xb8;
	[tilespmem:$0x1C080] =	vst v63  }
0x51: {  	_ = 	snop  }
0x52: {  	[tilespmem:s25], [sflag:$0x1] =	stream.indirect.gather [hbm4b:s12+s23], $0x40, s23, s23, $0xb8;
	[tilespmem:$0x1C080] =	vst v63  }
0x53: {  	s18 =	simm.s32 $0x50  }
0x54: {  	[tilespmem:s28], [sflag:$0x1] =	stream.indirect.gather [hbm4b:s12+s23], $0x40, s18, s23, $0xb8;
	[tilespmem:$0x1C080] =	vst v63  }
0x55: {  	p0 =	por $0x1, $0x1;
	s7 =	simm.s32 $0x78  }
0x56: {  	[tilespmem:s30], [sflag:$0x1] =	stream.indirect.gather [hbm4b:s12+s23], $0x40, s7, s23, $0xb8;
	[tilespmem:$0x1C080] =	vst v63  }
0x57: {  	s8 =	simm.s32 $0xA0;
	s7 =	simm.s32 @!p0 $0x4  }
0x58: {  	[tilespmem:s0], [sflag:$0x1] =	stream.indirect.gather [hbm4b:s12+s23], $0x40, s8, s23, $0xb8;
	[tilespmem:$0x1C080] =	vst v63  }
0x59: {  	_ =	swait.ge @!p0 [sflag:s7], $0xA00  }
0x5a: {  	[sflag:s7] =	ssyncset.done @!p0 $0x0  }
0x5b: {  	[sflag:s7] =	ssyncadd.s32 @!p0 $0xFFFFF600  }
0x5c: {  	_ =	swait.ge @!p0 [sflag:s7], $0xA00  }
0x5d: {  	[sflag:s7] =	ssyncset.done @!p0 $0x0  }
0x5e: {  	[sflag:s7] =	ssyncadd.s32 @!p0 $0xFFFFF600  }
0x5f: {  	_ =	swait.ge @!p0 [sflag:s7], $0xA00  }
0x60: {  	[sflag:s7] =	ssyncset.done @!p0 $0x0  }
0x61: {  	[sflag:s7] =	ssyncadd.s32 @!p0 $0xFFFFF600  }
0x62: {  	_ =	swait.ge @!p0 [sflag:s7], $0xA00  }
0x63: {  	[sflag:s7] =	ssyncset.done @!p0 $0x0  }
0x64: {  	[sflag:s7] =	ssyncadd.s32 @!p0 $0xFFFFF600  }
0x65: {  	_ =	swait.ge @!p0 [sflag:s7], $0xA00  }
0x66: {  	[sflag:s7] =	ssyncset.done @!p0 $0x0  }
0x67: {  	s9 =	simm.s32 $0xC8;
	[sflag:s7] =	ssyncadd.s32 @!p0 $0xFFFFF600  }
0x68: {  	[tilespmem:s20], [sflag:$0x2] =	stream.indirect.gather [hbm4b:s12+s23], $0x40, s9, s23, $0xb8;
	[tilespmem:$0x1C080] =	vst v63  }
0x69: {  	s10 =	simm.s32 $0xF0  }
0x6a: {  	[tilespmem:s21], [sflag:$0x2] =	stream.indirect.gather [hbm4b:s12+s23], $0x40, s10, s23, $0xb8;
	[tilespmem:$0x1C080] =	vst v63  }
0x6b: {  	s11 =	simm.s32 $0x118  }
0x6c: {  	[tilespmem:s26], [sflag:$0x2] =	stream.indirect.gather [hbm4b:s12+s23], $0x40, s11, s23, $0xb8;
	[tilespmem:$0x1C080] =	vst v63  }
0x6d: {  	s16 =	simm.s32 $0x140  }
0x6e: {  	[tilespmem:s29], [sflag:$0x2] =	stream.indirect.gather [hbm4b:s12+s23], $0x40, s16, s23, $0xb8;
	[tilespmem:$0x1C080] =	vst v63  }
0x6f: {  	s17 =	simm.s32 $0x168  }
0x70: {  	[tilespmem:s31], [sflag:$0x2] =	stream.indirect.gather [hbm4b:s12+s23], $0x40, s17, s23, $0xb8;
	[tilespmem:$0x1C080] =	vst v63  }
0x71: {  	_ =	swait.ge [sflag:s1], $0xA00  }
0x72: {  	[sflag:s1] =	ssyncset.done $0x0  }
0x73: {  	s18 =	simm.s32 $0x4E20;
	[sflag:s1] =	ssyncadd.s32 $0xFFFFF600  }
0x74: {  	[spmem:s2] =	stream.indirect.scatter.add.f32 [tilespmem:s24], [sflag:$0x3], $0x40, s18, s23, $0xb8;
	[tilespmem:$0x1C080] =	vst v63  }
0x75: {  	_ =	swait.ge [sflag:s1], $0xA00  }
0x76: {  	[sflag:s1] =	ssyncset.done $0x0  }
0x77: {  	s3 =	simm.s32 $0x4E48;
	[sflag:s1] =	ssyncadd.s32 $0xFFFFF600  }
0x78: {  	[spmem:s2] =	stream.indirect.scatter.add.f32 [tilespmem:s25], [sflag:$0x3], $0x40, s3, s23, $0xb8;
	[tilespmem:$0x1C080] =	vst v63  }
0x79: {  	_ =	swait.ge [sflag:s1], $0xA00  }
0x7a: {  	[sflag:s1] =	ssyncset.done $0x0  }
0x7b: {  	s8 =	simm.s32 $0x4E70;
	[sflag:s1] =	ssyncadd.s32 $0xFFFFF600  }
0x7c: {  	[spmem:s2] =	stream.indirect.scatter.add.f32 [tilespmem:s28], [sflag:$0x3], $0x40, s8, s23, $0xb8;
	[tilespmem:$0x1C080] =	vst v63  }
0x7d: {  	_ =	swait.ge [sflag:s1], $0xA00  }
0x7e: {  	[sflag:s1] =	ssyncset.done $0x0  }
0x7f: {  	s9 =	simm.s32 $0x4E98;
	[sflag:s1] =	ssyncadd.s32 $0xFFFFF600  }
0x80: {  	[spmem:s2] =	stream.indirect.scatter.add.f32 [tilespmem:s30], [sflag:$0x3], $0x40, s9, s23, $0xb8;
	[tilespmem:$0x1C080] =	vst v63  }
0x81: {  	_ =	swait.ge [sflag:s1], $0xA00  }
0x82: {  	[sflag:s1] =	ssyncset.done $0x0  }
0x83: {  	s10 =	simm.s32 $0x4EC0;
	[sflag:s1] =	ssyncadd.s32 $0xFFFFF600  }
0x84: {  	[spmem:s2] =	stream.indirect.scatter.add.f32 [tilespmem:s0], [sflag:$0x3], $0x40, s10, s23, $0xb8;
	[tilespmem:$0x1C080] =	vst v63  }
0x85: {  	_ =	swait.ge [sflag:s4], $0xA00  }
0x86: {  	[sflag:s4] =	ssyncset.done $0x0  }
0x87: {  	[sflag:s4] =	ssyncadd.s32 $0xFFFFF600  }
0x88: {  	_ =	swait.ge [sflag:s4], $0xA00  }
0x89: {  	[sflag:s4] =	ssyncset.done $0x0  }
0x8a: {  	[sflag:s4] =	ssyncadd.s32 $0xFFFFF600  }
0x8b: {  	_ =	swait.ge [sflag:s4], $0xA00  }
0x8c: {  	[sflag:s4] =	ssyncset.done $0x0  }
0x8d: {  	[sflag:s4] =	ssyncadd.s32 $0xFFFFF600  }
0x8e: {  	_ =	swait.ge [sflag:s4], $0xA00  }
0x8f: {  	[sflag:s4] =	ssyncset.done $0x0  }
0x90: {  	[sflag:s4] =	ssyncadd.s32 $0xFFFFF600  }
0x91: {  	p0 =	por $0x0, $0x0;
	_ =	swait.ge [sflag:s4], $0xA00  }
0x92: {  	s7 =	simm.s32 @!p0 $0x9C40;
	[sflag:s4] =	ssyncset.done $0x0  }
0x93: {  	s16 =	simm.s32 @!p0 $0x190;
	s17 =	simm.s32 @!p0 $0x28;
	[sflag:s4] =	ssyncadd.s32 $0xFFFFF600  }
0x94: {  	[tilespmem:s7], [sflag:$0x1] =	stream.indirect.gather @!p0 [hbm4b:s12+s17], $0x40, s16, s17, $0xb8;
	[tilespmem:$0x1C080] =	vst v63  }
0x95: {  	s7 =	simm.s32 @!p0 $0x1B8;
	s16 =	simm.s32 @!p0 $0xA640  }
0x96: {  	[tilespmem:s16], [sflag:$0x1] =	stream.indirect.gather @!p0 [hbm4b:s12+s17], $0x40, s7, s17, $0xb8;
	[tilespmem:$0x1C080] =	vst v63  }
0x97: {  	s7 =	simm.s32 @!p0 $0x1E0;
	s16 =	simm.s32 @!p0 $0xB040  }
0x98: {  	[tilespmem:s16], [sflag:$0x1] =	stream.indirect.gather @!p0 [hbm4b:s12+s17], $0x40, s7, s17, $0xb8;
	[tilespmem:$0x1C080] =	vst v63  }
0x99: {  	s7 =	simm.s32 @!p0 $0x208;
	s16 =	simm.s32 @!p0 $0xBA40  }
0x9a: {  	[tilespmem:s16], [sflag:$0x1] =	stream.indirect.gather @!p0 [hbm4b:s12+s17], $0x40, s7, s17, $0xb8;
	[tilespmem:$0x1C080] =	vst v63  }
0x9b: {  	s7 =	simm.s32 @!p0 $0x230;
	s16 =	simm.s32 @!p0 $0xC440  }
0x9c: {  	[tilespmem:s16], [sflag:$0x1] =	stream.indirect.gather @!p0 [hbm4b:s12+s17], $0x40, s7, s17, $0xb8;
	[tilespmem:$0x1C080] =	vst v63  }
0x9d: {  	_ =	swait.ge [sflag:s5], $0xA00  }
0x9e: {  	[sflag:s5] =	ssyncset.done $0x0  }
0x9f: {  	s11 =	simm.s32 $0x4EE8;
	[sflag:s5] =	ssyncadd.s32 $0xFFFFF600  }
0xa0: {  	[spmem:s2] =	stream.indirect.scatter.add.f32 [tilespmem:s20], [sflag:$0x4], $0x40, s11, s23, $0xb8;
	[tilespmem:$0x1C080] =	vst v63  }
0xa1: {  	_ =	swait.ge [sflag:s5], $0xA00  }
0xa2: {  	[sflag:s5] =	ssyncset.done $0x0  }
0xa3: {  	s16 =	simm.s32 $0x4F10;
	[sflag:s5] =	ssyncadd.s32 $0xFFFFF600  }
0xa4: {  	[spmem:s2] =	stream.indirect.scatter.add.f32 [tilespmem:s21], [sflag:$0x4], $0x40, s16, s23, $0xb8;
	[tilespmem:$0x1C080] =	vst v63  }
0xa5: {  	_ =	swait.ge [sflag:s5], $0xA00  }
0xa6: {  	[sflag:s5] =	ssyncset.done $0x0  }
0xa7: {  	s17 =	simm.s32 $0x4F38;
	[sflag:s5] =	ssyncadd.s32 $0xFFFFF600  }
0xa8: {  	[spmem:s2] =	stream.indirect.scatter.add.f32 [tilespmem:s26], [sflag:$0x4], $0x40, s17, s23, $0xb8;
	[tilespmem:$0x1C080] =	vst v63  }
0xa9: {  	_ =	swait.ge [sflag:s5], $0xA00  }
0xaa: {  	[sflag:s5] =	ssyncset.done $0x0  }
0xab: {  	s18 =	simm.s32 $0x4F60;
	[sflag:s5] =	ssyncadd.s32 $0xFFFFF600  }
0xac: {  	[spmem:s2] =	stream.indirect.scatter.add.f32 [tilespmem:s29], [sflag:$0x4], $0x40, s18, s23, $0xb8;
	[tilespmem:$0x1C080] =	vst v63  }
0xad: {  	p1 =	por $0x0, $0x0;
	s16 =	simm.s32 $0x640;
	_ =	swait.ge [sflag:s5], $0xA00  }
0xae: {  	s17 =	simm.s32 $0xC80;
	s18 =	simm.s32 $0x4F88;
	[sflag:s5] =	ssyncset.done $0x0  }
.LBB2_4:
0xaf: {  	s8 =	simm.s32 @!p1 $0x4  }
0xb0: {  	[sflag:s5] =	ssyncadd.s32 $0xFFFFF600;
	s7 =	smov.u32 s17;
	s17 =	sadd.s32 $0x640, s17  }
0xb1: {  	[spmem:s2] =	stream.indirect.scatter.add.f32 [tilespmem:s31], [sflag:$0x4], $0x40, s18, s23, $0xb8;
	[tilespmem:$0x1C080] =	vst v63  }
0xb2: {  	p0 =	seq.s32 s17, $0x13880;
	_ =	swait.ge @!p1 [sflag:s8], $0xA00  }
0xb3: {  	[sflag:s8] =	ssyncset.done @!p1 $0x0  }
0xb4: {  	[sflag:s8] =	ssyncadd.s32 @!p1 $0xFFFFF600  }
0xb5: {  	_ =	swait.ge @!p1 [sflag:s8], $0xA00  }
0xb6: {  	[sflag:s8] =	ssyncset.done @!p1 $0x0  }
0xb7: {  	[sflag:s8] =	ssyncadd.s32 @!p1 $0xFFFFF600  }
0xb8: {  	_ =	swait.ge @!p1 [sflag:s8], $0xA00  }
0xb9: {  	[sflag:s8] =	ssyncset.done @!p1 $0x0  }
0xba: {  	[sflag:s8] =	ssyncadd.s32 @!p1 $0xFFFFF600  }
0xbb: {  	_ =	swait.ge @!p1 [sflag:s8], $0xA00  }
0xbc: {  	[sflag:s8] =	ssyncset.done @!p1 $0x0  }
0xbd: {  	[sflag:s8] =	ssyncadd.s32 @!p1 $0xFFFFF600  }
0xbe: {  	_ =	swait.ge @!p1 [sflag:s8], $0xA00  }
0xbf: {  	s18 =	sshra.s32 s16, $0x2;
	[sflag:s8] =	ssyncset.done @!p1 $0x0  }
0xc0: {  	[sflag:s8] =	ssyncadd.s32 @!p1 $0xFFFFF600;
	s8 =	sadd.s32 $0xC8, s18  }
0xc1: {  	[tilespmem:s20], [sflag:$0x2] =	stream.indirect.gather [hbm4b:s12+s23], $0x40, s8, s23, $0xb8;
	[tilespmem:$0x1C080] =	vst v63  }
0xc2: {  	s8 =	sadd.s32 $0xF0, s18  }
0xc3: {  	[tilespmem:s21], [sflag:$0x2] =	stream.indirect.gather [hbm4b:s12+s23], $0x40, s8, s23, $0xb8;
	[tilespmem:$0x1C080] =	vst v63  }
0xc4: {  	s8 =	sadd.s32 $0x118, s18  }
0xc5: {  	[tilespmem:s26], [sflag:$0x2] =	stream.indirect.gather [hbm4b:s12+s23], $0x40, s8, s23, $0xb8;
	[tilespmem:$0x1C080] =	vst v63  }
0xc6: {  	s8 =	sadd.s32 $0x140, s18  }
0xc7: {  	[tilespmem:s29], [sflag:$0x2] =	stream.indirect.gather [hbm4b:s12+s23], $0x40, s8, s23, $0xb8;
	[tilespmem:$0x1C080] =	vst v63  }
0xc8: {  	s8 =	sadd.s32 $0x168, s18  }
0xc9: {  	[tilespmem:s31], [sflag:$0x2] =	stream.indirect.gather [hbm4b:s12+s23], $0x40, s8, s23, $0xb8;
	[tilespmem:$0x1C080] =	vst v63  }
0xca: {  	_ =	swait.ge [sflag:s1], $0xA00  }
0xcb: {  	[sflag:s1] =	ssyncset.done $0x0  }
0xcc: {  	s8 =	sadd.s32 $0x4E20, s18;
	[sflag:s1] =	ssyncadd.s32 $0xFFFFF600  }
0xcd: {  	[spmem:s2] =	stream.indirect.scatter.add.f32 [tilespmem:s24], [sflag:$0x3], $0x40, s8, s23, $0xb8;
	[tilespmem:$0x1C080] =	vst v63  }
0xce: {  	_ =	swait.ge [sflag:s1], $0xA00  }
0xcf: {  	[sflag:s1] =	ssyncset.done $0x0  }
0xd0: {  	s8 =	sadd.s32 $0x4E48, s18;
	[sflag:s1] =	ssyncadd.s32 $0xFFFFF600  }
0xd1: {  	[spmem:s2] =	stream.indirect.scatter.add.f32 [tilespmem:s25], [sflag:$0x3], $0x40, s8, s23, $0xb8;
	[tilespmem:$0x1C080] =	vst v63  }
0xd2: {  	_ =	swait.ge [sflag:s1], $0xA00  }
0xd3: {  	[sflag:s1] =	ssyncset.done $0x0  }
0xd4: {  	s8 =	sadd.s32 $0x4E70, s18;
	[sflag:s1] =	ssyncadd.s32 $0xFFFFF600  }
0xd5: {  	[spmem:s2] =	stream.indirect.scatter.add.f32 [tilespmem:s28], [sflag:$0x3], $0x40, s8, s23, $0xb8;
	[tilespmem:$0x1C080] =	vst v63  }
0xd6: {  	_ =	swait.ge [sflag:s1], $0xA00  }
0xd7: {  	[sflag:s1] =	ssyncset.done $0x0  }
0xd8: {  	s8 =	sadd.s32 $0x4E98, s18;
	[sflag:s1] =	ssyncadd.s32 $0xFFFFF600  }
0xd9: {  	[spmem:s2] =	stream.indirect.scatter.add.f32 [tilespmem:s30], [sflag:$0x3], $0x40, s8, s23, $0xb8;
	[tilespmem:$0x1C080] =	vst v63  }
0xda: {  	_ =	swait.ge [sflag:s1], $0xA00  }
0xdb: {  	[sflag:s1] =	ssyncset.done $0x0  }
0xdc: {  	s8 =	sadd.s32 $0x4EC0, s18;
	[sflag:s1] =	ssyncadd.s32 $0xFFFFF600  }
0xdd: {  	[spmem:s2] =	stream.indirect.scatter.add.f32 [tilespmem:s0], [sflag:$0x3], $0x40, s8, s23, $0xb8;
	[tilespmem:$0x1C080] =	vst v63  }
0xde: {  	_ =	swait.ge [sflag:s4], $0xA00  }
0xdf: {  	[sflag:s4] =	ssyncset.done $0x0  }
0xe0: {  	[sflag:s4] =	ssyncadd.s32 $0xFFFFF600  }
0xe1: {  	_ =	swait.ge [sflag:s4], $0xA00  }
0xe2: {  	[sflag:s4] =	ssyncset.done $0x0  }
0xe3: {  	[sflag:s4] =	ssyncadd.s32 $0xFFFFF600  }
0xe4: {  	_ =	swait.ge [sflag:s4], $0xA00  }
0xe5: {  	[sflag:s4] =	ssyncset.done $0x0  }
0xe6: {  	[sflag:s4] =	ssyncadd.s32 $0xFFFFF600  }
0xe7: {  	_ =	swait.ge [sflag:s4], $0xA00  }
0xe8: {  	[sflag:s4] =	ssyncset.done $0x0  }
0xe9: {  	[sflag:s4] =	ssyncadd.s32 $0xFFFFF600  }
0xea: {  	p1 =	seq.s32 s16, $0x13240;
	_ =	swait.ge [sflag:s4], $0xA00  }
0xeb: {  	s8 =	sshra.s32 @!p1 s16, $0x2;
	s16 =	simm.s32 @!p1 $0x9C40;
	[sflag:s4] =	ssyncset.done $0x0  }
0xec: {  	s10 =	simm.s32 @!p1 $0x28;
	s9 =	sadd.s32 @!p1 $0x190, s8;
	[sflag:s4] =	ssyncadd.s32 $0xFFFFF600  }
0xed: {  	[tilespmem:s16], [sflag:$0x1] =	stream.indirect.gather @!p1 [hbm4b:s12+s10], $0x40, s9, s10, $0xb8;
	[tilespmem:$0x1C080] =	vst v63  }
0xee: {  	s11 =	sadd.s32 @!p1 $0x1E0, s8;
	s9 =	sadd.s32 @!p1 $0x1B8, s8;
	s16 =	simm.s32 @!p1 $0xA640  }
0xef: {  	[tilespmem:s16], [sflag:$0x1] =	stream.indirect.gather @!p1 [hbm4b:s12+s10], $0x40, s9, s10, $0xb8;
	[tilespmem:$0x1C080] =	vst v63  }
0xf0: {  	s3 =	sadd.s32 @!p1 $0x208, s8;
	s8 =	sadd.s32 @!p1 $0x230, s8;
	s9 =	simm.s32 @!p1 $0xB040  }
0xf1: {  	[tilespmem:s9], [sflag:$0x1] =	stream.indirect.gather @!p1 [hbm4b:s12+s10], $0x40, s11, s10, $0xb8;
	[tilespmem:$0x1C080] =	vst v63  }
0xf2: {  	s16 =	smov.u32 s7;
	s9 =	simm.s32 @!p1 $0xBA40  }
0xf3: {  	[tilespmem:s9], [sflag:$0x1] =	stream.indirect.gather @!p1 [hbm4b:s12+s10], $0x40, s3, s10, $0xb8;
	[tilespmem:$0x1C080] =	vst v63  }
0xf4: {  	s3 =	simm.s32 @!p1 $0xC440  }
0xf5: {  	[tilespmem:s3], [sflag:$0x1] =	stream.indirect.gather @!p1 [hbm4b:s12+s10], $0x40, s8, s10, $0xb8;
	[tilespmem:$0x1C080] =	vst v63  }
0xf6: {  	_ =	swait.ge [sflag:s5], $0xA00  }
0xf7: {  	[sflag:s5] =	ssyncset.done $0x0  }
0xf8: {  	s3 =	sadd.s32 $0x4EE8, s18;
	[sflag:s5] =	ssyncadd.s32 $0xFFFFF600  }
0xf9: {  	[spmem:s2] =	stream.indirect.scatter.add.f32 [tilespmem:s20], [sflag:$0x4], $0x40, s3, s23, $0xb8;
	[tilespmem:$0x1C080] =	vst v63  }
0xfa: {  	_ =	swait.ge [sflag:s5], $0xA00  }
0xfb: {  	[sflag:s5] =	ssyncset.done $0x0  }
0xfc: {  	s3 =	sadd.s32 $0x4F10, s18;
	[sflag:s5] =	ssyncadd.s32 $0xFFFFF600  }
0xfd: {  	[spmem:s2] =	stream.indirect.scatter.add.f32 [tilespmem:s21], [sflag:$0x4], $0x40, s3, s23, $0xb8;
	[tilespmem:$0x1C080] =	vst v63  }
0xfe: {  	_ =	swait.ge [sflag:s5], $0xA00  }
0xff: {  	[sflag:s5] =	ssyncset.done $0x0  }
0x100: {  	s3 =	sadd.s32 $0x4F38, s18;
	[sflag:s5] =	ssyncadd.s32 $0xFFFFF600  }
0x101: {  	[spmem:s2] =	stream.indirect.scatter.add.f32 [tilespmem:s26], [sflag:$0x4], $0x40, s3, s23, $0xb8;
	[tilespmem:$0x1C080] =	vst v63  }
0x102: {  	_ =	swait.ge [sflag:s5], $0xA00  }
.Ltmp1:
0x103: {  	[sflag:s5] =	ssyncset.done $0x0;
	(pc) =	sbr.rel @!p0 .LBB2_4-.Ltmp1, $4  }
0x104: {  	s3 =	sadd.s32 $0x4F60, s18;
	[sflag:s5] =	ssyncadd.s32 $0xFFFFF600  }
0x105: {  	[spmem:s2] =	stream.indirect.scatter.add.f32 [tilespmem:s29], [sflag:$0x4], $0x40, s3, s23, $0xb8;
	[tilespmem:$0x1C080] =	vst v63  }
0x106: {  	_ =	swait.ge [sflag:s5], $0xA00  }
0x107: {  	p1 =	seq.s32 s16, $0x0;
	s18 =	sadd.s32 $0x4F88, s18;
	[sflag:s5] =	ssyncset.done $0x0  }
0x108: {  	s3 =	simm.s32 @!p1 $0x4;
	[sflag:s5] =	ssyncadd.s32 $0xFFFFF600  }
0x109: {  	[spmem:s2] =	stream.indirect.scatter.add.f32 [tilespmem:s31], [sflag:$0x4], $0x40, s18, s23, $0xb8;
	[tilespmem:$0x1C080] =	vst v63  }
0x10a: {  	_ =	swait.ge @!p1 [sflag:s3], $0xA00  }
0x10b: {  	[sflag:s3] =	ssyncset.done @!p1 $0x0  }
0x10c: {  	[sflag:s3] =	ssyncadd.s32 @!p1 $0xFFFFF600  }
0x10d: {  	_ =	swait.ge @!p1 [sflag:s3], $0xA00  }
0x10e: {  	[sflag:s3] =	ssyncset.done @!p1 $0x0  }
0x10f: {  	[sflag:s3] =	ssyncadd.s32 @!p1 $0xFFFFF600  }
0x110: {  	_ =	swait.ge @!p1 [sflag:s3], $0xA00  }
0x111: {  	[sflag:s3] =	ssyncset.done @!p1 $0x0  }
0x112: {  	[sflag:s3] =	ssyncadd.s32 @!p1 $0xFFFFF600  }
0x113: {  	_ =	swait.ge @!p1 [sflag:s3], $0xA00  }
0x114: {  	[sflag:s3] =	ssyncset.done @!p1 $0x0  }
0x115: {  	[sflag:s3] =	ssyncadd.s32 @!p1 $0xFFFFF600  }
0x116: {  	_ =	swait.ge @!p1 [sflag:s3], $0xA00  }
0x117: {  	s7 =	sshra.s32 s16, $0x2;
	[sflag:s3] =	ssyncset.done @!p1 $0x0  }
0x118: {  	s8 =	sadd.s32 $0xC8, s7;
	[sflag:s3] =	ssyncadd.s32 @!p1 $0xFFFFF600  }
0x119: {  	[tilespmem:s20], [sflag:$0x2] =	stream.indirect.gather [hbm4b:s12+s23], $0x40, s8, s23, $0xb8;
	[tilespmem:$0x1C080] =	vst v63  }
0x11a: {  	s9 =	sadd.s32 $0xF0, s7  }
0x11b: {  	[tilespmem:s21], [sflag:$0x2] =	stream.indirect.gather [hbm4b:s12+s23], $0x40, s9, s23, $0xb8;
	[tilespmem:$0x1C080] =	vst v63  }
0x11c: {  	s10 =	sadd.s32 $0x118, s7  }
0x11d: {  	[tilespmem:s26], [sflag:$0x2] =	stream.indirect.gather [hbm4b:s12+s23], $0x40, s10, s23, $0xb8;
	[tilespmem:$0x1C080] =	vst v63  }
0x11e: {  	s11 =	sadd.s32 $0x140, s7  }
0x11f: {  	[tilespmem:s29], [sflag:$0x2] =	stream.indirect.gather [hbm4b:s12+s23], $0x40, s11, s23, $0xb8;
	[tilespmem:$0x1C080] =	vst v63  }
0x120: {  	s17 =	sadd.s32 $0x168, s7  }
0x121: {  	[tilespmem:s31], [sflag:$0x2] =	stream.indirect.gather [hbm4b:s12+s23], $0x40, s17, s23, $0xb8;
	[tilespmem:$0x1C080] =	vst v63  }
0x122: {  	_ =	swait.ge [sflag:s1], $0xA00  }
0x123: {  	[sflag:s1] =	ssyncset.done $0x0  }
0x124: {  	s18 =	sadd.s32 $0x4E20, s7;
	[sflag:s1] =	ssyncadd.s32 $0xFFFFF600  }
0x125: {  	[spmem:s2] =	stream.indirect.scatter.add.f32 [tilespmem:s24], [sflag:$0x3], $0x40, s18, s23, $0xb8;
	[tilespmem:$0x1C080] =	vst v63  }
0x126: {  	_ =	swait.ge [sflag:s1], $0xA00  }
0x127: {  	[sflag:s1] =	ssyncset.done $0x0  }
0x128: {  	s8 =	sadd.s32 $0x4E48, s7;
	[sflag:s1] =	ssyncadd.s32 $0xFFFFF600  }
0x129: {  	[spmem:s2] =	stream.indirect.scatter.add.f32 [tilespmem:s25], [sflag:$0x3], $0x40, s8, s23, $0xb8;
	[tilespmem:$0x1C080] =	vst v63  }
0x12a: {  	_ =	swait.ge [sflag:s1], $0xA00  }
0x12b: {  	[sflag:s1] =	ssyncset.done $0x0  }
0x12c: {  	s9 =	sadd.s32 $0x4E70, s7;
	[sflag:s1] =	ssyncadd.s32 $0xFFFFF600  }
0x12d: {  	[spmem:s2] =	stream.indirect.scatter.add.f32 [tilespmem:s28], [sflag:$0x3], $0x40, s9, s23, $0xb8;
	[tilespmem:$0x1C080] =	vst v63  }
0x12e: {  	_ =	swait.ge [sflag:s1], $0xA00  }
0x12f: {  	[sflag:s1] =	ssyncset.done $0x0  }
0x130: {  	s10 =	sadd.s32 $0x4E98, s7;
	[sflag:s1] =	ssyncadd.s32 $0xFFFFF600  }
0x131: {  	[spmem:s2] =	stream.indirect.scatter.add.f32 [tilespmem:s30], [sflag:$0x3], $0x40, s10, s23, $0xb8;
	[tilespmem:$0x1C080] =	vst v63  }
0x132: {  	_ =	swait.ge [sflag:s1], $0xA00  }
0x133: {  	[sflag:s1] =	ssyncset.done $0x0  }
0x134: {  	s11 =	sadd.s32 $0x4EC0, s7;
	[sflag:s1] =	ssyncadd.s32 $0xFFFFF600  }
0x135: {  	[spmem:s2] =	stream.indirect.scatter.add.f32 [tilespmem:s0], [sflag:$0x3], $0x40, s11, s23, $0xb8;
	[tilespmem:$0x1C080] =	vst v63  }
0x136: {  	_ =	swait.ge [sflag:s4], $0xA00  }
0x137: {  	[sflag:s4] =	ssyncset.done $0x0  }
0x138: {  	[sflag:s4] =	ssyncadd.s32 $0xFFFFF600  }
0x139: {  	_ =	swait.ge [sflag:s4], $0xA00  }
0x13a: {  	[sflag:s4] =	ssyncset.done $0x0  }
0x13b: {  	[sflag:s4] =	ssyncadd.s32 $0xFFFFF600  }
0x13c: {  	_ =	swait.ge [sflag:s4], $0xA00  }
0x13d: {  	[sflag:s4] =	ssyncset.done $0x0  }
0x13e: {  	[sflag:s4] =	ssyncadd.s32 $0xFFFFF600  }
0x13f: {  	_ =	swait.ge [sflag:s4], $0xA00  }
0x140: {  	[sflag:s4] =	ssyncset.done $0x0  }
0x141: {  	[sflag:s4] =	ssyncadd.s32 $0xFFFFF600  }
0x142: {  	p0 =	seq.s32 s16, $0x13240;
	_ =	swait.ge [sflag:s4], $0xA00  }
0x143: {  	s3 =	sshra.s32 @!p0 s16, $0x2;
	s8 =	simm.s32 @!p0 $0x9C40;
	[sflag:s4] =	ssyncset.done $0x0  }
0x144: {  	s9 =	sadd.s32 @!p0 $0x190, s3;
	s10 =	simm.s32 @!p0 $0x28;
	[sflag:s4] =	ssyncadd.s32 $0xFFFFF600  }
0x145: {  	[tilespmem:s8], [sflag:$0x1] =	stream.indirect.gather @!p0 [hbm4b:s12+s10], $0x40, s9, s10, $0xb8;
	[tilespmem:$0x1C080] =	vst v63  }
0x146: {  	s8 =	sadd.s32 @!p0 $0x1B8, s3;
	s9 =	simm.s32 @!p0 $0xA640  }
0x147: {  	[tilespmem:s9], [sflag:$0x1] =	stream.indirect.gather @!p0 [hbm4b:s12+s10], $0x40, s8, s10, $0xb8;
	[tilespmem:$0x1C080] =	vst v63  }
0x148: {  	s8 =	sadd.s32 @!p0 $0x1E0, s3;
	s9 =	simm.s32 @!p0 $0xB040  }
0x149: {  	[tilespmem:s9], [sflag:$0x1] =	stream.indirect.gather @!p0 [hbm4b:s12+s10], $0x40, s8, s10, $0xb8;
	[tilespmem:$0x1C080] =	vst v63  }
0x14a: {  	s8 =	sadd.s32 @!p0 $0x208, s3;
	s9 =	simm.s32 @!p0 $0xBA40  }
0x14b: {  	[tilespmem:s9], [sflag:$0x1] =	stream.indirect.gather @!p0 [hbm4b:s12+s10], $0x40, s8, s10, $0xb8;
	[tilespmem:$0x1C080] =	vst v63  }
0x14c: {  	s3 =	sadd.s32 @!p0 $0x230, s3;
	s8 =	simm.s32 @!p0 $0xC440  }
0x14d: {  	[tilespmem:s8], [sflag:$0x1] =	stream.indirect.gather @!p0 [hbm4b:s12+s10], $0x40, s3, s10, $0xb8;
	[tilespmem:$0x1C080] =	vst v63  }
0x14e: {  	_ =	swait.ge [sflag:s5], $0xA00  }
0x14f: {  	[sflag:s5] =	ssyncset.done $0x0  }
0x150: {  	s17 =	sadd.s32 $0x4EE8, s7;
	[sflag:s5] =	ssyncadd.s32 $0xFFFFF600  }
0x151: {  	[spmem:s2] =	stream.indirect.scatter.add.f32 [tilespmem:s20], [sflag:$0x4], $0x40, s17, s23, $0xb8;
	[tilespmem:$0x1C080] =	vst v63  }
0x152: {  	_ =	swait.ge [sflag:s5], $0xA00  }
0x153: {  	[sflag:s5] =	ssyncset.done $0x0  }
0x154: {  	s18 =	sadd.s32 $0x4F10, s7;
	[sflag:s5] =	ssyncadd.s32 $0xFFFFF600  }
0x155: {  	[spmem:s2] =	stream.indirect.scatter.add.f32 [tilespmem:s21], [sflag:$0x4], $0x40, s18, s23, $0xb8;
	[tilespmem:$0x1C080] =	vst v63  }
0x156: {  	_ =	swait.ge [sflag:s5], $0xA00  }
0x157: {  	[sflag:s5] =	ssyncset.done $0x0  }
0x158: {  	s8 =	sadd.s32 $0x4F38, s7;
	[sflag:s5] =	ssyncadd.s32 $0xFFFFF600  }
0x159: {  	[spmem:s2] =	stream.indirect.scatter.add.f32 [tilespmem:s26], [sflag:$0x4], $0x40, s8, s23, $0xb8;
	[tilespmem:$0x1C080] =	vst v63  }
0x15a: {  	_ =	swait.ge [sflag:s5], $0xA00  }
0x15b: {  	[sflag:s5] =	ssyncset.done $0x0  }
0x15c: {  	s9 =	sadd.s32 $0x4F60, s7;
	[sflag:s5] =	ssyncadd.s32 $0xFFFFF600  }
0x15d: {  	[spmem:s2] =	stream.indirect.scatter.add.f32 [tilespmem:s29], [sflag:$0x4], $0x40, s9, s23, $0xb8;
	[tilespmem:$0x1C080] =	vst v63  }
0x15e: {  	_ =	swait.ge [sflag:s5], $0xA00  }
0x15f: {  	[sflag:s5] =	ssyncset.done $0x0  }
0x160: {  	s10 =	sadd.s32 $0x4F88, s7;
	[sflag:s5] =	ssyncadd.s32 $0xFFFFF600  }
0x161: {  	[spmem:s2] =	stream.indirect.scatter.add.f32 [tilespmem:s31], [sflag:$0x4], $0x40, s10, s23, $0xb8;
	[tilespmem:$0x1C080] =	vst v63  }
0x162: {  	_ =	swait.ge [sflag:s6], $0xA00  }
0x163: {  	[sflag:s6] =	ssyncset.done $0x0  }
0x164: {  	[sflag:s6] =	ssyncadd.s32 $0xFFFFF600  }
0x165: {  	_ =	swait.ge [sflag:s6], $0xA00  }
0x166: {  	[sflag:s6] =	ssyncset.done $0x0  }
0x167: {  	[sflag:s6] =	ssyncadd.s32 $0xFFFFF600  }
0x168: {  	_ =	swait.ge [sflag:s6], $0xA00  }
0x169: {  	[sflag:s6] =	ssyncset.done $0x0  }
0x16a: {  	[sflag:s6] =	ssyncadd.s32 $0xFFFFF600  }
0x16b: {  	_ =	swait.ge [sflag:s6], $0xA00  }
0x16c: {  	[sflag:s6] =	ssyncset.done $0x0  }
0x16d: {  	[sflag:s6] =	ssyncadd.s32 $0xFFFFF600  }
0x16e: {  	_ =	swait.ge [sflag:s6], $0xA00  }
0x16f: {  	[sflag:s6] =	ssyncset.done $0x0  }
0x170: {  	s11 =	stileid.u32;
	[sflag:s6] =	ssyncadd.s32 $0xFFFFF600  }
0x171: {  	s16 =	sshll.u32 s11, $0x6;
	[bflag:$0x0] =	sbarrier.arrive $0xFFFF  }
0x172: {  	s7 =	sor.u32 $0x1C05, s16;
	s17 =	sshrl.u32 s22, $0x3;
	s18 =	rddreg [dreg:$0xc]  }
0x173: {  	[hbm:s18@s13], [sflag:s7] =	dma.strided [spmem:s17@s14], $0x400, s1, $0x8   }
0x174: {  	_ =	swait.ge [sflag:s19], $0x400  }
0x175: {  	[sflag:s19] =	ssyncset.done $0x0;
	s8 =	rddreg [dreg:$0x8]  }
0x176: {  	s9 =	rddreg [dreg:$0xd];
	[sflag:s19] =	ssyncadd.s32 $0xFFFFFC00;
	s3 =	sshrl.u32 s8, $0x3  }
0x177: {  	[hbm:s9@s13], [sflag:s7] =	dma.strided [spmem:s3@s14], $0x400, s1, $0x8   }
0x178: {  	_ =	swait.ge [sflag:s19], $0x400  }
0x179: {  	[sflag:s19] =	ssyncset.done $0x0;
	s9 =	rddreg [dreg:$0x9]  }
0x17a: {  	s11 =	rddreg [dreg:$0xe];
	[sflag:s19] =	ssyncadd.s32 $0xFFFFFC00;
	s10 =	sshrl.u32 s9, $0x3  }
0x17b: {  	[hbm:s11@s13], [sflag:s7] =	dma.strided [spmem:s10@s14], $0x400, s1, $0x8   }
0x17c: {  	_ =	swait.ge [sflag:s19], $0x400  }
0x17d: {  	[sflag:s19] =	ssyncset.done $0x0;
	s10 =	rddreg [dreg:$0xa]  }
0x17e: {  	s18 =	rddreg [dreg:$0xf];
	[sflag:s19] =	ssyncadd.s32 $0xFFFFFC00;
	s17 =	sshrl.u32 s10, $0x3  }
0x17f: {  	[hbm:s18@s13], [sflag:s7] =	dma.strided [spmem:s17@s14], $0x400, s1, $0x8   }
0x180: {  	_ =	swait.ge [sflag:s19], $0x400  }
0x181: {  	[sflag:s19] =	ssyncset.done $0x0;
	s11 =	rddreg [dreg:$0xb]  }
0x182: {  	s17 =	rddreg [dreg:$0x10];
	[sflag:s19] =	ssyncadd.s32 $0xFFFFFC00;
	s3 =	sshrl.u32 s11, $0x3  }
0x183: {  	[hbm:s17@s13], [sflag:s7] =	dma.strided [spmem:s3@s14], $0x400, s1, $0x8   }
0x184: {  	_ =	swait.ge [sflag:s19], $0x400  }
0x185: {  	s15 =	sadd.s32 $0x1, s15;
	s18 =	rddreg [dreg:$0x11]  }
0x186: {  	p0 =	seq.s32 s15, s18  }
.Ltmp2:
0x187: {  	_ = 	snop;
	(pc) =	sbr.rel @!p0 .LBB2_1-.Ltmp2, $3  }
0x188: {  	_ =	sdelay $0x1  }
0x189: {  	[sflag:s19] =	ssyncset.done $0x0  }
0x18a: {  	[sflag:s19] =	ssyncadd.s32 $0xFFFFFC00  }
0x18b: {  	_ =	sfence.sel $0x180000  }
0x18c: {  	[bflag:$0x0] =	sbarrier.arrive $0xFFFF  }
0x18d: {  	_ =	strace $0x90000047  }
0x18e: {  	s0 =	stileid.u32;
	[bflag:$0x2] =	sbarrier.arrive $0xFFFF  }
0x18f: {  	p0 =	sne.s32 s0, $0x0;
	s0 =	rddreg [dreg:$0x4]  }
0x190: {  	s0 =	sadd.s32 @!p0 $0x100000, s0  }
0x191: {  	[sflag:s0] =	ssyncadd.tile.s32 @!p0 $0x1;
	_ =	shalt  }
.Lfunc_end2:
_tile_overlayer_lowered:
.L_overlay_start_2:
0x192: {  	(tag) =	ssettag $0x2  }
0x193: {  	s0 =	rddreg [dreg:$0x0];
	s2 =	stileid.u32  }
0x194: {  	s1 =	rddreg [dreg:$0x1];
	p0 =	sne.s32 s2, $0x0  }
0x195: {  	s3 =	rddreg [dreg:$0x2];
	[bflag:$0x3] =	sbarrier.arrive $0xFFFF;
	s2 =	simm.s32 @!p0 $0x1C05  }
0x196: {  	[timem:s3], [sflag:s2] =	dma.local @!p0 [hbm:s0], s1  }
0x197: {  	s0 =	simm.s32 @!p0 $0x5  }
0x198: {  	_ =	swait.ge @!p0 [sflag:s0], s1  }
0x199: {  	s1 =	ssub.s32 @!p0 $0x0, s1;
	[sflag:s0] =	ssyncset.done @!p0 $0x0  }
0x19a: {  	[sflag:s0] =	ssyncadd.s32 @!p0 s1  }
0x19b: {  	[bflag:$0x3] =	sbarrier.arrive $0xFFFF  }
0x19c: {  	_ =	shalt  }

// kernel: kernel.9.cloned.1.call-start
scs
__scs_entry_jumppad:
0x0: {  	(pc) =	sbr.rel $0x88, $3  }
0x1: {  	(tag) =	ssettag $0x0;
	lr =	simm.s32 $0x1  }
0x2: {  	[smem:$0x3F9B] =	sst lr;
	_ =	strace $0xD0000000  }
0x3: {  	_ = 	snop  }
0x4: {  	_ = 	snop  }
0x5: {  	_ = 	snop  }
0x6: {  	_ = 	snop  }
0x7: {  	_ = 	snop  }
__scs_overlays_trampoline_lowered:
0x8: {  	[smem:$0x3FAA] =	sst s0  }
0x9: {  	[smem:$0x3FAB] =	sst s1  }
0xa: {  	[smem:$0x3FAC] =	sst s2  }
0xb: {  	[smem:$0x3FAD] =	sst s3  }
0xc: {  	[smem:$0x3FAE] =	sst s4  }
0xd: {  	[smem:$0x3FAF] =	sst s5  }
0xe: {  	[smem:$0x3FB0] =	sst s6  }
0xf: {  	[smem:$0x3FB1] =	sst s7  }
0x10: {  	[smem:$0x3FB2] =	sst s8  }
0x11: {  	[smem:$0x3FB3] =	sst s9;
	s0 =	simm.s32 @!p0 $0x0  }
0x12: {  	s1 =	sld [smem:$0x3F99];
	s0 =	simm.s32 @p0 $0x1  }
0x13: {  	[smem:$0x3FB4] =	sst s0;
	s0 =	simm.s32 @!p1 $0x0  }
0x14: {  	s2 =	sld [smem:$0x3F98];
	s0 =	simm.s32 @p1 $0x1  }
0x15: {  	[smem:$0x3FB5] =	sst s0;
	s0 =	simm.s32 @!p2 $0x0  }
0x16: {  	s3 =	sld [smem:$0x3FDB];
	s0 =	simm.s32 @p2 $0x1  }
0x17: {  	s4 =	simm.s32 $0x1BF5;
	[smem:$0x3FB7] =	sst s0  }
0x18: {  	s0 =	sld [smem:$0x3F9A];
	_ =	swait.ge [sflag:s4], $0x0  }
0x19: {  	s7 =	sld [smem:$0x3F9B]  }
0x1a: {  	s8 =	sadd.s32 $0xFFFFE003, lr  }
0x1b: {  	s9 =	sadd.s32 $0xFFFFFEF7, lr;
	s5 =	simm.s32 $0xFFFFFFFF;
	p2 =	slt.u32 s8, $0xFFFFF086  }
0x1c: {  	p1 =	slt.u32 s9, $0xF7A;
	s5 =	simm.s32 @!p2 $0x0  }
0x1d: {  	s5 =	simm.s32 @p1 $0x1;
	p0 =	seq.s32 s7, s2  }
0x1e: {  	s7 =	smul.u32 @!p0 $0xF7A, s2;
	p2 =	seq.s32 @!p0 s5, $0x0  }
0x1f: {  	s9 =	smul.u32 $0xF7A, s1;
	s8 =	simm.s32 @!p0 $0x1BF5;
	p2 =	por !p2, p0  }
0x20: {  	[sflag:s8] =	ssyncset.s32 @!p0 $0xFFFFF086;
	s6 =	sadd.s32 @!p0 s3, s7;
	s7 =	simm.s32 @!p0 $0x108  }
0x21: {  	s3 =	sadd.s32 s3, s9;
	s6 =	sadd.s32 @!p0 $0x88, s6;
	s7 =	simm.s32 @p2 $0x1082  }
0x22: {  	[simem:s7], [sflag:s8] =	dma.local @!p0 [hbm:s6], $0xF7A  }
0x23: {  	s9 =	sor.u32 $0xD0000000, s2;
	s6 =	simm.s32 $0x108;
	_ =	swait.ge @!p0 [sflag:s8], $0x0  }
0x24: {  	s3 =	sadd.s32 $0x88, s3;
	s6 =	simm.s32 @!p1 $0x1082;
	[sflag:s4] =	ssyncset.s32 $0xFFFFF086  }
0x25: {  	[simem:s6], [sflag:s4] =	dma.local [hbm:s3], $0xF7A  }
0x26: {  	[smem:$0x3F9B] =	sst s1;
	(tag) =	ssettag s2;
	_ =	strace s9  }
0x27: {  	s1 =	sld [smem:$0x3FAB]  }
0x28: {  	s2 =	sld [smem:$0x3FAC]  }
0x29: {  	s4 =	sld [smem:$0x3FAE]  }
0x2a: {  	p0 =	seq.s32 s5, $0x0;
	s5 =	sld [smem:$0x3FAF]  }
0x2b: {  	s6 =	sld [smem:$0x3FB0]  }
0x2c: {  	s7 =	sld [smem:$0x3FB1]  }
0x2d: {  	s3 =	simm.s32 $0x108;
	s8 =	sld [smem:$0x3FB2]  }
0x2e: {  	s3 =	simm.s32 @!p0 $0x1082;
	s9 =	sld [smem:$0x3FB3]  }
0x2f: {  	lr =	sadd.s32 s0, s3;
	s0 =	sld [smem:$0x3FAA]  }
0x30: {  	s3 =	sld [smem:$0x3FAD]  }
0x31: {  	[smem:$0x3FB6] =	sst s10  }
0x32: {  	s10 =	sld [smem:$0x3FB4];
	_ =	sdelay $0x3  }
0x33: {  	p0 =	seq.s32 s10, $0x1;
	s10 =	sld [smem:$0x3FB6];
	_ =	sdelay $0x3  }
0x34: {  	[smem:$0x3FB6] =	sst s10  }
0x35: {  	s10 =	sld [smem:$0x3FB5];
	_ =	sdelay $0x3  }
0x36: {  	p1 =	seq.s32 s10, $0x1;
	s10 =	sld [smem:$0x3FB6];
	_ =	sdelay $0x3  }
0x37: {  	[smem:$0x3FB6] =	sst s10  }
0x38: {  	s10 =	sld [smem:$0x3FB7]  }
0x39: {  	_ = 	snop;
	(pc) =	sbr.ind lr, $3  }
0x3a: {  	_ = 	snop  }
0x3b: {  	_ = 	snop  }
0x3c: {  	p2 =	seq.s32 s10, $0x1;
	s10 =	sld [smem:$0x3FB6]  }
0x3d: {  	_ =	shalt  }
0x3e: {  	_ =	shalt  }
0x3f: {  	_ =	shalt  }
0x40: {  	_ =	shalt  }
0x41: {  	_ =	shalt  }
0x42: {  	_ =	shalt  }
0x43: {  	_ =	shalt  }
0x44: {  	_ =	shalt  }
0x45: {  	_ =	shalt  }
0x46: {  	_ =	shalt  }
0x47: {  	_ =	shalt  }
0x48: {  	_ =	shalt  }
0x49: {  	_ =	shalt  }
0x4a: {  	_ =	shalt  }
0x4b: {  	_ =	shalt  }
0x4c: {  	_ =	shalt  }
0x4d: {  	_ =	shalt  }
0x4e: {  	_ =	shalt  }
0x4f: {  	_ =	shalt  }
0x50: {  	_ =	shalt  }
0x51: {  	_ =	shalt  }
0x52: {  	_ =	shalt  }
0x53: {  	_ =	shalt  }
0x54: {  	_ =	shalt  }
0x55: {  	_ =	shalt  }
0x56: {  	_ =	shalt  }
0x57: {  	_ =	shalt  }
0x58: {  	_ =	shalt  }
0x59: {  	_ =	shalt  }
0x5a: {  	_ =	shalt  }
0x5b: {  	_ =	shalt  }
0x5c: {  	_ =	shalt  }
0x5d: {  	_ =	shalt  }
0x5e: {  	_ =	shalt  }
0x5f: {  	_ =	shalt  }
0x60: {  	_ =	shalt  }
0x61: {  	_ =	shalt  }
0x62: {  	_ =	shalt  }
0x63: {  	_ =	shalt  }
0x64: {  	_ =	shalt  }
0x65: {  	_ =	shalt  }
0x66: {  	_ =	shalt  }
0x67: {  	_ =	shalt  }
0x68: {  	_ =	shalt  }
0x69: {  	_ =	shalt  }
0x6a: {  	_ =	shalt  }
0x6b: {  	_ =	shalt  }
0x6c: {  	_ =	shalt  }
0x6d: {  	_ =	shalt  }
0x6e: {  	_ =	shalt  }
0x6f: {  	_ =	shalt  }
0x70: {  	_ =	shalt  }
0x71: {  	_ =	shalt  }
0x72: {  	_ =	shalt  }
0x73: {  	_ =	shalt  }
0x74: {  	_ =	shalt  }
0x75: {  	_ =	shalt  }
0x76: {  	_ =	shalt  }
0x77: {  	_ =	shalt  }
0x78: {  	_ =	shalt  }
0x79: {  	_ =	shalt  }
0x7a: {  	_ =	shalt  }
0x7b: {  	_ =	shalt  }
0x7c: {  	_ =	shalt  }
0x7d: {  	_ =	shalt  }
0x7e: {  	_ =	shalt  }
0x7f: {  	_ =	shalt  }
0x80: {  	_ =	shalt  }
0x81: {  	_ =	shalt  }
0x82: {  	_ =	shalt  }
0x83: {  	_ =	shalt  }
0x84: {  	_ =	shalt  }
0x85: {  	_ =	shalt  }
0x86: {  	_ =	shalt  }
0x87: {  	_ =	shalt  }
.Lfunc_end0:
.L_simem_size_0:
called_computation.1_lowered:
.L_overlay_start_0:
0x88: {  	s2 =	sld [smem:$0x3FD9]  }
0x89: {  	s3 =	sld [smem:$0x3FFE];
	_ =	sdelay $0x1  }
0x8a: {  	s1 =	srdreg.scid  }
0x8b: {  	s0 =	sand.u32 $0x1, s1  }
0x8c: {  	s17 =	sshll.u32 s0, $0xA;
	s2 =	sadd.s32 s3, s2  }
0x8d: {  	s2 =	sadd.s32 s2, s17  }
0x8e: {  	[smem:$0x3FC2] =	sst s2  }
0x8f: {  	_ = 	snop  }
0x90: {  	s2 =	sld [smem:$0x3FC4]  }
0x91: {  	s18 =	sld [smem:$0x3FD0];
	(tm) =	ssettm $0x1  }
0x92: {  	s4 =	sld [smem:$0x3FFB];
	_ =	sdelay $0x3  }
0x93: {  	_ =	strace s4  }
0x94: {  	s4 =	sld [smem:$0x3FFC];
	_ =	sdelay $0x3  }
0x95: {  	_ =	strace s4  }
0x96: {  	s4 =	sld [smem:$0x3FFD];
	_ =	sdelay $0x3  }
0x97: {  	_ =	strace s4  }
0x98: {  	_ =	strace $0x8FFFFFFF  }
0x99: {  	s19 =	sld [smem:$0x3FDB];
	_ =	sdelay $0x1  }
0x9a: {  	s5 =	simm.s32 $_scs_section_size  }
0x9b: {  	s6 =	simm.s32 $_size__tile_overlayer_lowered;
	s7 =	simm.s32 $_tile_overlayer_lowered  }
0x9c: {  	s22 =	simm.s32 $0x1BFF;
	s21 =	sshll.u32 s7, $0x1;
	s4 =	sadd.s32 s5, s19  }
0x9d: {  	s8 =	simm.s32 $0x0;
	s20 =	sshll.u32 s6, $0x1;
	s6 =	sadd.s32 s21, s4  }
0x9e: {  	[timem:s8], [sflag:s22] =	dma.local [hbm:s6], s20  }
0x9f: {  	_ =	swait.ge [sflag:s22], s20  }
0xa0: {  	s5 =	ssub.s32 $0x0, s20;
	[sflag:s22] =	ssyncset.done $0x0  }
0xa1: {  	[sflag:s22] =	ssyncadd.s32 s5;
	_ =	sdelay $0x1  }
0xa2: {  	s23 =	simm.s32 $0x1B8B  }
0xa3: {  	_ =	swait.ge [sflag:s23], $0x1  }
0xa4: {  	[sflag:s23] =	ssyncset.done $0x0  }
0xa5: {  	s25 =	simm.s32 $0x1B8E;
	s24 =	sld [smem:$0x3FFE];
	[sflag:s23] =	ssyncadd.s32 $0xFFFFFFFF  }
0xa6: {  	s26 =	simm.s32 $execute0_lowered;
	[smem:$0x3FD2] =	sst s25  }
0xa7: {  	s6 =	sshll.u32 s26, $0x1;
	_ =	strace $0x80000049;
	[dreg:$0x1] =	wrdreg $0xFFFFFFFF  }
0xa8: {  	s28 =	simm.s32 $_size_execute0_lowered;
	s4 =	sadd.s32 s4, s6;
	[dreg:$0x0] =	wrdreg $0x0  }
0xa9: {  	s6 =	sshll.u32 s28, $0x1;
	[dreg:$0x2] =	wrdreg s4  }
0xaa: {  	[dreg:$0x3] =	wrdreg s6  }
0xab: {  	[dreg:$0x4] =	wrdreg $0xC0  }
0xac: {  	_ =	task [dreg:s8], $0x5FFFF  }
0xad: {  	[dreg:$0x1] =	wrdreg $0xFFFFFFFF  }
0xae: {  	[dreg:$0x0] =	wrdreg $0x60  }
0xaf: {  	[dreg:$0x2] =	wrdreg s24  }
0xb0: {  	[dreg:$0x3] =	wrdreg s2  }
0xb1: {  	[dreg:$0x4] =	wrdreg s18  }
0xb2: {  	[dreg:$0x5] =	wrdreg $0x120800  }
0xb3: {  	[dreg:$0x6] =	wrdreg $0x9  }
0xb4: {  	_ =	task.clear_ibuf [dreg:s8], $0x7FFFF;
	_ =	strace $0x90000049  }
0xb5: {  	s29 =	simm.s32 $0x9;
	_ =	strace $0x8000004B  }
0xb6: {  	_ =	swait.ge [sflag:s29], $0x1  }
0xb7: {  	[sflag:s29] =	ssyncadd.s32 $0xFFFFFFFF  }
0xb8: {  	_ =	strace $0x9000004B  }
0xb9: {  	_ =	sfence  }
0xba: {  	s30 =	sld [smem:$0x0];
	_ =	sdelay $0x2  }
0xbb: {  	s31 =	sshll.u32 s1, $0xD;
	s1 =	sshrl.u32 s1, $0x2  }
0xbc: {  	s3 =	sand.u32 $0x4000, s31;
	s1 =	sadd.s32 s1, s30  }
0xbd: {  	s0 =	sor.u32 s3, s0;
	s1 =	sshll.u32 s1, $0x11  }
0xbe: {  	s0 =	sor.u32 s1, s0  }
0xbf: {  	s0 =	sadd.s32 $0x8F2B, s0  }
0xc0: {  	[sflag:s0] =	ssyncadd.remote.s32 $0x1  }
0xc1: {  	_ =	sfence.sel $0xFFFF  }
0xc2: {  	[dreg:$0x0] =	wrdreg $0xFFFFFFFF;
	(pc) =	sbr.abs _section_cstart, $3  }
0xc3: {  	[dreg:$0x1] =	wrdreg $0xFFFFFFFF  }
0xc4: {  	_ =	task.clear_ibuf [dreg:s8], $0x2FFFF;
	_ =	strace $0x9FFFFFFF  }
0xc5: {  	(tm) =	ssettm $0x7FFFFFFF  }
tec
execute0_lowered:
.L_overlay_start_1:
0x0: {  	(tag) =	ssettag $0x1  }
0x1: {  	s0 =	rddreg [dreg:$0x0]  }
0x2: {  	s2 =	rddreg [dreg:$0x1]  }
0x3: {  	s4 =	rddreg [dreg:$0x2];
	s3 =	srdreg.scid  }
0x4: {  	s1 =	rddreg [dreg:$0x3];
	s7 =	simm.s32 $0x0;
	s5 =	sand.u32 $0x1, s3  }
0x5: {  	s29 =	simm.s32 $0xB040;
	s3 =	stileid.u32;
	s6 =	smul.u32 $0x13880, s5  }
0x6: {  	s31 =	simm.s32 $0xBA40;
	s28 =	simm.s32 $0xD840;
	s24 =	smul.u32 $0x9C4, s3  }
0x7: {  	s30 =	simm.s32 $0xE240;
	[smem:$0x7FF] =	sst s7;
	s13 =	smul.u32 $0x280, s3  }
0x8: {  	s8 =	ssub.s32 $0x2, s5;
	_ =	strace $0x8000004A;
	s25 =	smul.u32 $0x28000, s3  }
0x9: {  	s14 =	sshll.u32 s5, $0x3;
	s26 =	sshll.u32 s5, $0x6;
	s12 =	smul.u32 $0x14000, s3  }
0xa: {  	p1 =	seq.s32 s3, $0xF;
	s9 =	sshrl.u32 s8, $0x1;
	s2 =	sadd.s32 s2, s14  }
0xb: {  	s6 =	sadd.s32 s6, s0;
	s0 =	sadd.s32 s24, s0;
	s11 =	ssub.s32 s8, s9  }
0xc: {  	[dreg:$0x7] =	wrdreg s2;
	s5 =	sshrl.u32 s25, $0x2;
	s15 =	sadd.s32 $0x100, s13  }
0xd: {  	s18 =	sadd.s32 $0x180, s13;
	s20 =	sor.u32 s26, s12;
	s24 =	sadd.s32 s14, s4  }
0xe: {  	s25 =	sadd.s32 $0xFFFFDB6F, s13;
	s7 =	sadd.s32 $0xA600, s0;
	s0 =	sadd.s32 $0x800, s0  }
0xf: {  	s8 =	sadd.s32 s5, s1;
	s17 =	sshll.u32 s15, $0x6;
	s10 =	sshll.u32 s18, $0x6  }
0x10: {  	s12 =	sadd.s32 $0x14400, s6;
	s21 =	sshrl.u32 s20, $0x3;
	s22 =	sshll.u32 s15, $0x7  }
0x11: {  	s20 =	simm.s32 $0x5;
	p0 =	sgt.u32 s25, $0x7E;
	[dreg:$0x5] =	wrdreg s7  }
0x12: {  	s25 =	simm.s32 $0x9C40;
	[dreg:$0x6] =	wrdreg s0;
	s7 =	sadd.s32 $0x80, s13  }
0x13: {  	s9 =	sadd.s32 s17, s1;
	s10 =	sadd.s32 s10, s1;
	s6 =	sadd.s32 s4, s21  }
0x14: {  	s21 =	simm.s32 $0xC440;
	s16 =	sshll.u32 s7, $0x6;
	[dreg:$0xb] =	wrdreg s6  }
0x15: {  	s5 =	sshll.u32 s7, $0x7;
	[dreg:$0x9] =	wrdreg s10;
	s2 =	sadd.s32 s16, s1  }
0x16: {  	s16 =	sadd.s32 $0x200, s13;
	s5 =	sor.u32 s26, s5;
	s13 =	simm.s32 $0x0  }
0x17: {  	[dreg:$0x8] =	wrdreg s2;
	s17 =	sshll.u32 s16, $0x6;
	s5 =	sshrl.u32 s5, $0x3  }
0x18: {  	s2 =	sshll.u32 s18, $0x7;
	s23 =	sshll.u32 s16, $0x7;
	s16 =	simm.s32 $0xEC40  }
0x19: {  	s18 =	simm.s32 $0x1;
	s19 =	sadd.s32 s17, s1;
	s5 =	sadd.s32 s4, s5  }
0x1a: {  	s2 =	sor.u32 s26, s2;
	s0 =	sor.u32 s26, s23;
	[dreg:$0xa] =	wrdreg s19  }
0x1b: {  	s23 =	simm.s32 $0x10040;
	s17 =	simm.s32 $0x2;
	[dreg:$0xc] =	wrdreg s5  }
0x1c: {  	s5 =	sor.u32 s26, s22;
	s2 =	sshrl.u32 s2, $0x3;
	s0 =	sshrl.u32 s0, $0x3  }
0x1d: {  	s26 =	smax.u32 s11, $0x1;
	s22 =	simm.s32 $0xCE40;
	s5 =	sshrl.u32 s5, $0x3  }
.Ltmp0:
0x1e: {  	s2 =	sadd.s32 s4, s2;
	[dreg:$0x11] =	wrdreg s26;
	(pc) =	sbr.rel .LBB2_1-.Ltmp0, $4  }
0x1f: {  	s0 =	sadd.s32 s4, s0;
	s26 =	simm.s32 $0xA640;
	[dreg:$0xe] =	wrdreg s2  }
0x20: {  	s5 =	sadd.s32 s4, s5;
	[dreg:$0xf] =	wrdreg s0;
	s0 =	sadd.s32 $0x27000, s24  }
0x21: {  	s24 =	simm.s32 $0x28;
	s2 =	simm.s32 $0x3;
	[dreg:$0xd] =	wrdreg s5  }
0x22: {  	s4 =	simm.s32 $0x4;
	[dreg:$0x10] =	wrdreg s0;
	s0 =	simm.s32 $0xF640  }
.LBB2_6:
0x23: {  	s3 =	rddreg [dreg:$0x10]  }
0x24: {  	[hbm:s3@s5], [sflag:s11] =	dma.strided [spmem:s14@s7], $0x80, s18, $0x8   }
.LBB2_9:
0x25: {  	_ =	swait.ge [sflag:s20], $0x80  }
0x26: {  	[sflag:s20] =	ssyncset.done $0x0  }
0x27: {  	[sflag:s20] =	ssyncadd.s32 $0xFFFFFF80  }
.LBB2_10:
0x28: {  	s13 =	sadd.s32 $0x1, s13;
	s3 =	rddreg [dreg:$0x11]  }
0x29: {  	p2 =	sne.s32 s13, s3  }
.Ltmp1:
0x2a: {  	_ = 	snop;
	(pc) =	sbr.rel @!p2 .LBB2_11-.Ltmp1, $1  }
0x2b: {  	_ =	sdelay $0x3  }
.LBB2_1:
0x2c: {  	s3 =	simm.s32 $0x0;
	s7 =	rddreg [dreg:$0x5]  }
0x2d: {  	[tilespmem:s3], [sflag:$0x5] =	stream.linear.gather [hbm4b:s7+s3], $0x4E20, $0x38;
	[tilespmem:$0x1C080] =	vst v63  }
0x2e: {  	_ =	swait.ge [sflag:s20], $0x4E20  }
0x2f: {  	[sflag:s20] =	ssyncset.done $0x0  }
0x30: {  	s5 =	simm.s32 $0x4E20;
	s14 =	rddreg [dreg:$0x6];
	[sflag:s20] =	ssyncadd.s32 $0xFFFFB1E0  }
0x31: {  	[tilespmem:s5], [sflag:$0x5] =	stream.linear.gather [hbm4b:s14+s3], $0x4E20, $0x38;
	[tilespmem:$0x1C080] =	vst v63  }
0x32: {  	_ =	swait.ge [sflag:s20], $0x4E20  }
0x33: {  	[sflag:s20] =	ssyncset.done $0x0  }
0x34: {  	s19 =	simm.s32 $0x12040;
	s15 =	rddreg [dreg:$0x7];
	[sflag:s20] =	ssyncadd.s32 $0xFFFFB1E0  }
0x35: {  	[tilespmem:s19], [sflag:$0x5] =	stream.linear.gather [hbm4b:s15+s3], $0x40, $0x38;
	[tilespmem:$0x1C080] =	vst v63  }
0x36: {  	_ =	swait.ge [sflag:s20], $0x40  }
0x37: {  	[sflag:s20] =	ssyncset.done $0x0  }
0x38: {  	s14 =	sand.u32 $0x30, s3;
	[sflag:s20] =	ssyncadd.s32 $0xFFFFFFC0  }
0x39: {  	v0 =	vld [tilespmem:s14+$0x12040]  }
0x3a: {  	s11 =	sand.u32 $0x7F00, s3  }
0x3b: {  	s15 =	sshrl.u32 s11, $0x2  }
0x3c: {  	s11 =	simm.s32 $0x40;
	s15 =	sor.u32 s14, s15;
	s14 =	simm.s32 $0x10  }
.LBB2_2:
0x3d: {  	s19 =	sand.u32 $0x30, s14  }
0x3e: {  	p2 =	sne.s32 s11, $0x7FC0;
	[tilespmem:s15+$0x10040] =	vst v0;
	s15 =	smov.u32 s11;
	s11 =	sadd.s32 $0x40, s11  }
.Ltmp2:
0x3f: {  	v0 =	vld [tilespmem:s19+$0x12040];
	(pc) =	sbr.rel @p2 .LBB2_2-.Ltmp2, $4  }
0x40: {  	_ = 	snop  }
0x41: {  	s15 =	sand.u32 $0x7F00, s15  }
0x42: {  	s15 =	sshrl.u32 s15, $0x2  }
0x43: {  	s14 =	sadd.s32 $0x10, s14;
	s15 =	sor.u32 s19, s15  }
0x44: {  	[tilespmem:s15+$0x10040] =	vst v0  }
0x45: {  	[spmem:s8] =	stream.linear.scatter [tilespmem:s23], [sflag:$0x5], $0x2000, $0x38;
	[tilespmem:$0x1C080] =	vst v63  }
0x46: {  	_ =	swait.ge [sflag:s20], $0x2000  }
0x47: {  	[sflag:s20] =	ssyncset.done $0x0  }
0x48: {  	s3 =	rddreg [dreg:$0x8];
	[sflag:s20] =	ssyncadd.s32 $0xFFFFE000  }
0x49: {  	[spmem:s3] =	stream.linear.scatter [tilespmem:s23], [sflag:$0x5], $0x2000, $0x38;
	[tilespmem:$0x1C080] =	vst v63  }
0x4a: {  	_ =	swait.ge [sflag:s20], $0x2000  }
0x4b: {  	[sflag:s20] =	ssyncset.done $0x0  }
0x4c: {  	[sflag:s20] =	ssyncadd.s32 $0xFFFFE000  }
0x4d: {  	[spmem:s9] =	stream.linear.scatter [tilespmem:s23], [sflag:$0x5], $0x2000, $0x38;
	[tilespmem:$0x1C080] =	vst v63  }
0x4e: {  	_ =	swait.ge [sflag:s20], $0x2000  }
0x4f: {  	[sflag:s20] =	ssyncset.done $0x0  }
0x50: {  	[sflag:s20] =	ssyncadd.s32 $0xFFFFE000  }
0x51: {  	[spmem:s10] =	stream.linear.scatter [tilespmem:s23], [sflag:$0x5], $0x2000, $0x38;
	[tilespmem:$0x1C080] =	vst v63  }
0x52: {  	_ =	swait.ge [sflag:s20], $0x2000  }
0x53: {  	[sflag:s20] =	ssyncset.done $0x0  }
0x54: {  	s19 =	rddreg [dreg:$0xa];
	[sflag:s20] =	ssyncadd.s32 $0xFFFFE000  }
0x55: {  	[spmem:s19] =	stream.linear.scatter [tilespmem:s23], [sflag:$0x5], $0x2000, $0x38;
	[tilespmem:$0x1C080] =	vst v63  }
0x56: {  	_ =	swait.ge [sflag:s20], $0x2000  }
0x57: {  	[sflag:s20] =	ssyncset.done $0x0  }
0x58: {  	[sflag:s20] =	ssyncadd.s32 $0xFFFFE000  }
0x59: {  	s11 =	simm.s32 $0x0;
	[bflag:$0x0] =	sbarrier.arrive $0xFFFF  }
0x5a: {  	[tilespmem:s25], [sflag:$0x1] =	stream.indirect.gather [hbm4b:s12+s24], $0x40, s11, s24, $0xb8;
	[tilespmem:$0x1C080] =	vst v63  }
0x5b: {  	_ = 	snop  }
0x5c: {  	[tilespmem:s26], [sflag:$0x1] =	stream.indirect.gather [hbm4b:s12+s24], $0x40, s24, s24, $0xb8;
	[tilespmem:$0x1C080] =	vst v63  }
0x5d: {  	s5 =	simm.s32 $0x50  }
0x5e: {  	[tilespmem:s29], [sflag:$0x1] =	stream.indirect.gather [hbm4b:s12+s24], $0x40, s5, s24, $0xb8;
	[tilespmem:$0x1C080] =	vst v63  }
0x5f: {  	s6 =	simm.s32 $0x78;
	p2 =	por $0x1, $0x1  }
0x60: {  	[tilespmem:s31], [sflag:$0x1] =	stream.indirect.gather [hbm4b:s12+s24], $0x40, s6, s24, $0xb8;
	[tilespmem:$0x1C080] =	vst v63  }
0x61: {  	s7 =	simm.s32 $0xA0;
	s11 =	simm.s32 @!p2 $0x4  }
0x62: {  	[tilespmem:s21], [sflag:$0x1] =	stream.indirect.gather [hbm4b:s12+s24], $0x40, s7, s24, $0xb8;
	[tilespmem:$0x1C080] =	vst v63  }
0x63: {  	_ =	swait.ge @!p2 [sflag:s11], $0xA00  }
0x64: {  	[sflag:s11] =	ssyncset.done @!p2 $0x0  }
0x65: {  	[sflag:s11] =	ssyncadd.s32 @!p2 $0xFFFFF600  }
0x66: {  	_ =	swait.ge @!p2 [sflag:s11], $0xA00  }
0x67: {  	[sflag:s11] =	ssyncset.done @!p2 $0x0  }
0x68: {  	[sflag:s11] =	ssyncadd.s32 @!p2 $0xFFFFF600  }
0x69: {  	_ =	swait.ge @!p2 [sflag:s11], $0xA00  }
0x6a: {  	[sflag:s11] =	ssyncset.done @!p2 $0x0  }
0x6b: {  	[sflag:s11] =	ssyncadd.s32 @!p2 $0xFFFFF600  }
0x6c: {  	_ =	swait.ge @!p2 [sflag:s11], $0xA00  }
0x6d: {  	[sflag:s11] =	ssyncset.done @!p2 $0x0  }
0x6e: {  	[sflag:s11] =	ssyncadd.s32 @!p2 $0xFFFFF600  }
0x6f: {  	_ =	swait.ge @!p2 [sflag:s11], $0xA00  }
0x70: {  	[sflag:s11] =	ssyncset.done @!p2 $0x0  }
0x71: {  	s5 =	smov.u32 s8;
	s8 =	simm.s32 $0xC8;
	[sflag:s11] =	ssyncadd.s32 @!p2 $0xFFFFF600  }
0x72: {  	[tilespmem:s22], [sflag:$0x2] =	stream.indirect.gather [hbm4b:s12+s24], $0x40, s8, s24, $0xb8;
	[tilespmem:$0x1C080] =	vst v63  }
0x73: {  	s6 =	smov.u32 s9;
	s9 =	simm.s32 $0xF0  }
0x74: {  	[tilespmem:s28], [sflag:$0x2] =	stream.indirect.gather [hbm4b:s12+s24], $0x40, s9, s24, $0xb8;
	[tilespmem:$0x1C080] =	vst v63  }
0x75: {  	s10 =	simm.s32 $0x118  }
0x76: {  	[tilespmem:s30], [sflag:$0x2] =	stream.indirect.gather [hbm4b:s12+s24], $0x40, s10, s24, $0xb8;
	[tilespmem:$0x1C080] =	vst v63  }
0x77: {  	s14 =	simm.s32 $0x140  }
0x78: {  	[tilespmem:s16], [sflag:$0x2] =	stream.indirect.gather [hbm4b:s12+s24], $0x40, s14, s24, $0xb8;
	[tilespmem:$0x1C080] =	vst v63  }
0x79: {  	s15 =	simm.s32 $0x168  }
0x7a: {  	[tilespmem:s0], [sflag:$0x2] =	stream.indirect.gather [hbm4b:s12+s24], $0x40, s15, s24, $0xb8;
	[tilespmem:$0x1C080] =	vst v63  }
0x7b: {  	_ =	swait.ge [sflag:s18], $0xA00  }
0x7c: {  	[sflag:s18] =	ssyncset.done $0x0  }
0x7d: {  	s19 =	simm.s32 $0x4E20;
	[sflag:s18] =	ssyncadd.s32 $0xFFFFF600  }
0x7e: {  	[spmem:s1] =	stream.indirect.scatter.add.f32 [tilespmem:s25], [sflag:$0x3], $0x40, s19, s24, $0xb8;
	[tilespmem:$0x1C080] =	vst v63  }
0x7f: {  	_ =	swait.ge [sflag:s18], $0xA00  }
0x80: {  	[sflag:s18] =	ssyncset.done $0x0  }
0x81: {  	s3 =	simm.s32 $0x4E48;
	[sflag:s18] =	ssyncadd.s32 $0xFFFFF600  }
0x82: {  	[spmem:s1] =	stream.indirect.scatter.add.f32 [tilespmem:s26], [sflag:$0x3], $0x40, s3, s24, $0xb8;
	[tilespmem:$0x1C080] =	vst v63  }
0x83: {  	_ =	swait.ge [sflag:s18], $0xA00  }
0x84: {  	[sflag:s18] =	ssyncset.done $0x0  }
0x85: {  	s7 =	simm.s32 $0x4E70;
	[sflag:s18] =	ssyncadd.s32 $0xFFFFF600  }
0x86: {  	[spmem:s1] =	stream.indirect.scatter.add.f32 [tilespmem:s29], [sflag:$0x3], $0x40, s7, s24, $0xb8;
	[tilespmem:$0x1C080] =	vst v63  }
0x87: {  	_ =	swait.ge [sflag:s18], $0xA00  }
0x88: {  	[sflag:s18] =	ssyncset.done $0x0  }
0x89: {  	s8 =	simm.s32 $0x4E98;
	[sflag:s18] =	ssyncadd.s32 $0xFFFFF600  }
0x8a: {  	[spmem:s1] =	stream.indirect.scatter.add.f32 [tilespmem:s31], [sflag:$0x3], $0x40, s8, s24, $0xb8;
	[tilespmem:$0x1C080] =	vst v63  }
0x8b: {  	_ =	swait.ge [sflag:s18], $0xA00  }
0x8c: {  	[sflag:s18] =	ssyncset.done $0x0  }
0x8d: {  	s9 =	simm.s32 $0x4EC0;
	[sflag:s18] =	ssyncadd.s32 $0xFFFFF600  }
0x8e: {  	[spmem:s1] =	stream.indirect.scatter.add.f32 [tilespmem:s21], [sflag:$0x3], $0x40, s9, s24, $0xb8;
	[tilespmem:$0x1C080] =	vst v63  }
0x8f: {  	_ =	swait.ge [sflag:s2], $0xA00  }
0x90: {  	[sflag:s2] =	ssyncset.done $0x0  }
0x91: {  	[sflag:s2] =	ssyncadd.s32 $0xFFFFF600  }
0x92: {  	_ =	swait.ge [sflag:s2], $0xA00  }
0x93: {  	[sflag:s2] =	ssyncset.done $0x0  }
0x94: {  	[sflag:s2] =	ssyncadd.s32 $0xFFFFF600  }
0x95: {  	_ =	swait.ge [sflag:s2], $0xA00  }
0x96: {  	[sflag:s2] =	ssyncset.done $0x0  }
0x97: {  	[sflag:s2] =	ssyncadd.s32 $0xFFFFF600  }
0x98: {  	_ =	swait.ge [sflag:s2], $0xA00  }
0x99: {  	[sflag:s2] =	ssyncset.done $0x0  }
0x9a: {  	[sflag:s2] =	ssyncadd.s32 $0xFFFFF600  }
0x9b: {  	p2 =	por $0x0, $0x0;
	_ =	swait.ge [sflag:s2], $0xA00  }
0x9c: {  	s11 =	simm.s32 @!p2 $0x9C40;
	[sflag:s2] =	ssyncset.done $0x0  }
0x9d: {  	s14 =	simm.s32 @!p2 $0x190;
	s15 =	simm.s32 @!p2 $0x28;
	[sflag:s2] =	ssyncadd.s32 $0xFFFFF600  }
0x9e: {  	[tilespmem:s11], [sflag:$0x1] =	stream.indirect.gather @!p2 [hbm4b:s12+s15], $0x40, s14, s15, $0xb8;
	[tilespmem:$0x1C080] =	vst v63  }
0x9f: {  	s11 =	simm.s32 @!p2 $0x1B8;
	s14 =	simm.s32 @!p2 $0xA640  }
0xa0: {  	[tilespmem:s14], [sflag:$0x1] =	stream.indirect.gather @!p2 [hbm4b:s12+s15], $0x40, s11, s15, $0xb8;
	[tilespmem:$0x1C080] =	vst v63  }
0xa1: {  	s11 =	simm.s32 @!p2 $0x1E0;
	s14 =	simm.s32 @!p2 $0xB040  }
0xa2: {  	[tilespmem:s14], [sflag:$0x1] =	stream.indirect.gather @!p2 [hbm4b:s12+s15], $0x40, s11, s15, $0xb8;
	[tilespmem:$0x1C080] =	vst v63  }
0xa3: {  	s11 =	simm.s32 @!p2 $0x208;
	s14 =	simm.s32 @!p2 $0xBA40  }
0xa4: {  	[tilespmem:s14], [sflag:$0x1] =	stream.indirect.gather @!p2 [hbm4b:s12+s15], $0x40, s11, s15, $0xb8;
	[tilespmem:$0x1C080] =	vst v63  }
0xa5: {  	s11 =	simm.s32 @!p2 $0x230;
	s14 =	simm.s32 @!p2 $0xC440  }
0xa6: {  	[tilespmem:s14], [sflag:$0x1] =	stream.indirect.gather @!p2 [hbm4b:s12+s15], $0x40, s11, s15, $0xb8;
	[tilespmem:$0x1C080] =	vst v63  }
0xa7: {  	_ =	swait.ge [sflag:s17], $0xA00  }
0xa8: {  	[sflag:s17] =	ssyncset.done $0x0  }
0xa9: {  	s10 =	simm.s32 $0x4EE8;
	[sflag:s17] =	ssyncadd.s32 $0xFFFFF600  }
0xaa: {  	[spmem:s1] =	stream.indirect.scatter.add.f32 [tilespmem:s22], [sflag:$0x4], $0x40, s10, s24, $0xb8;
	[tilespmem:$0x1C080] =	vst v63  }
0xab: {  	_ =	swait.ge [sflag:s17], $0xA00  }
0xac: {  	[sflag:s17] =	ssyncset.done $0x0  }
0xad: {  	s14 =	simm.s32 $0x4F10;
	[sflag:s17] =	ssyncadd.s32 $0xFFFFF600  }
0xae: {  	[spmem:s1] =	stream.indirect.scatter.add.f32 [tilespmem:s28], [sflag:$0x4], $0x40, s14, s24, $0xb8;
	[tilespmem:$0x1C080] =	vst v63  }
0xaf: {  	_ =	swait.ge [sflag:s17], $0xA00  }
0xb0: {  	[sflag:s17] =	ssyncset.done $0x0  }
0xb1: {  	s15 =	simm.s32 $0x4F38;
	[sflag:s17] =	ssyncadd.s32 $0xFFFFF600  }
0xb2: {  	[spmem:s1] =	stream.indirect.scatter.add.f32 [tilespmem:s30], [sflag:$0x4], $0x40, s15, s24, $0xb8;
	[tilespmem:$0x1C080] =	vst v63  }
0xb3: {  	_ =	swait.ge [sflag:s17], $0xA00  }
0xb4: {  	[sflag:s17] =	ssyncset.done $0x0  }
0xb5: {  	s19 =	simm.s32 $0x4F60;
	[sflag:s17] =	ssyncadd.s32 $0xFFFFF600  }
0xb6: {  	[spmem:s1] =	stream.indirect.scatter.add.f32 [tilespmem:s16], [sflag:$0x4], $0x40, s19, s24, $0xb8;
	[tilespmem:$0x1C080] =	vst v63  }
0xb7: {  	p3 =	por $0x0, $0x0;
	s14 =	simm.s32 $0x640;
	_ =	swait.ge [sflag:s17], $0xA00  }
0xb8: {  	s15 =	simm.s32 $0xC80;
	s19 =	simm.s32 $0x4F88;
	[sflag:s17] =	ssyncset.done $0x0  }
.LBB2_4:
0xb9: {  	s7 =	simm.s32 @!p3 $0x4  }
0xba: {  	[sflag:s17] =	ssyncadd.s32 $0xFFFFF600;
	s11 =	smov.u32 s15;
	s15 =	sadd.s32 $0x640, s15  }
0xbb: {  	[spmem:s1] =	stream.indirect.scatter.add.f32 [tilespmem:s0], [sflag:$0x4], $0x40, s19, s24, $0xb8;
	[tilespmem:$0x1C080] =	vst v63  }
0xbc: {  	p2 =	seq.s32 s15, $0x13880;
	_ =	swait.ge @!p3 [sflag:s7], $0xA00  }
0xbd: {  	[sflag:s7] =	ssyncset.done @!p3 $0x0  }
0xbe: {  	[sflag:s7] =	ssyncadd.s32 @!p3 $0xFFFFF600  }
0xbf: {  	_ =	swait.ge @!p3 [sflag:s7], $0xA00  }
0xc0: {  	[sflag:s7] =	ssyncset.done @!p3 $0x0  }
0xc1: {  	[sflag:s7] =	ssyncadd.s32 @!p3 $0xFFFFF600  }
0xc2: {  	_ =	swait.ge @!p3 [sflag:s7], $0xA00  }
0xc3: {  	[sflag:s7] =	ssyncset.done @!p3 $0x0  }
0xc4: {  	[sflag:s7] =	ssyncadd.s32 @!p3 $0xFFFFF600  }
0xc5: {  	_ =	swait.ge @!p3 [sflag:s7], $0xA00  }
0xc6: {  	[sflag:s7] =	ssyncset.done @!p3 $0x0  }
0xc7: {  	[sflag:s7] =	ssyncadd.s32 @!p3 $0xFFFFF600  }
0xc8: {  	_ =	swait.ge @!p3 [sflag:s7], $0xA00  }
0xc9: {  	s19 =	sshra.s32 s14, $0x2;
	[sflag:s7] =	ssyncset.done @!p3 $0x0  }
0xca: {  	[sflag:s7] =	ssyncadd.s32 @!p3 $0xFFFFF600;
	s7 =	sadd.s32 $0xC8, s19  }
0xcb: {  	[tilespmem:s22], [sflag:$0x2] =	stream.indirect.gather [hbm4b:s12+s24], $0x40, s7, s24, $0xb8;
	[tilespmem:$0x1C080] =	vst v63  }
0xcc: {  	s7 =	sadd.s32 $0xF0, s19  }
0xcd: {  	[tilespmem:s28], [sflag:$0x2] =	stream.indirect.gather [hbm4b:s12+s24], $0x40, s7, s24, $0xb8;
	[tilespmem:$0x1C080] =	vst v63  }
0xce: {  	s7 =	sadd.s32 $0x118, s19  }
0xcf: {  	[tilespmem:s30], [sflag:$0x2] =	stream.indirect.gather [hbm4b:s12+s24], $0x40, s7, s24, $0xb8;
	[tilespmem:$0x1C080] =	vst v63  }
0xd0: {  	s7 =	sadd.s32 $0x140, s19  }
0xd1: {  	[tilespmem:s16], [sflag:$0x2] =	stream.indirect.gather [hbm4b:s12+s24], $0x40, s7, s24, $0xb8;
	[tilespmem:$0x1C080] =	vst v63  }
0xd2: {  	s7 =	sadd.s32 $0x168, s19  }
0xd3: {  	[tilespmem:s0], [sflag:$0x2] =	stream.indirect.gather [hbm4b:s12+s24], $0x40, s7, s24, $0xb8;
	[tilespmem:$0x1C080] =	vst v63  }
0xd4: {  	_ =	swait.ge [sflag:s18], $0xA00  }
0xd5: {  	[sflag:s18] =	ssyncset.done $0x0  }
0xd6: {  	s7 =	sadd.s32 $0x4E20, s19;
	[sflag:s18] =	ssyncadd.s32 $0xFFFFF600  }
0xd7: {  	[spmem:s1] =	stream.indirect.scatter.add.f32 [tilespmem:s25], [sflag:$0x3], $0x40, s7, s24, $0xb8;
	[tilespmem:$0x1C080] =	vst v63  }
0xd8: {  	_ =	swait.ge [sflag:s18], $0xA00  }
0xd9: {  	[sflag:s18] =	ssyncset.done $0x0  }
0xda: {  	s7 =	sadd.s32 $0x4E48, s19;
	[sflag:s18] =	ssyncadd.s32 $0xFFFFF600  }
0xdb: {  	[spmem:s1] =	stream.indirect.scatter.add.f32 [tilespmem:s26], [sflag:$0x3], $0x40, s7, s24, $0xb8;
	[tilespmem:$0x1C080] =	vst v63  }
0xdc: {  	_ =	swait.ge [sflag:s18], $0xA00  }
0xdd: {  	[sflag:s18] =	ssyncset.done $0x0  }
0xde: {  	s7 =	sadd.s32 $0x4E70, s19;
	[sflag:s18] =	ssyncadd.s32 $0xFFFFF600  }
0xdf: {  	[spmem:s1] =	stream.indirect.scatter.add.f32 [tilespmem:s29], [sflag:$0x3], $0x40, s7, s24, $0xb8;
	[tilespmem:$0x1C080] =	vst v63  }
0xe0: {  	_ =	swait.ge [sflag:s18], $0xA00  }
0xe1: {  	[sflag:s18] =	ssyncset.done $0x0  }
0xe2: {  	s7 =	sadd.s32 $0x4E98, s19;
	[sflag:s18] =	ssyncadd.s32 $0xFFFFF600  }
0xe3: {  	[spmem:s1] =	stream.indirect.scatter.add.f32 [tilespmem:s31], [sflag:$0x3], $0x40, s7, s24, $0xb8;
	[tilespmem:$0x1C080] =	vst v63  }
0xe4: {  	_ =	swait.ge [sflag:s18], $0xA00  }
0xe5: {  	[sflag:s18] =	ssyncset.done $0x0  }
0xe6: {  	s7 =	sadd.s32 $0x4EC0, s19;
	[sflag:s18] =	ssyncadd.s32 $0xFFFFF600  }
0xe7: {  	[spmem:s1] =	stream.indirect.scatter.add.f32 [tilespmem:s21], [sflag:$0x3], $0x40, s7, s24, $0xb8;
	[tilespmem:$0x1C080] =	vst v63  }
0xe8: {  	_ =	swait.ge [sflag:s2], $0xA00  }
0xe9: {  	[sflag:s2] =	ssyncset.done $0x0  }
0xea: {  	[sflag:s2] =	ssyncadd.s32 $0xFFFFF600  }
0xeb: {  	_ =	swait.ge [sflag:s2], $0xA00  }
0xec: {  	[sflag:s2] =	ssyncset.done $0x0  }
0xed: {  	[sflag:s2] =	ssyncadd.s32 $0xFFFFF600  }
0xee: {  	_ =	swait.ge [sflag:s2], $0xA00  }
0xef: {  	[sflag:s2] =	ssyncset.done $0x0  }
0xf0: {  	[sflag:s2] =	ssyncadd.s32 $0xFFFFF600  }
0xf1: {  	_ =	swait.ge [sflag:s2], $0xA00  }
0xf2: {  	[sflag:s2] =	ssyncset.done $0x0  }
0xf3: {  	[sflag:s2] =	ssyncadd.s32 $0xFFFFF600  }
0xf4: {  	p3 =	seq.s32 s14, $0x13240;
	_ =	swait.ge [sflag:s2], $0xA00  }
0xf5: {  	s7 =	sshra.s32 @!p3 s14, $0x2;
	s14 =	simm.s32 @!p3 $0x9C40;
	[sflag:s2] =	ssyncset.done $0x0  }
0xf6: {  	s9 =	simm.s32 @!p3 $0x28;
	s8 =	sadd.s32 @!p3 $0x190, s7;
	[sflag:s2] =	ssyncadd.s32 $0xFFFFF600  }
0xf7: {  	[tilespmem:s14], [sflag:$0x1] =	stream.indirect.gather @!p3 [hbm4b:s12+s9], $0x40, s8, s9, $0xb8;
	[tilespmem:$0x1C080] =	vst v63  }
0xf8: {  	s10 =	sadd.s32 @!p3 $0x1E0, s7;
	s8 =	sadd.s32 @!p3 $0x1B8, s7;
	s14 =	simm.s32 @!p3 $0xA640  }
0xf9: {  	[tilespmem:s14], [sflag:$0x1] =	stream.indirect.gather @!p3 [hbm4b:s12+s9], $0x40, s8, s9, $0xb8;
	[tilespmem:$0x1C080] =	vst v63  }
0xfa: {  	s3 =	sadd.s32 @!p3 $0x208, s7;
	s7 =	sadd.s32 @!p3 $0x230, s7;
	s8 =	simm.s32 @!p3 $0xB040  }
0xfb: {  	[tilespmem:s8], [sflag:$0x1] =	stream.indirect.gather @!p3 [hbm4b:s12+s9], $0x40, s10, s9, $0xb8;
	[tilespmem:$0x1C080] =	vst v63  }
0xfc: {  	s14 =	smov.u32 s11;
	s8 =	simm.s32 @!p3 $0xBA40  }
0xfd: {  	[tilespmem:s8], [sflag:$0x1] =	stream.indirect.gather @!p3 [hbm4b:s12+s9], $0x40, s3, s9, $0xb8;
	[tilespmem:$0x1C080] =	vst v63  }
0xfe: {  	s3 =	simm.s32 @!p3 $0xC440  }
0xff: {  	[tilespmem:s3], [sflag:$0x1] =	stream.indirect.gather @!p3 [hbm4b:s12+s9], $0x40, s7, s9, $0xb8;
	[tilespmem:$0x1C080] =	vst v63  }
0x100: {  	_ =	swait.ge [sflag:s17], $0xA00  }
0x101: {  	[sflag:s17] =	ssyncset.done $0x0  }
0x102: {  	s3 =	sadd.s32 $0x4EE8, s19;
	[sflag:s17] =	ssyncadd.s32 $0xFFFFF600  }
0x103: {  	[spmem:s1] =	stream.indirect.scatter.add.f32 [tilespmem:s22], [sflag:$0x4], $0x40, s3, s24, $0xb8;
	[tilespmem:$0x1C080] =	vst v63  }
0x104: {  	_ =	swait.ge [sflag:s17], $0xA00  }
0x105: {  	[sflag:s17] =	ssyncset.done $0x0  }
0x106: {  	s3 =	sadd.s32 $0x4F10, s19;
	[sflag:s17] =	ssyncadd.s32 $0xFFFFF600  }
0x107: {  	[spmem:s1] =	stream.indirect.scatter.add.f32 [tilespmem:s28], [sflag:$0x4], $0x40, s3, s24, $0xb8;
	[tilespmem:$0x1C080] =	vst v63  }
0x108: {  	_ =	swait.ge [sflag:s17], $0xA00  }
0x109: {  	[sflag:s17] =	ssyncset.done $0x0  }
0x10a: {  	s3 =	sadd.s32 $0x4F38, s19;
	[sflag:s17] =	ssyncadd.s32 $0xFFFFF600  }
0x10b: {  	[spmem:s1] =	stream.indirect.scatter.add.f32 [tilespmem:s30], [sflag:$0x4], $0x40, s3, s24, $0xb8;
	[tilespmem:$0x1C080] =	vst v63  }
0x10c: {  	_ =	swait.ge [sflag:s17], $0xA00  }
.Ltmp3:
0x10d: {  	[sflag:s17] =	ssyncset.done $0x0;
	(pc) =	sbr.rel @!p2 .LBB2_4-.Ltmp3, $4  }
0x10e: {  	s3 =	sadd.s32 $0x4F60, s19;
	[sflag:s17] =	ssyncadd.s32 $0xFFFFF600  }
0x10f: {  	[spmem:s1] =	stream.indirect.scatter.add.f32 [tilespmem:s16], [sflag:$0x4], $0x40, s3, s24, $0xb8;
	[tilespmem:$0x1C080] =	vst v63  }
0x110: {  	_ =	swait.ge [sflag:s17], $0xA00  }
0x111: {  	p3 =	seq.s32 s14, $0x0;
	s19 =	sadd.s32 $0x4F88, s19;
	[sflag:s17] =	ssyncset.done $0x0  }
0x112: {  	s3 =	simm.s32 @!p3 $0x4;
	[sflag:s17] =	ssyncadd.s32 $0xFFFFF600  }
0x113: {  	[spmem:s1] =	stream.indirect.scatter.add.f32 [tilespmem:s0], [sflag:$0x4], $0x40, s19, s24, $0xb8;
	[tilespmem:$0x1C080] =	vst v63  }
0x114: {  	_ =	swait.ge @!p3 [sflag:s3], $0xA00  }
0x115: {  	[sflag:s3] =	ssyncset.done @!p3 $0x0  }
0x116: {  	[sflag:s3] =	ssyncadd.s32 @!p3 $0xFFFFF600  }
0x117: {  	_ =	swait.ge @!p3 [sflag:s3], $0xA00  }
0x118: {  	[sflag:s3] =	ssyncset.done @!p3 $0x0  }
0x119: {  	[sflag:s3] =	ssyncadd.s32 @!p3 $0xFFFFF600  }
0x11a: {  	_ =	swait.ge @!p3 [sflag:s3], $0xA00  }
0x11b: {  	[sflag:s3] =	ssyncset.done @!p3 $0x0  }
0x11c: {  	[sflag:s3] =	ssyncadd.s32 @!p3 $0xFFFFF600  }
0x11d: {  	_ =	swait.ge @!p3 [sflag:s3], $0xA00  }
0x11e: {  	[sflag:s3] =	ssyncset.done @!p3 $0x0  }
0x11f: {  	[sflag:s3] =	ssyncadd.s32 @!p3 $0xFFFFF600  }
0x120: {  	_ =	swait.ge @!p3 [sflag:s3], $0xA00  }
0x121: {  	s11 =	sshra.s32 s14, $0x2;
	[sflag:s3] =	ssyncset.done @!p3 $0x0  }
0x122: {  	s19 =	sadd.s32 $0xC8, s11;
	[sflag:s3] =	ssyncadd.s32 @!p3 $0xFFFFF600  }
0x123: {  	[tilespmem:s22], [sflag:$0x2] =	stream.indirect.gather [hbm4b:s12+s24], $0x40, s19, s24, $0xb8;
	[tilespmem:$0x1C080] =	vst v63  }
0x124: {  	s7 =	sadd.s32 $0xF0, s11  }
0x125: {  	[tilespmem:s28], [sflag:$0x2] =	stream.indirect.gather [hbm4b:s12+s24], $0x40, s7, s24, $0xb8;
	[tilespmem:$0x1C080] =	vst v63  }
0x126: {  	s8 =	sadd.s32 $0x118, s11  }
0x127: {  	[tilespmem:s30], [sflag:$0x2] =	stream.indirect.gather [hbm4b:s12+s24], $0x40, s8, s24, $0xb8;
	[tilespmem:$0x1C080] =	vst v63  }
0x128: {  	s9 =	sadd.s32 $0x140, s11  }
0x129: {  	[tilespmem:s16], [sflag:$0x2] =	stream.indirect.gather [hbm4b:s12+s24], $0x40, s9, s24, $0xb8;
	[tilespmem:$0x1C080] =	vst v63  }
0x12a: {  	s10 =	sadd.s32 $0x168, s11  }
0x12b: {  	[tilespmem:s0], [sflag:$0x2] =	stream.indirect.gather [hbm4b:s12+s24], $0x40, s10, s24, $0xb8;
	[tilespmem:$0x1C080] =	vst v63  }
0x12c: {  	_ =	swait.ge [sflag:s18], $0xA00  }
0x12d: {  	[sflag:s18] =	ssyncset.done $0x0  }
0x12e: {  	s15 =	sadd.s32 $0x4E20, s11;
	[sflag:s18] =	ssyncadd.s32 $0xFFFFF600  }
0x12f: {  	[spmem:s1] =	stream.indirect.scatter.add.f32 [tilespmem:s25], [sflag:$0x3], $0x40, s15, s24, $0xb8;
	[tilespmem:$0x1C080] =	vst v63  }
0x130: {  	_ =	swait.ge [sflag:s18], $0xA00  }
0x131: {  	[sflag:s18] =	ssyncset.done $0x0  }
0x132: {  	s19 =	sadd.s32 $0x4E48, s11;
	[sflag:s18] =	ssyncadd.s32 $0xFFFFF600  }
0x133: {  	[spmem:s1] =	stream.indirect.scatter.add.f32 [tilespmem:s26], [sflag:$0x3], $0x40, s19, s24, $0xb8;
	[tilespmem:$0x1C080] =	vst v63  }
0x134: {  	_ =	swait.ge [sflag:s18], $0xA00  }
0x135: {  	[sflag:s18] =	ssyncset.done $0x0  }
0x136: {  	s7 =	sadd.s32 $0x4E70, s11;
	[sflag:s18] =	ssyncadd.s32 $0xFFFFF600  }
0x137: {  	[spmem:s1] =	stream.indirect.scatter.add.f32 [tilespmem:s29], [sflag:$0x3], $0x40, s7, s24, $0xb8;
	[tilespmem:$0x1C080] =	vst v63  }
0x138: {  	_ =	swait.ge [sflag:s18], $0xA00  }
0x139: {  	[sflag:s18] =	ssyncset.done $0x0  }
0x13a: {  	s8 =	sadd.s32 $0x4E98, s11;
	[sflag:s18] =	ssyncadd.s32 $0xFFFFF600  }
0x13b: {  	[spmem:s1] =	stream.indirect.scatter.add.f32 [tilespmem:s31], [sflag:$0x3], $0x40, s8, s24, $0xb8;
	[tilespmem:$0x1C080] =	vst v63  }
0x13c: {  	_ =	swait.ge [sflag:s18], $0xA00  }
0x13d: {  	[sflag:s18] =	ssyncset.done $0x0  }
0x13e: {  	s9 =	sadd.s32 $0x4EC0, s11;
	[sflag:s18] =	ssyncadd.s32 $0xFFFFF600  }
0x13f: {  	[spmem:s1] =	stream.indirect.scatter.add.f32 [tilespmem:s21], [sflag:$0x3], $0x40, s9, s24, $0xb8;
	[tilespmem:$0x1C080] =	vst v63  }
0x140: {  	_ =	swait.ge [sflag:s2], $0xA00  }
0x141: {  	[sflag:s2] =	ssyncset.done $0x0  }
0x142: {  	[sflag:s2] =	ssyncadd.s32 $0xFFFFF600  }
0x143: {  	_ =	swait.ge [sflag:s2], $0xA00  }
0x144: {  	[sflag:s2] =	ssyncset.done $0x0  }
0x145: {  	[sflag:s2] =	ssyncadd.s32 $0xFFFFF600  }
0x146: {  	_ =	swait.ge [sflag:s2], $0xA00  }
0x147: {  	[sflag:s2] =	ssyncset.done $0x0  }
0x148: {  	[sflag:s2] =	ssyncadd.s32 $0xFFFFF600  }
0x149: {  	_ =	swait.ge [sflag:s2], $0xA00  }
0x14a: {  	[sflag:s2] =	ssyncset.done $0x0  }
0x14b: {  	[sflag:s2] =	ssyncadd.s32 $0xFFFFF600  }
0x14c: {  	p2 =	seq.s32 s14, $0x13240;
	_ =	swait.ge [sflag:s2], $0xA00  }
0x14d: {  	s3 =	sshra.s32 @!p2 s14, $0x2;
	s7 =	simm.s32 @!p2 $0x9C40;
	[sflag:s2] =	ssyncset.done $0x0  }
0x14e: {  	s8 =	sadd.s32 @!p2 $0x190, s3;
	s9 =	simm.s32 @!p2 $0x28;
	[sflag:s2] =	ssyncadd.s32 $0xFFFFF600  }
0x14f: {  	[tilespmem:s7], [sflag:$0x1] =	stream.indirect.gather @!p2 [hbm4b:s12+s9], $0x40, s8, s9, $0xb8;
	[tilespmem:$0x1C080] =	vst v63  }
0x150: {  	s7 =	sadd.s32 @!p2 $0x1B8, s3;
	s8 =	simm.s32 @!p2 $0xA640  }
0x151: {  	[tilespmem:s8], [sflag:$0x1] =	stream.indirect.gather @!p2 [hbm4b:s12+s9], $0x40, s7, s9, $0xb8;
	[tilespmem:$0x1C080] =	vst v63  }
0x152: {  	s7 =	sadd.s32 @!p2 $0x1E0, s3;
	s8 =	simm.s32 @!p2 $0xB040  }
0x153: {  	[tilespmem:s8], [sflag:$0x1] =	stream.indirect.gather @!p2 [hbm4b:s12+s9], $0x40, s7, s9, $0xb8;
	[tilespmem:$0x1C080] =	vst v63  }
0x154: {  	s7 =	sadd.s32 @!p2 $0x208, s3;
	s8 =	simm.s32 @!p2 $0xBA40  }
0x155: {  	[tilespmem:s8], [sflag:$0x1] =	stream.indirect.gather @!p2 [hbm4b:s12+s9], $0x40, s7, s9, $0xb8;
	[tilespmem:$0x1C080] =	vst v63  }
0x156: {  	s3 =	sadd.s32 @!p2 $0x230, s3;
	s7 =	simm.s32 @!p2 $0xC440  }
0x157: {  	[tilespmem:s7], [sflag:$0x1] =	stream.indirect.gather @!p2 [hbm4b:s12+s9], $0x40, s3, s9, $0xb8;
	[tilespmem:$0x1C080] =	vst v63  }
0x158: {  	_ =	swait.ge [sflag:s17], $0xA00  }
0x159: {  	[sflag:s17] =	ssyncset.done $0x0  }
0x15a: {  	s10 =	sadd.s32 $0x4EE8, s11;
	[sflag:s17] =	ssyncadd.s32 $0xFFFFF600  }
0x15b: {  	[spmem:s1] =	stream.indirect.scatter.add.f32 [tilespmem:s22], [sflag:$0x4], $0x40, s10, s24, $0xb8;
	[tilespmem:$0x1C080] =	vst v63  }
0x15c: {  	_ =	swait.ge [sflag:s17], $0xA00  }
0x15d: {  	[sflag:s17] =	ssyncset.done $0x0  }
0x15e: {  	s14 =	sadd.s32 $0x4F10, s11;
	[sflag:s17] =	ssyncadd.s32 $0xFFFFF600  }
0x15f: {  	[spmem:s1] =	stream.indirect.scatter.add.f32 [tilespmem:s28], [sflag:$0x4], $0x40, s14, s24, $0xb8;
	[tilespmem:$0x1C080] =	vst v63  }
0x160: {  	_ =	swait.ge [sflag:s17], $0xA00  }
0x161: {  	[sflag:s17] =	ssyncset.done $0x0  }
0x162: {  	s15 =	sadd.s32 $0x4F38, s11;
	[sflag:s17] =	ssyncadd.s32 $0xFFFFF600  }
0x163: {  	[spmem:s1] =	stream.indirect.scatter.add.f32 [tilespmem:s30], [sflag:$0x4], $0x40, s15, s24, $0xb8;
	[tilespmem:$0x1C080] =	vst v63  }
0x164: {  	_ =	swait.ge [sflag:s17], $0xA00  }
0x165: {  	[sflag:s17] =	ssyncset.done $0x0  }
0x166: {  	s19 =	sadd.s32 $0x4F60, s11;
	[sflag:s17] =	ssyncadd.s32 $0xFFFFF600  }
0x167: {  	[spmem:s1] =	stream.indirect.scatter.add.f32 [tilespmem:s16], [sflag:$0x4], $0x40, s19, s24, $0xb8;
	[tilespmem:$0x1C080] =	vst v63  }
0x168: {  	_ =	swait.ge [sflag:s17], $0xA00  }
0x169: {  	[sflag:s17] =	ssyncset.done $0x0  }
0x16a: {  	s7 =	sadd.s32 $0x4F88, s11;
	[sflag:s17] =	ssyncadd.s32 $0xFFFFF600  }
0x16b: {  	[spmem:s1] =	stream.indirect.scatter.add.f32 [tilespmem:s0], [sflag:$0x4], $0x40, s7, s24, $0xb8;
	[tilespmem:$0x1C080] =	vst v63  }
0x16c: {  	_ =	swait.ge [sflag:s4], $0xA00  }
0x16d: {  	[sflag:s4] =	ssyncset.done $0x0  }
0x16e: {  	[sflag:s4] =	ssyncadd.s32 $0xFFFFF600  }
0x16f: {  	_ =	swait.ge [sflag:s4], $0xA00  }
0x170: {  	[sflag:s4] =	ssyncset.done $0x0  }
0x171: {  	[sflag:s4] =	ssyncadd.s32 $0xFFFFF600  }
0x172: {  	_ =	swait.ge [sflag:s4], $0xA00  }
0x173: {  	[sflag:s4] =	ssyncset.done $0x0  }
0x174: {  	[sflag:s4] =	ssyncadd.s32 $0xFFFFF600  }
0x175: {  	_ =	swait.ge [sflag:s4], $0xA00  }
0x176: {  	[sflag:s4] =	ssyncset.done $0x0  }
0x177: {  	[sflag:s4] =	ssyncadd.s32 $0xFFFFF600  }
0x178: {  	_ =	swait.ge [sflag:s4], $0xA00  }
0x179: {  	s8 =	stileid.u32;
	[sflag:s4] =	ssyncset.done $0x0  }
0x17a: {  	s9 =	sshll.u32 s8, $0x6;
	s8 =	smov.u32 s5;
	[sflag:s4] =	ssyncadd.s32 $0xFFFFF600  }
0x17b: {  	s11 =	sor.u32 $0x1C05, s9;
	s10 =	sshrl.u32 s5, $0x3;
	[bflag:$0x0] =	sbarrier.arrive $0xFFFF  }
0x17c: {  	s5 =	simm.s32 $0x10;
	s7 =	simm.s32 $0x8;
	s15 =	rddreg [dreg:$0xb]  }
0x17d: {  	[hbm:s15@s5], [sflag:s11] =	dma.strided [spmem:s10@s7], $0x400, s18, $0x8   }
0x17e: {  	_ =	swait.ge [sflag:s20], $0x400  }
0x17f: {  	[sflag:s20] =	ssyncset.done $0x0;
	s19 =	rddreg [dreg:$0x8]  }
0x180: {  	s10 =	rddreg [dreg:$0xc];
	[sflag:s20] =	ssyncadd.s32 $0xFFFFFC00;
	s9 =	sshrl.u32 s19, $0x3  }
0x181: {  	[hbm:s10@s5], [sflag:s11] =	dma.strided [spmem:s9@s7], $0x400, s18, $0x8   }
0x182: {  	_ =	swait.ge [sflag:s20], $0x400  }
0x183: {  	s15 =	sshrl.u32 s6, $0x3;
	[sflag:s20] =	ssyncset.done $0x0  }
.Ltmp4:
0x184: {  	s19 =	rddreg [dreg:$0xd];
	[sflag:s20] =	ssyncadd.s32 $0xFFFFFC00;
	(pc) =	sbr.rel @p1 .LBB2_6-.Ltmp4, $4  }
0x185: {  	[hbm:s19@s5], [sflag:s11] =	dma.strided [spmem:s15@s7], $0x400, s18, $0x8   }
0x186: {  	_ =	swait.ge [sflag:s20], $0x400  }
0x187: {  	[sflag:s20] =	ssyncset.done $0x0;
	s10 =	rddreg [dreg:$0x9]  }
0x188: {  	s9 =	smov.u32 s6;
	[sflag:s20] =	ssyncadd.s32 $0xFFFFFC00;
	s14 =	sshrl.u32 s10, $0x3  }
0x189: {  	s3 =	rddreg [dreg:$0xe]  }
0x18a: {  	[hbm:s3@s5], [sflag:s11] =	dma.strided [spmem:s14@s7], $0x400, s18, $0x8   }
0x18b: {  	_ =	swait.ge [sflag:s20], $0x400  }
0x18c: {  	s15 =	rddreg [dreg:$0xa]  }
0x18d: {  	[sflag:s20] =	ssyncset.done $0x0;
	s19 =	rddreg [dreg:$0xf]  }
.Ltmp5:
0x18e: {  	[sflag:s20] =	ssyncadd.s32 $0xFFFFFC00;
	s14 =	sshrl.u32 s15, $0x3;
	(pc) =	sbr.rel @p0 .LBB2_10-.Ltmp5, $4  }
0x18f: {  	[hbm:s19@s5], [sflag:s11] =	dma.strided [spmem:s14@s7], $0x400, s18, $0x8   }
0x190: {  	_ =	swait.ge [sflag:s20], $0x400  }
0x191: {  	[sflag:s20] =	ssyncset.done $0x0  }
0x192: {  	[sflag:s20] =	ssyncadd.s32 $0xFFFFFC00  }
.Ltmp6:
0x193: {  	(pc) =	sbr.rel .LBB2_9-.Ltmp6, $3  }
0x194: {  	_ =	sdelay $0x1  }
0x195: {  	s3 =	rddreg [dreg:$0xf]  }
0x196: {  	[hbm:s3@s5], [sflag:s11] =	dma.strided [spmem:s14@s7], $0x80, s18, $0x8   }
.LBB2_11:
0x197: {  	_ =	sfence.sel $0x180000  }
0x198: {  	[bflag:$0x0] =	sbarrier.arrive $0xFFFF  }
0x199: {  	_ =	strace $0x9000004A  }
0x19a: {  	s0 =	stileid.u32;
	[bflag:$0x2] =	sbarrier.arrive $0xFFFF  }
0x19b: {  	p0 =	sne.s32 s0, $0x0;
	s0 =	rddreg [dreg:$0x4]  }
0x19c: {  	s0 =	sadd.s32 @!p0 $0x100000, s0  }
0x19d: {  	[sflag:s0] =	ssyncadd.tile.s32 @!p0 $0x1;
	_ =	shalt  }
.Lfunc_end2:
_tile_overlayer_lowered:
.L_overlay_start_2:
0x19e: {  	(tag) =	ssettag $0x2  }
0x19f: {  	s0 =	rddreg [dreg:$0x0];
	s2 =	stileid.u32  }
0x1a0: {  	s1 =	rddreg [dreg:$0x1];
	p0 =	sne.s32 s2, $0x0  }
0x1a1: {  	s3 =	rddreg [dreg:$0x2];
	[bflag:$0x3] =	sbarrier.arrive $0xFFFF;
	s2 =	simm.s32 @!p0 $0x1C05  }
0x1a2: {  	[timem:s3], [sflag:s2] =	dma.local @!p0 [hbm:s0], s1  }
0x1a3: {  	s0 =	simm.s32 @!p0 $0x5  }
0x1a4: {  	_ =	swait.ge @!p0 [sflag:s0], s1  }
0x1a5: {  	s1 =	ssub.s32 @!p0 $0x0, s1;
	[sflag:s0] =	ssyncset.done @!p0 $0x0  }
0x1a6: {  	[sflag:s0] =	ssyncadd.s32 @!p0 s1  }
0x1a7: {  	[bflag:$0x3] =	sbarrier.arrive $0xFFFF  }
0x1a8: {  	_ =	shalt  }

</sc_bundles>
